<compile_context>
chip_gen: v7x
topology: tpu7x:2x2x1
jax: 0.10.2.dev20260603
libtpu: 0.0.44.dev20260713+nightly
codegen_flags: <defaults>
</compile_context>

<pallas_src>
import functools

import numpy as np
import jax
import jax.numpy as jnp
from jax import lax
from jax.experimental import pallas as pl
from jax.experimental.pallas import tpu as pltpu
from jax.experimental.pallas import tpu_sc as plsc

DEG = 3
NCP = 64
NSEG = NCP - DEG
L = 16

_KNOT_N = np.float32(NSEG - 1) / np.float32(NSEG)
_CLOSE_THR = np.float32(1e-5 + 1e-5 * float(_KNOT_N))

_RCP_COMBOS = ((1, 0), (1, -1), (2, 0), (1, -2), (2, -1), (3, 0))
_RCP_BASE = 72


def _build_table():
    ks = np.clip(np.arange(72) - 2, 0, NSEG).astype(np.float64) / NSEG
    tab = [ks.astype(np.float32)]
    ci = lambda i: np.clip(np.arange(64) + i, 0, NSEG)
    for hi, lo in _RCP_COMBOS:
        d = np.maximum(ci(hi) - ci(lo), 1)
        tab.append((np.float32(NSEG) / d.astype(np.float32)).astype(np.float32))
    return np.concatenate(tab)


_TABLE = _build_table()


def _f(v):
    return jnp.full((L,), v, dtype=jnp.float32)


def _i(v):
    return jnp.full((L,), v, dtype=jnp.int32)


def _span(u):
    g = (u * _f(NSEG)).astype(jnp.int32)
    g = jnp.minimum(jnp.maximum(g, _i(0)), _i(NSEG - 1))
    close = jnp.abs(u - _f(_KNOT_N)) <= _f(_CLOSE_THR)
    return jnp.where(close, _i(NCP - 1 - DEG), g)


def _basis(u, g, tab_gather):
    tf = {j: tab_gather(g + _i(j + 2)) for j in (-2, -1, 0, 1, 2, 3)}
    rc = {c: tab_gather(g + _i(_RCP_BASE + k * 64))
          for k, c in enumerate(_RCP_COMBOS)}
    left = {j: u - tf[1 - j] for j in (1, 2, 3)}
    right = {j: tf[j] - u for j in (1, 2, 3)}

    r10 = rc[(1, 0)]
    ndu01 = right[1] * r10
    ndu11 = left[1] * r10
    tmp = ndu01 * rc[(1, -1)]
    ndu02 = right[1] * tmp
    saved = left[2] * tmp
    tmp = ndu11 * rc[(2, 0)]
    ndu12 = saved + right[2] * tmp
    ndu22 = left[1] * tmp
    p0 = ndu02 * rc[(1, -2)]
    b0 = right[1] * p0
    saved = left[3] * p0
    p1 = ndu12 * rc[(2, -1)]
    b1 = saved + right[2] * p1
    saved = left[2] * p1
    p2 = ndu22 * rc[(3, 0)]
    b2 = saved + right[3] * p2
    b3 = left[1] * p2
    deg = _f(float(DEG))
    d0 = -(deg * p0)
    d1 = deg * (p0 - p1)
    d2 = deg * (p1 - p2)
    d3 = deg * p2
    return (b0, b1, b2, b3), (d0, d1, d2, d3)


def _rsqrt(x):
    i = jax.lax.bitcast_convert_type(x, jnp.int32)
    i = _i(0x5F3759DF) - jax.lax.shift_right_logical(i, _i(1))
    y = jax.lax.bitcast_convert_type(i, jnp.float32)
    half = x * _f(0.5)
    for _ in range(2):
        y = y * (_f(1.5) - half * y * y)
    return y


def _make_sc_call(n_eval):
    info = plsc.get_sparse_core_info()
    nw = info.num_cores * info.num_subcores
    per_tile = n_eval // nw
    ncp2 = NCP * NCP
    ntab = _TABLE.shape[0]

    mesh = plsc.VectorSubcoreMesh(core_axis_name="c", subcore_axis_name="s")

    @functools.partial(
        pl.kernel,
        out_type=(
            jax.ShapeDtypeStruct((4 * n_eval,), jnp.float32),
            jax.ShapeDtypeStruct((3 * n_eval,), jnp.float32),
        ),
        mesh=mesh,
        compiler_params=pltpu.CompilerParams(needs_layout_passes=False),
        scratch_types=[
            pltpu.VMEM((per_tile,), jnp.float32),
            pltpu.VMEM((per_tile,), jnp.float32),
            pltpu.VMEM((3 * ncp2,), jnp.float32),
            pltpu.VMEM((ntab,), jnp.float32),
            [pltpu.VMEM((per_tile,), jnp.float32) for _ in range(4)],
            [pltpu.VMEM((per_tile,), jnp.float32) for _ in range(3)],
            pltpu.SemaphoreType.DMA,
        ],
    )
    def nurbs_sc(x_hbm, y_hbm, cp_hbm, tab_hbm, outs_hbm, outn_hbm,
                 x_v, y_v, cp_v, tab_v, os_v, on_v, sem):
        wid = lax.axis_index("s") * info.num_cores + lax.axis_index("c")
        base = wid * per_tile
        copies = [
            pltpu.async_copy(x_hbm.at[pl.ds(base, per_tile)], x_v, sem),
            pltpu.async_copy(y_hbm.at[pl.ds(base, per_tile)], y_v, sem),
            pltpu.async_copy(cp_hbm.at[pl.ds(0, 3 * ncp2)], cp_v, sem),
            pltpu.async_copy(tab_hbm.at[pl.ds(0, ntab)], tab_v, sem),
        ]
        for cp in copies:
            cp.wait()

        @plsc.parallel_loop(0, per_tile, step=L, unroll=5)
        def body(off):
            u = x_v[pl.ds(off, L)]
            v = y_v[pl.ds(off, L)]
            gx = _span(u)
            gy = _span(v)
            tab_gather = lambda idx: plsc.load_gather(tab_v, [idx])
            (bx0, bx1) = _basis(u, gx, tab_gather)
            (by0, by1) = _basis(v, gy, tab_gather)
            flat3 = (gx * _i(3 * NCP)) + (gy * _i(3))

            surf = [None, None, None]
            du = [None, None, None]
            dv = [None, None, None]
            for s4 in range(4):
                ts = [None, None, None]
                td = [None, None, None]
                for r4 in range(4):
                    idx = flat3 + _i(3 * (r4 * NCP + s4))
                    for c in range(3):
                        g = plsc.load_gather(cp_v, [idx + _i(c)])
                        if r4 == 0:
                            ts[c] = bx0[r4] * g
                            td[c] = bx1[r4] * g
                        else:
                            ts[c] = ts[c] + bx0[r4] * g
                            td[c] = td[c] + bx1[r4] * g
                for c in range(3):
                    if s4 == 0:
                        surf[c] = by0[s4] * ts[c]
                        du[c] = by0[s4] * td[c]
                        dv[c] = by1[s4] * ts[c]
                    else:
                        surf[c] = surf[c] + by0[s4] * ts[c]
                        du[c] = du[c] + by0[s4] * td[c]
                        dv[c] = dv[c] + by1[s4] * ts[c]

            w = (((bx0[0] + bx0[1]) + (bx0[2] + bx0[3]))
                 * ((by0[0] + by0[1]) + (by0[2] + by0[3])))

            nx = du[1] * dv[2] - du[2] * dv[1]
            ny = du[2] * dv[0] - du[0] * dv[2]
            nz = du[0] * dv[1] - du[1] * dv[0]
            rn = _rsqrt(nx * nx + ny * ny + nz * nz)

            os_v[0][pl.ds(off, L)] = surf[0]
            os_v[1][pl.ds(off, L)] = surf[1]
            os_v[2][pl.ds(off, L)] = surf[2]
            os_v[3][pl.ds(off, L)] = w
            on_v[0][pl.ds(off, L)] = nx * rn
            on_v[1][pl.ds(off, L)] = ny * rn
            on_v[2][pl.ds(off, L)] = nz * rn

        out_copies = [
            pltpu.async_copy(os_v[c], outs_hbm.at[pl.ds(c * n_eval + base, per_tile)], sem)
            for c in range(4)
        ] + [
            pltpu.async_copy(on_v[c], outn_hbm.at[pl.ds(c * n_eval + base, per_tile)], sem)
            for c in range(3)
        ]
        for cp in out_copies:
            cp.wait()

    return nurbs_sc


def kernel(evaluation_points_x, evaluation_points_y, control_points):
    n_eval = evaluation_points_x.shape[0]
    cp_flat = control_points.reshape(-1)
    sc = _make_sc_call(n_eval)
    out_s, out_n = sc(evaluation_points_x, evaluation_points_y, cp_flat,
                      jnp.asarray(_TABLE))
    return (out_s.reshape(4, n_eval).T, out_n.reshape(3, n_eval).T)

# --- scband reference (transcript-rebuilt; emitter-appended) ---
"""Pipeline reference for scband-nurbssurface-19722489823360 (READ-ONLY COPY).

The authoritative reference and input builder live on the scoring server;
editing this copy changes nothing except your own understanding.
"""

import jax, jax.numpy as jnp
import numpy as np

DEGREE_X = 3
DEGREE_Y = 3
N_EVAL = 262144
N_CP = 64

def calculate_knots(num_cp, degree):
    m = num_cp + degree + 1
    knots = np.zeros(m, dtype=np.float32)
    knots[degree:m - degree] = np.linspace(0.0, 1.0, m - 2 * degree, dtype=np.float32)
    knots[m - degree:] = 1.0
    return jnp.asarray(knots)

def find_span(degree, evaluation_points, knot_vector, n):
    # vectorized equivalent of the per-point binary search: largest i with knot[i] <= u < knot[i+1],
    # clamped to the valid span range [degree, n]; isclose(u, knot[n]) override as in the torch code
    spans = jnp.clip(jnp.searchsorted(knot_vector, evaluation_points, side='right') - 1, degree, n)
    spans = jnp.where(jnp.isclose(evaluation_points, knot_vector[n], atol=1e-05, rtol=1e-05), n, spans)
    return spans

def basis_function_and_derivatives(evaluation_points, knot_vector, span, degree, nth_derivative=1):
    num_pts = evaluation_points.shape[0]
    ndu = [[jnp.zeros(num_pts) for _ in range(degree + 1)] for _ in range(degree + 1)]
    ndu[0][0] = jnp.ones(num_pts)
    left = [jnp.zeros(num_pts) for _ in range(degree + 1)]
    right = [jnp.zeros(num_pts) for _ in range(degree + 1)]
    for j in range(1, degree + 1):
        left[j] = evaluation_points - jnp.take(knot_vector, span + 1 - j)
        right[j] = jnp.take(knot_vector, span + j) - evaluation_points
        saved = jnp.zeros(num_pts)
        for r in range(j):
            ndu[j][r] = right[r + 1] + left[j - r]
            tmp = ndu[r][j - 1] / ndu[j][r]
            ndu[r][j] = saved + right[r + 1] * tmp
            saved = left[j - r] * tmp
        ndu[j][j] = saved
    derivatives = [[jnp.zeros(num_pts) for _ in range(degree + 1)] for _ in range(nth_derivative + 1)]
    for j in range(degree + 1):
        derivatives[0][j] = ndu[j][degree]
    a = [[jnp.zeros(num_pts) for _ in range(degree + 1)] for _ in range(2)]
    for r in range(degree + 1):
        s1 = 0
        s2 = 1
        a[0][0] = jnp.ones(num_pts)
        for k in range(1, nth_derivative + 1):
            d = jnp.zeros(num_pts)
            rk = r - k
            pk = degree - k
            if r >= k:
                a[s2][0] = a[s1][0] / ndu[pk + 1][rk]
                d = a[s2][0] * ndu[rk][pk]
            if rk >= -1:
                j1 = 1
            else:
                j1 = -rk
            if r - 1 <= pk:
                j2 = k - 1
            else:
                j2 = degree - r
            for j in range(j1, j2 + 1):
                a[s2][j] = (a[s1][j] - a[s1][j - 1]) / ndu[pk + 1][rk + j]
                d = d + a[s2][j] * ndu[rk + j][pk]
            if r <= pk:
                a[s2][k] = -a[s1][k - 1] / ndu[pk + 1][r]
                d = d + a[s2][k] * ndu[r][pk]
            derivatives[k][r] = d
            j = s1
            s1 = s2
            s2 = j
    rr = degree
    for k in range(1, nth_derivative + 1):
        for j in range(degree + 1):
            derivatives[k][j] = derivatives[k][j] * rr
        rr = rr * (degree - k)
    return derivatives

def _forward(evaluation_points_x, evaluation_points_y, control_points):
    degree_x = DEGREE_X
    degree_y = DEGREE_Y
    nth_derivative = 1
    num_pts = evaluation_points_x.shape[0]
    ncx = control_points.shape[0]
    ncy = control_points.shape[1]
    knot_vector_x = calculate_knots(ncx, degree_x)
    knot_vector_y = calculate_knots(ncy, degree_y)
    # original find_span uses control_points.shape[1] for both directions (square grid here)
    n = ncy - 1
    span_x = find_span(degree_x, evaluation_points_x, knot_vector_x, n)
    span_y = find_span(degree_y, evaluation_points_y, knot_vector_y, n)
    cp = jnp.concatenate([control_points, jnp.ones((ncx, ncy, 1), dtype=control_points.dtype)], axis=-1)
    bx = basis_function_and_derivatives(evaluation_points_x, knot_vector_x, span_x, degree_x, nth_derivative)
    by = basis_function_and_derivatives(evaluation_points_y, knot_vector_y, span_y, degree_y, nth_derivative)
    derivatives = jnp.zeros((num_pts, nth_derivative + 1, nth_derivative + 1, cp.shape[-1]))
    for k in range(nth_derivative + 1):
        for l in range(nth_derivative - k + 1):
            temp = [jnp.zeros((num_pts, cp.shape[-1])) for _ in range(degree_y + 1)]
            for s in range(degree_y + 1):
                for r in range(degree_x + 1):
                    gathered = cp[span_x - degree_x + r, span_y - degree_y + s]
                    temp[s] = temp[s] + bx[k][r][:, None] * gathered
            acc = jnp.zeros((num_pts, cp.shape[-1]))
            for s in range(degree_y + 1):
                acc = acc + by[l][s][:, None] * temp[s]
            derivatives = derivatives.at[:, k, l].set(acc)
    normals = jnp.cross(derivatives[:, 1, 0, :3], derivatives[:, 0, 1, :3])
    normals = normals / jnp.linalg.norm(normals, axis=1, keepdims=True)
    surface_points = derivatives[:, 0, 0]
    return surface_points, normals

def setup_inputs(seed: int = 0) -> dict:
    key = jax.random.key(seed)
    k1, k2, k3 = jax.random.split(key, 3)
    evaluation_points_x = jax.random.uniform(k1, (N_EVAL,), dtype=jnp.float32)
    evaluation_points_y = jax.random.uniform(k2, (N_EVAL,), dtype=jnp.float32)
    control_points = jax.random.normal(k3, (N_CP, N_CP, 3), dtype=jnp.float32)
    return {'evaluation_points_x': evaluation_points_x, 'evaluation_points_y': evaluation_points_y, 'control_points': control_points}

def reference(evaluation_points_x, evaluation_points_y, control_points):
    return _forward(evaluation_points_x, evaluation_points_y, control_points)

if __name__ == "__main__":
    import jax
    _d = setup_inputs()
    print(jax.jit(kernel)(*tuple(_d.values())))

</pallas_src>

<mosaic_0001>
#map = affine_map<(d0, d1) -> (0)>
module attributes {stable_mosaic.version = 14 : i64} {
  func.func @nurbs_sc(%arg0: i32, %arg1: i32, %arg2: memref<262144xf32, #tpu.memory_space<hbm>>, %arg3: memref<262144xf32, #tpu.memory_space<hbm>>, %arg4: memref<12288xf32, #tpu.memory_space<hbm>>, %arg5: memref<456xf32, #tpu.memory_space<hbm>>, %arg6: memref<1048576xf32, #tpu.memory_space<hbm>>, %arg7: memref<786432xf32, #tpu.memory_space<hbm>>, %arg8: memref<8192xf32, #tpu.memory_space<vmem>>, %arg9: memref<8192xf32, #tpu.memory_space<vmem>>, %arg10: memref<12288xf32, #tpu.memory_space<vmem>>, %arg11: memref<456xf32, #tpu.memory_space<vmem>>, %arg12: memref<8192xf32, #tpu.memory_space<vmem>>, %arg13: memref<8192xf32, #tpu.memory_space<vmem>>, %arg14: memref<8192xf32, #tpu.memory_space<vmem>>, %arg15: memref<8192xf32, #tpu.memory_space<vmem>>, %arg16: memref<8192xf32, #tpu.memory_space<vmem>>, %arg17: memref<8192xf32, #tpu.memory_space<vmem>>, %arg18: memref<8192xf32, #tpu.memory_space<vmem>>, %arg19: memref<!tpu.dma_semaphore, #tpu.memory_space<semaphore_mem>>) attributes {dimension_semantics = [#tpu.dimension_semantics<core_parallel>, #tpu.dimension_semantics<subcore_parallel>], iteration_bounds = array<i64: 2, 16>, scalar_prefetch = 0 : i64, scratch_operands = 12 : i64, tpu.core_type = #tpu.core_type<sc_vector_subcore>, window_params = [{transform_indices = #map}, {transform_indices = #map}, {transform_indices = #map}, {transform_indices = #map}, {transform_indices = #map}, {transform_indices = #map}]} {
    %mul3A = arith.constant 2 : i32
    %mul3A_0 = arith.muli %arg1, %mul3A : i32
    %add3A = arith.addi %mul3A_0, %arg0 : i32
    %mul3A_1 = arith.constant 8192 : i32
    %mul3A_2 = arith.muli %add3A, %mul3A_1 : i32
    %dma_start3A = tpu.memref_slice %arg2[%mul3A_2] : memref<262144xf32, #tpu.memory_space<hbm>> -> memref<8192xf32, #tpu.memory_space<hbm>>
    %dma_start3A_3 = tpu.memref_slice %arg2[%mul3A_2] : memref<262144xf32, #tpu.memory_space<hbm>> -> memref<8192xf32, #tpu.memory_space<hbm>>
    tpu.enqueue_dma source(%dma_start3A_3 : memref<8192xf32, #tpu.memory_space<hbm>>) target(%arg8 : memref<8192xf32, #tpu.memory_space<vmem>>) target_semaphore(%arg19 : memref<!tpu.dma_semaphore, #tpu.memory_space<semaphore_mem>>)
    %dma_start3A_4 = tpu.memref_slice %arg3[%mul3A_2] : memref<262144xf32, #tpu.memory_space<hbm>> -> memref<8192xf32, #tpu.memory_space<hbm>>
    %dma_start3A_5 = tpu.memref_slice %arg3[%mul3A_2] : memref<262144xf32, #tpu.memory_space<hbm>> -> memref<8192xf32, #tpu.memory_space<hbm>>
    tpu.enqueue_dma source(%dma_start3A_5 : memref<8192xf32, #tpu.memory_space<hbm>>) target(%arg9 : memref<8192xf32, #tpu.memory_space<vmem>>) target_semaphore(%arg19 : memref<!tpu.dma_semaphore, #tpu.memory_space<semaphore_mem>>)
    %dma_start3A_6 = arith.constant 0 : i32
    %dma_start3A_7 = tpu.memref_slice %arg4[%dma_start3A_6] : memref<12288xf32, #tpu.memory_space<hbm>> -> memref<12288xf32, #tpu.memory_space<hbm>>
    %dma_start3A_8 = arith.constant 0 : i32
    %dma_start3A_9 = tpu.memref_slice %arg4[%dma_start3A_8] : memref<12288xf32, #tpu.memory_space<hbm>> -> memref<12288xf32, #tpu.memory_space<hbm>>
    tpu.enqueue_dma source(%dma_start3A_9 : memref<12288xf32, #tpu.memory_space<hbm>>) target(%arg10 : memref<12288xf32, #tpu.memory_space<vmem>>) target_semaphore(%arg19 : memref<!tpu.dma_semaphore, #tpu.memory_space<semaphore_mem>>)
    %dma_start3A_10 = arith.constant 0 : i32
    %dma_start3A_11 = tpu.memref_slice %arg5[%dma_start3A_10] : memref<456xf32, #tpu.memory_space<hbm>> -> memref<456xf32, #tpu.memory_space<hbm>>
    %dma_start3A_12 = arith.constant 0 : i32
    %dma_start3A_13 = tpu.memref_slice %arg5[%dma_start3A_12] : memref<456xf32, #tpu.memory_space<hbm>> -> memref<456xf32, #tpu.memory_space<hbm>>
    tpu.enqueue_dma source(%dma_start3A_13 : memref<456xf32, #tpu.memory_space<hbm>>) target(%arg11 : memref<456xf32, #tpu.memory_space<vmem>>) target_semaphore(%arg19 : memref<!tpu.dma_semaphore, #tpu.memory_space<semaphore_mem>>)
    %dma_wait3A = tpu.memref_slice %arg2[%mul3A_2] : memref<262144xf32, #tpu.memory_space<hbm>> -> memref<8192xf32, #tpu.memory_space<hbm>>
    %dma_wait3A_14 = tpu.memref_slice %arg2[%mul3A_2] : memref<262144xf32, #tpu.memory_space<hbm>> -> memref<8192xf32, #tpu.memory_space<hbm>>
    tpu.wait_dma2 semaphore(%arg19 : memref<!tpu.dma_semaphore, #tpu.memory_space<semaphore_mem>>) src(%dma_wait3A_14 : memref<8192xf32, #tpu.memory_space<hbm>>) dst(%arg8 : memref<8192xf32, #tpu.memory_space<vmem>>)
    %dma_wait3A_15 = tpu.memref_slice %arg3[%mul3A_2] : memref<262144xf32, #tpu.memory_space<hbm>> -> memref<8192xf32, #tpu.memory_space<hbm>>
    %dma_wait3A_16 = tpu.memref_slice %arg3[%mul3A_2] : memref<262144xf32, #tpu.memory_space<hbm>> -> memref<8192xf32, #tpu.memory_space<hbm>>
    tpu.wait_dma2 semaphore(%arg19 : memref<!tpu.dma_semaphore, #tpu.memory_space<semaphore_mem>>) src(%dma_wait3A_16 : memref<8192xf32, #tpu.memory_space<hbm>>) dst(%arg9 : memref<8192xf32, #tpu.memory_space<vmem>>)
    %dma_wait3A_17 = arith.constant 0 : i32
    %dma_wait3A_18 = tpu.memref_slice %arg4[%dma_wait3A_17] : memref<12288xf32, #tpu.memory_space<hbm>> -> memref<12288xf32, #tpu.memory_space<hbm>>
    %dma_wait3A_19 = arith.constant 0 : i32
    %dma_wait3A_20 = tpu.memref_slice %arg4[%dma_wait3A_19] : memref<12288xf32, #tpu.memory_space<hbm>> -> memref<12288xf32, #tpu.memory_space<hbm>>
    tpu.wait_dma2 semaphore(%arg19 : memref<!tpu.dma_semaphore, #tpu.memory_space<semaphore_mem>>) src(%dma_wait3A_20 : memref<12288xf32, #tpu.memory_space<hbm>>) dst(%arg10 : memref<12288xf32, #tpu.memory_space<vmem>>)
    %dma_wait3A_21 = arith.constant 0 : i32
    %dma_wait3A_22 = tpu.memref_slice %arg5[%dma_wait3A_21] : memref<456xf32, #tpu.memory_space<hbm>> -> memref<456xf32, #tpu.memory_space<hbm>>
    %dma_wait3A_23 = arith.constant 0 : i32
    %dma_wait3A_24 = tpu.memref_slice %arg5[%dma_wait3A_23] : memref<456xf32, #tpu.memory_space<hbm>> -> memref<456xf32, #tpu.memory_space<hbm>>
    tpu.wait_dma2 semaphore(%arg19 : memref<!tpu.dma_semaphore, #tpu.memory_space<semaphore_mem>>) src(%dma_wait3A_24 : memref<456xf32, #tpu.memory_space<hbm>>) dst(%arg11 : memref<456xf32, #tpu.memory_space<vmem>>)
    %parallel_loop3A = arith.constant 0 : i32
    %parallel_loop3A_25 = arith.constant 8192 : i32
    %parallel_loop3A_26 = arith.constant 16 : i32
    scf.for %parallel_loop3A_69 = %parallel_loop3A to %parallel_loop3A_25 step %parallel_loop3A_26  : i32 {
      %parallel_loop3A_70 = arith.index_cast %parallel_loop3A_69 : i32 to index
      %parallel_loop3A_71 = tpu.vector_load %arg8[%parallel_loop3A_70] {strides = array<i32>} : memref<8192xf32, #tpu.memory_space<vmem>>, vector<16xf32>,
      %parallel_loop3A_72 = arith.index_cast %parallel_loop3A_69 : i32 to index
      %parallel_loop3A_73 = tpu.vector_load %arg9[%parallel_loop3A_72] {strides = array<i32>} : memref<8192xf32, #tpu.memory_space<vmem>>, vector<16xf32>,
      %parallel_loop3A_74 = arith.constant 6.100000e+01 : f32
      %parallel_loop3A_75 = vector.broadcast %parallel_loop3A_74 : f32 to vector<16xf32>
      %parallel_loop3A_76 = arith.mulf %parallel_loop3A_71, %parallel_loop3A_75 : vector<16xf32>
      %parallel_loop3A_77 = arith.fptosi %parallel_loop3A_76 : vector<16xf32> to vector<16xi32>
      %parallel_loop3A_78 = arith.constant 0 : i32
      %parallel_loop3A_79 = vector.broadcast %parallel_loop3A_78 : i32 to vector<16xi32>
      %parallel_loop3A_80 = arith.maxsi %parallel_loop3A_77, %parallel_loop3A_79 : vector<16xi32>
      %parallel_loop3A_81 = arith.constant 60 : i32
      %parallel_loop3A_82 = vector.broadcast %parallel_loop3A_81 : i32 to vector<16xi32>
      %parallel_loop3A_83 = arith.minsi %parallel_loop3A_80, %parallel_loop3A_82 : vector<16xi32>
      %parallel_loop3A_84 = arith.constant 0.983606576 : f32
      %parallel_loop3A_85 = vector.broadcast %parallel_loop3A_84 : f32 to vector<16xf32>
      %parallel_loop3A_86 = arith.subf %parallel_loop3A_71, %parallel_loop3A_85 : vector<16xf32>
      %parallel_loop3A_87 = math.absf %parallel_loop3A_86 : vector<16xf32>
      %parallel_loop3A_88 = arith.constant 1.98360649E-5 : f32
      %parallel_loop3A_89 = vector.broadcast %parallel_loop3A_88 : f32 to vector<16xf32>
      %parallel_loop3A_90 = arith.cmpf ole, %parallel_loop3A_87, %parallel_loop3A_89 : vector<16xf32>
      %parallel_loop3A_91 = arith.constant 60 : i32
      %parallel_loop3A_92 = vector.broadcast %parallel_loop3A_91 : i32 to vector<16xi32>
      %parallel_loop3A_93 = arith.select %parallel_loop3A_90, %parallel_loop3A_92, %parallel_loop3A_83 : vector<16xi1>, vector<16xi32>
      %parallel_loop3A_94 = arith.constant 6.100000e+01 : f32
      %parallel_loop3A_95 = vector.broadcast %parallel_loop3A_94 : f32 to vector<16xf32>
      %parallel_loop3A_96 = arith.mulf %parallel_loop3A_73, %parallel_loop3A_95 : vector<16xf32>
      %parallel_loop3A_97 = arith.fptosi %parallel_loop3A_96 : vector<16xf32> to vector<16xi32>
      %parallel_loop3A_98 = arith.constant 0 : i32
      %parallel_loop3A_99 = vector.broadcast %parallel_loop3A_98 : i32 to vector<16xi32>
      %parallel_loop3A_100 = arith.maxsi %parallel_loop3A_97, %parallel_loop3A_99 : vector<16xi32>
      %parallel_loop3A_101 = arith.constant 60 : i32
      %parallel_loop3A_102 = vector.broadcast %parallel_loop3A_101 : i32 to vector<16xi32>
      %parallel_loop3A_103 = arith.minsi %parallel_loop3A_100, %parallel_loop3A_102 : vector<16xi32>
      %parallel_loop3A_104 = arith.constant 0.983606576 : f32
      %parallel_loop3A_105 = vector.broadcast %parallel_loop3A_104 : f32 to vector<16xf32>
      %parallel_loop3A_106 = arith.subf %parallel_loop3A_73, %parallel_loop3A_105 : vector<16xf32>
      %parallel_loop3A_107 = math.absf %parallel_loop3A_106 : vector<16xf32>
      %parallel_loop3A_108 = arith.constant 1.98360649E-5 : f32
      %parallel_loop3A_109 = vector.broadcast %parallel_loop3A_108 : f32 to vector<16xf32>
      %parallel_loop3A_110 = arith.cmpf ole, %parallel_loop3A_107, %parallel_loop3A_109 : vector<16xf32>
      %parallel_loop3A_111 = arith.constant 60 : i32
      %parallel_loop3A_112 = vector.broadcast %parallel_loop3A_111 : i32 to vector<16xi32>
      %parallel_loop3A_113 = arith.select %parallel_loop3A_110, %parallel_loop3A_112, %parallel_loop3A_103 : vector<16xi1>, vector<16xi32>
      %parallel_loop3A_114 = arith.constant 0 : i32
      %parallel_loop3A_115 = vector.broadcast %parallel_loop3A_114 : i32 to vector<16xi32>
      %parallel_loop3A_116 = arith.addi %parallel_loop3A_93, %parallel_loop3A_115 : vector<16xi32>
      %parallel_loop3A_117 = tpu.vector_load_idx %arg11[%parallel_loop3A_116] : memref<456xf32, #tpu.memory_space<vmem>>[vector<16xi32>], vector<16xf32>,
      %parallel_loop3A_118 = arith.constant 1 : i32
      %parallel_loop3A_119 = vector.broadcast %parallel_loop3A_118 : i32 to vector<16xi32>
      %parallel_loop3A_120 = arith.addi %parallel_loop3A_93, %parallel_loop3A_119 : vector<16xi32>
      %parallel_loop3A_121 = tpu.vector_load_idx %arg11[%parallel_loop3A_120] : memref<456xf32, #tpu.memory_space<vmem>>[vector<16xi32>], vector<16xf32>,
      %parallel_loop3A_122 = arith.constant 2 : i32
      %parallel_loop3A_123 = vector.broadcast %parallel_loop3A_122 : i32 to vector<16xi32>
      %parallel_loop3A_124 = arith.addi %parallel_loop3A_93, %parallel_loop3A_123 : vector<16xi32>
      %parallel_loop3A_125 = tpu.vector_load_idx %arg11[%parallel_loop3A_124] : memref<456xf32, #tpu.memory_space<vmem>>[vector<16xi32>], vector<16xf32>,
      %parallel_loop3A_126 = arith.constant 3 : i32
      %parallel_loop3A_127 = vector.broadcast %parallel_loop3A_126 : i32 to vector<16xi32>
      %parallel_loop3A_128 = arith.addi %parallel_loop3A_93, %parallel_loop3A_127 : vector<16xi32>
      %parallel_loop3A_129 = tpu.vector_load_idx %arg11[%parallel_loop3A_128] : memref<456xf32, #tpu.memory_space<vmem>>[vector<16xi32>], vector<16xf32>,
      %parallel_loop3A_130 = arith.constant 4 : i32
      %parallel_loop3A_131 = vector.broadcast %parallel_loop3A_130 : i32 to vector<16xi32>
      %parallel_loop3A_132 = arith.addi %parallel_loop3A_93, %parallel_loop3A_131 : vector<16xi32>
      %parallel_loop3A_133 = tpu.vector_load_idx %arg11[%parallel_loop3A_132] : memref<456xf32, #tpu.memory_space<vmem>>[vector<16xi32>], vector<16xf32>,
      %parallel_loop3A_134 = arith.constant 5 : i32
      %parallel_loop3A_135 = vector.broadcast %parallel_loop3A_134 : i32 to vector<16xi32>
      %parallel_loop3A_136 = arith.addi %parallel_loop3A_93, %parallel_loop3A_135 : vector<16xi32>
      %parallel_loop3A_137 = tpu.vector_load_idx %arg11[%parallel_loop3A_136] : memref<456xf32, #tpu.memory_space<vmem>>[vector<16xi32>], vector<16xf32>,
      %parallel_loop3A_138 = arith.constant 72 : i32
      %parallel_loop3A_139 = vector.broadcast %parallel_loop3A_138 : i32 to vector<16xi32>
      %parallel_loop3A_140 = arith.addi %parallel_loop3A_93, %parallel_loop3A_139 : vector<16xi32>
      %parallel_loop3A_141 = tpu.vector_load_idx %arg11[%parallel_loop3A_140] : memref<456xf32, #tpu.memory_space<vmem>>[vector<16xi32>], vector<16xf32>,
      %parallel_loop3A_142 = arith.constant 136 : i32
      %parallel_loop3A_143 = vector.broadcast %parallel_loop3A_142 : i32 to vector<16xi32>
      %parallel_loop3A_144 = arith.addi %parallel_loop3A_93, %parallel_loop3A_143 : vector<16xi32>
      %parallel_loop3A_145 = tpu.vector_load_idx %arg11[%parallel_loop3A_144] : memref<456xf32, #tpu.memory_space<vmem>>[vector<16xi32>], vector<16xf32>,
      %parallel_loop3A_146 = arith.constant 200 : i32
      %parallel_loop3A_147 = vector.broadcast %parallel_loop3A_146 : i32 to vector<16xi32>
      %parallel_loop3A_148 = arith.addi %parallel_loop3A_93, %parallel_loop3A_147 : vector<16xi32>
      %parallel_loop3A_149 = tpu.vector_load_idx %arg11[%parallel_loop3A_148] : memref<456xf32, #tpu.memory_space<vmem>>[vector<16xi32>], vector<16xf32>,
      %parallel_loop3A_150 = arith.constant 264 : i32
      %parallel_loop3A_151 = vector.broadcast %parallel_loop3A_150 : i32 to vector<16xi32>
      %parallel_loop3A_152 = arith.addi %parallel_loop3A_93, %parallel_loop3A_151 : vector<16xi32>
      %parallel_loop3A_153 = tpu.vector_load_idx %arg11[%parallel_loop3A_152] : memref<456xf32, #tpu.memory_space<vmem>>[vector<16xi32>], vector<16xf32>,
      %parallel_loop3A_154 = arith.constant 328 : i32
      %parallel_loop3A_155 = vector.broadcast %parallel_loop3A_154 : i32 to vector<16xi32>
      %parallel_loop3A_156 = arith.addi %parallel_loop3A_93, %parallel_loop3A_155 : vector<16xi32>
      %parallel_loop3A_157 = tpu.vector_load_idx %arg11[%parallel_loop3A_156] : memref<456xf32, #tpu.memory_space<vmem>>[vector<16xi32>], vector<16xf32>,
      %parallel_loop3A_158 = arith.constant 392 : i32
      %parallel_loop3A_159 = vector.broadcast %parallel_loop3A_158 : i32 to vector<16xi32>
      %parallel_loop3A_160 = arith.addi %parallel_loop3A_93, %parallel_loop3A_159 : vector<16xi32>
      %parallel_loop3A_161 = tpu.vector_load_idx %arg11[%parallel_loop3A_160] : memref<456xf32, #tpu.memory_space<vmem>>[vector<16xi32>], vector<16xf32>,
      %parallel_loop3A_162 = arith.subf %parallel_loop3A_71, %parallel_loop3A_125 : vector<16xf32>
      %parallel_loop3A_163 = arith.subf %parallel_loop3A_71, %parallel_loop3A_121 : vector<16xf32>
      %parallel_loop3A_164 = arith.subf %parallel_loop3A_71, %parallel_loop3A_117 : vector<16xf32>
      %parallel_loop3A_165 = arith.subf %parallel_loop3A_129, %parallel_loop3A_71 : vector<16xf32>
      %parallel_loop3A_166 = arith.subf %parallel_loop3A_133, %parallel_loop3A_71 : vector<16xf32>
      %parallel_loop3A_167 = arith.subf %parallel_loop3A_137, %parallel_loop3A_71 : vector<16xf32>
      %parallel_loop3A_168 = arith.mulf %parallel_loop3A_165, %parallel_loop3A_141 : vector<16xf32>
      %parallel_loop3A_169 = arith.mulf %parallel_loop3A_162, %parallel_loop3A_141 : vector<16xf32>
      %parallel_loop3A_170 = arith.mulf %parallel_loop3A_168, %parallel_loop3A_145 : vector<16xf32>
      %parallel_loop3A_171 = arith.mulf %parallel_loop3A_165, %parallel_loop3A_170 : vector<16xf32>
      %parallel_loop3A_172 = arith.mulf %parallel_loop3A_163, %parallel_loop3A_170 : vector<16xf32>
      %parallel_loop3A_173 = arith.mulf %parallel_loop3A_169, %parallel_loop3A_149 : vector<16xf32>
      %parallel_loop3A_174 = arith.mulf %parallel_loop3A_166, %parallel_loop3A_173 : vector<16xf32>
      %parallel_loop3A_175 = arith.addf %parallel_loop3A_172, %parallel_loop3A_174 : vector<16xf32>
      %parallel_loop3A_176 = arith.mulf %parallel_loop3A_162, %parallel_loop3A_173 : vector<16xf32>
      %parallel_loop3A_177 = arith.mulf %parallel_loop3A_171, %parallel_loop3A_153 : vector<16xf32>
      %parallel_loop3A_178 = arith.mulf %parallel_loop3A_165, %parallel_loop3A_177 : vector<16xf32>
      %parallel_loop3A_179 = arith.mulf %parallel_loop3A_164, %parallel_loop3A_177 : vector<16xf32>
      %parallel_loop3A_180 = arith.mulf %parallel_loop3A_175, %parallel_loop3A_157 : vector<16xf32>
      %parallel_loop3A_181 = arith.mulf %parallel_loop3A_166, %parallel_loop3A_180 : vector<16xf32>
      %parallel_loop3A_182 = arith.addf %parallel_loop3A_179, %parallel_loop3A_181 : vector<16xf32>
      %parallel_loop3A_183 = arith.mulf %parallel_loop3A_163, %parallel_loop3A_180 : vector<16xf32>
      %parallel_loop3A_184 = arith.mulf %parallel_loop3A_176, %parallel_loop3A_161 : vector<16xf32>
      %parallel_loop3A_185 = arith.mulf %parallel_loop3A_167, %parallel_loop3A_184 : vector<16xf32>
      %parallel_loop3A_186 = arith.addf %parallel_loop3A_183, %parallel_loop3A_185 : vector<16xf32>
      %parallel_loop3A_187 = arith.mulf %parallel_loop3A_162, %parallel_loop3A_184 : vector<16xf32>
      %parallel_loop3A_188 = arith.constant 3.000000e+00 : f32
      %parallel_loop3A_189 = vector.broadcast %parallel_loop3A_188 : f32 to vector<16xf32>
      %parallel_loop3A_190 = arith.mulf %parallel_loop3A_189, %parallel_loop3A_177 : vector<16xf32>
      %parallel_loop3A_191 = arith.constant 0.000000e+00 : f32
      %parallel_loop3A_192 = vector.broadcast %parallel_loop3A_191 : f32 to vector<16xf32>
      %parallel_loop3A_193 = arith.subf %parallel_loop3A_192, %parallel_loop3A_190 : vector<16xf32>
      %parallel_loop3A_194 = arith.subf %parallel_loop3A_177, %parallel_loop3A_180 : vector<16xf32>
      %parallel_loop3A_195 = arith.mulf %parallel_loop3A_189, %parallel_loop3A_194 : vector<16xf32>
      %parallel_loop3A_196 = arith.subf %parallel_loop3A_180, %parallel_loop3A_184 : vector<16xf32>
      %parallel_loop3A_197 = arith.mulf %parallel_loop3A_189, %parallel_loop3A_196 : vector<16xf32>
      %parallel_loop3A_198 = arith.mulf %parallel_loop3A_189, %parallel_loop3A_184 : vector<16xf32>
      %parallel_loop3A_199 = arith.constant 0 : i32
      %parallel_loop3A_200 = vector.broadcast %parallel_loop3A_199 : i32 to vector<16xi32>
      %parallel_loop3A_201 = arith.addi %parallel_loop3A_113, %parallel_loop3A_200 : vector<16xi32>
      %parallel_loop3A_202 = tpu.vector_load_idx %arg11[%parallel_loop3A_201] : memref<456xf32, #tpu.memory_space<vmem>>[vector<16xi32>], vector<16xf32>,
      %parallel_loop3A_203 = arith.constant 1 : i32
      %parallel_loop3A_204 = vector.broadcast %parallel_loop3A_203 : i32 to vector<16xi32>
      %parallel_loop3A_205 = arith.addi %parallel_loop3A_113, %parallel_loop3A_204 : vector<16xi32>
      %parallel_loop3A_206 = tpu.vector_load_idx %arg11[%parallel_loop3A_205] : memref<456xf32, #tpu.memory_space<vmem>>[vector<16xi32>], vector<16xf32>,
      %parallel_loop3A_207 = arith.constant 2 : i32
      %parallel_loop3A_208 = vector.broadcast %parallel_loop3A_207 : i32 to vector<16xi32>
      %parallel_loop3A_209 = arith.addi %parallel_loop3A_113, %parallel_loop3A_208 : vector<16xi32>
      %parallel_loop3A_210 = tpu.vector_load_idx %arg11[%parallel_loop3A_209] : memref<456xf32, #tpu.memory_space<vmem>>[vector<16xi32>], vector<16xf32>,
      %parallel_loop3A_211 = arith.constant 3 : i32
      %parallel_loop3A_212 = vector.broadcast %parallel_loop3A_211 : i32 to vector<16xi32>
      %parallel_loop3A_213 = arith.addi %parallel_loop3A_113, %parallel_loop3A_212 : vector<16xi32>
      %parallel_loop3A_214 = tpu.vector_load_idx %arg11[%parallel_loop3A_213] : memref<456xf32, #tpu.memory_space<vmem>>[vector<16xi32>], vector<16xf32>,
      %parallel_loop3A_215 = arith.constant 4 : i32
      %parallel_loop3A_216 = vector.broadcast %parallel_loop3A_215 : i32 to vector<16xi32>
      %parallel_loop3A_217 = arith.addi %parallel_loop3A_113, %parallel_loop3A_216 : vector<16xi32>
      %parallel_loop3A_218 = tpu.vector_load_idx %arg11[%parallel_loop3A_217] : memref<456xf32, #tpu.memory_space<vmem>>[vector<16xi32>], vector<16xf32>,
      %parallel_loop3A_219 = arith.constant 5 : i32
      %parallel_loop3A_220 = vector.broadcast %parallel_loop3A_219 : i32 to vector<16xi32>
      %parallel_loop3A_221 = arith.addi %parallel_loop3A_113, %parallel_loop3A_220 : vector<16xi32>
      %parallel_loop3A_222 = tpu.vector_load_idx %arg11[%parallel_loop3A_221] : memref<456xf32, #tpu.memory_space<vmem>>[vector<16xi32>], vector<16xf32>,
      %parallel_loop3A_223 = arith.constant 72 : i32
      %parallel_loop3A_224 = vector.broadcast %parallel_loop3A_223 : i32 to vector<16xi32>
      %parallel_loop3A_225 = arith.addi %parallel_loop3A_113, %parallel_loop3A_224 : vector<16xi32>
      %parallel_loop3A_226 = tpu.vector_load_idx %arg11[%parallel_loop3A_225] : memref<456xf32, #tpu.memory_space<vmem>>[vector<16xi32>], vector<16xf32>,
      %parallel_loop3A_227 = arith.constant 136 : i32
      %parallel_loop3A_228 = vector.broadcast %parallel_loop3A_227 : i32 to vector<16xi32>
      %parallel_loop3A_229 = arith.addi %parallel_loop3A_113, %parallel_loop3A_228 : vector<16xi32>
      %parallel_loop3A_230 = tpu.vector_load_idx %arg11[%parallel_loop3A_229] : memref<456xf32, #tpu.memory_space<vmem>>[vector<16xi32>], vector<16xf32>,
      %parallel_loop3A_231 = arith.constant 200 : i32
      %parallel_loop3A_232 = vector.broadcast %parallel_loop3A_231 : i32 to vector<16xi32>
      %parallel_loop3A_233 = arith.addi %parallel_loop3A_113, %parallel_loop3A_232 : vector<16xi32>
      %parallel_loop3A_234 = tpu.vector_load_idx %arg11[%parallel_loop3A_233] : memref<456xf32, #tpu.memory_space<vmem>>[vector<16xi32>], vector<16xf32>,
      %parallel_loop3A_235 = arith.constant 264 : i32
      %parallel_loop3A_236 = vector.broadcast %parallel_loop3A_235 : i32 to vector<16xi32>
      %parallel_loop3A_237 = arith.addi %parallel_loop3A_113, %parallel_loop3A_236 : vector<16xi32>
      %parallel_loop3A_238 = tpu.vector_load_idx %arg11[%parallel_loop3A_237] : memref<456xf32, #tpu.memory_space<vmem>>[vector<16xi32>], vector<16xf32>,
      %parallel_loop3A_239 = arith.constant 328 : i32
      %parallel_loop3A_240 = vector.broadcast %parallel_loop3A_239 : i32 to vector<16xi32>
      %parallel_loop3A_241 = arith.addi %parallel_loop3A_113, %parallel_loop3A_240 : vector<16xi32>
      %parallel_loop3A_242 = tpu.vector_load_idx %arg11[%parallel_loop3A_241] : memref<456xf32, #tpu.memory_space<vmem>>[vector<16xi32>], vector<16xf32>,
      %parallel_loop3A_243 = arith.constant 392 : i32
      %parallel_loop3A_244 = vector.broadcast %parallel_loop3A_243 : i32 to vector<16xi32>
      %parallel_loop3A_245 = arith.addi %parallel_loop3A_113, %parallel_loop3A_244 : vector<16xi32>
      %parallel_loop3A_246 = tpu.vector_load_idx %arg11[%parallel_loop3A_245] : memref<456xf32, #tpu.memory_space<vmem>>[vector<16xi32>], vector<16xf32>,
      %parallel_loop3A_247 = arith.subf %parallel_loop3A_73, %parallel_loop3A_210 : vector<16xf32>
      %parallel_loop3A_248 = arith.subf %parallel_loop3A_73, %parallel_loop3A_206 : vector<16xf32>
      %parallel_loop3A_249 = arith.subf %parallel_loop3A_73, %parallel_loop3A_202 : vector<16xf32>
      %parallel_loop3A_250 = arith.subf %parallel_loop3A_214, %parallel_loop3A_73 : vector<16xf32>
      %parallel_loop3A_251 = arith.subf %parallel_loop3A_218, %parallel_loop3A_73 : vector<16xf32>
      %parallel_loop3A_252 = arith.subf %parallel_loop3A_222, %parallel_loop3A_73 : vector<16xf32>
      %parallel_loop3A_253 = arith.mulf %parallel_loop3A_250, %parallel_loop3A_226 : vector<16xf32>
      %parallel_loop3A_254 = arith.mulf %parallel_loop3A_247, %parallel_loop3A_226 : vector<16xf32>
      %parallel_loop3A_255 = arith.mulf %parallel_loop3A_253, %parallel_loop3A_230 : vector<16xf32>
      %parallel_loop3A_256 = arith.mulf %parallel_loop3A_250, %parallel_loop3A_255 : vector<16xf32>
      %parallel_loop3A_257 = arith.mulf %parallel_loop3A_248, %parallel_loop3A_255 : vector<16xf32>
      %parallel_loop3A_258 = arith.mulf %parallel_loop3A_254, %parallel_loop3A_234 : vector<16xf32>
      %parallel_loop3A_259 = arith.mulf %parallel_loop3A_251, %parallel_loop3A_258 : vector<16xf32>
      %parallel_loop3A_260 = arith.addf %parallel_loop3A_257, %parallel_loop3A_259 : vector<16xf32>
      %parallel_loop3A_261 = arith.mulf %parallel_loop3A_247, %parallel_loop3A_258 : vector<16xf32>
      %parallel_loop3A_262 = arith.mulf %parallel_loop3A_256, %parallel_loop3A_238 : vector<16xf32>
      %parallel_loop3A_263 = arith.mulf %parallel_loop3A_250, %parallel_loop3A_262 : vector<16xf32>
      %parallel_loop3A_264 = arith.mulf %parallel_loop3A_249, %parallel_loop3A_262 : vector<16xf32>
      %parallel_loop3A_265 = arith.mulf %parallel_loop3A_260, %parallel_loop3A_242 : vector<16xf32>
      %parallel_loop3A_266 = arith.mulf %parallel_loop3A_251, %parallel_loop3A_265 : vector<16xf32>
      %parallel_loop3A_267 = arith.addf %parallel_loop3A_264, %parallel_loop3A_266 : vector<16xf32>
      %parallel_loop3A_268 = arith.mulf %parallel_loop3A_248, %parallel_loop3A_265 : vector<16xf32>
      %parallel_loop3A_269 = arith.mulf %parallel_loop3A_261, %parallel_loop3A_246 : vector<16xf32>
      %parallel_loop3A_270 = arith.mulf %parallel_loop3A_252, %parallel_loop3A_269 : vector<16xf32>
      %parallel_loop3A_271 = arith.addf %parallel_loop3A_268, %parallel_loop3A_270 : vector<16xf32>
      %parallel_loop3A_272 = arith.mulf %parallel_loop3A_247, %parallel_loop3A_269 : vector<16xf32>
      %parallel_loop3A_273 = arith.constant 3.000000e+00 : f32
      %parallel_loop3A_274 = vector.broadcast %parallel_loop3A_273 : f32 to vector<16xf32>
      %parallel_loop3A_275 = arith.mulf %parallel_loop3A_274, %parallel_loop3A_262 : vector<16xf32>
      %parallel_loop3A_276 = arith.constant 0.000000e+00 : f32
      %parallel_loop3A_277 = vector.broadcast %parallel_loop3A_276 : f32 to vector<16xf32>
      %parallel_loop3A_278 = arith.subf %parallel_loop3A_277, %parallel_loop3A_275 : vector<16xf32>
      %parallel_loop3A_279 = arith.subf %parallel_loop3A_262, %parallel_loop3A_265 : vector<16xf32>
      %parallel_loop3A_280 = arith.mulf %parallel_loop3A_274, %parallel_loop3A_279 : vector<16xf32>
      %parallel_loop3A_281 = arith.subf %parallel_loop3A_265, %parallel_loop3A_269 : vector<16xf32>
      %parallel_loop3A_282 = arith.mulf %parallel_loop3A_274, %parallel_loop3A_281 : vector<16xf32>
      %parallel_loop3A_283 = arith.mulf %parallel_loop3A_274, %parallel_loop3A_269 : vector<16xf32>
      %parallel_loop3A_284 = arith.constant 192 : i32
      %parallel_loop3A_285 = vector.broadcast %parallel_loop3A_284 : i32 to vector<16xi32>
      %parallel_loop3A_286 = arith.muli %parallel_loop3A_93, %parallel_loop3A_285 : vector<16xi32>
      %parallel_loop3A_287 = arith.constant 3 : i32
      %parallel_loop3A_288 = vector.broadcast %parallel_loop3A_287 : i32 to vector<16xi32>
      %parallel_loop3A_289 = arith.muli %parallel_loop3A_113, %parallel_loop3A_288 : vector<16xi32>
      %parallel_loop3A_290 = arith.addi %parallel_loop3A_286, %parallel_loop3A_289 : vector<16xi32>
      %parallel_loop3A_291 = arith.constant 0 : i32
      %parallel_loop3A_292 = vector.broadcast %parallel_loop3A_291 : i32 to vector<16xi32>
      %parallel_loop3A_293 = arith.addi %parallel_loop3A_290, %parallel_loop3A_292 : vector<16xi32>
      %parallel_loop3A_294 = arith.constant 0 : i32
      %parallel_loop3A_295 = vector.broadcast %parallel_loop3A_294 : i32 to vector<16xi32>
      %parallel_loop3A_296 = arith.addi %parallel_loop3A_293, %parallel_loop3A_295 : vector<16xi32>
      %parallel_loop3A_297 = tpu.vector_load_idx %arg10[%parallel_loop3A_296] : memref<12288xf32, #tpu.memory_space<vmem>>[vector<16xi32>], vector<16xf32>,
      %parallel_loop3A_298 = arith.mulf %parallel_loop3A_178, %parallel_loop3A_297 : vector<16xf32>
      %parallel_loop3A_299 = arith.mulf %parallel_loop3A_193, %parallel_loop3A_297 : vector<16xf32>
      %parallel_loop3A_300 = arith.constant 1 : i32
      %parallel_loop3A_301 = vector.broadcast %parallel_loop3A_300 : i32 to vector<16xi32>
      %parallel_loop3A_302 = arith.addi %parallel_loop3A_293, %parallel_loop3A_301 : vector<16xi32>
      %parallel_loop3A_303 = tpu.vector_load_idx %arg10[%parallel_loop3A_302] : memref<12288xf32, #tpu.memory_space<vmem>>[vector<16xi32>], vector<16xf32>,
      %parallel_loop3A_304 = arith.mulf %parallel_loop3A_178, %parallel_loop3A_303 : vector<16xf32>
      %parallel_loop3A_305 = arith.mulf %parallel_loop3A_193, %parallel_loop3A_303 : vector<16xf32>
      %parallel_loop3A_306 = arith.constant 2 : i32
      %parallel_loop3A_307 = vector.broadcast %parallel_loop3A_306 : i32 to vector<16xi32>
      %parallel_loop3A_308 = arith.addi %parallel_loop3A_293, %parallel_loop3A_307 : vector<16xi32>
      %parallel_loop3A_309 = tpu.vector_load_idx %arg10[%parallel_loop3A_308] : memref<12288xf32, #tpu.memory_space<vmem>>[vector<16xi32>], vector<16xf32>,
      %parallel_loop3A_310 = arith.mulf %parallel_loop3A_178, %parallel_loop3A_309 : vector<16xf32>
      %parallel_loop3A_311 = arith.mulf %parallel_loop3A_193, %parallel_loop3A_309 : vector<16xf32>
      %parallel_loop3A_312 = arith.constant 192 : i32
      %parallel_loop3A_313 = vector.broadcast %parallel_loop3A_312 : i32 to vector<16xi32>
      %parallel_loop3A_314 = arith.addi %parallel_loop3A_290, %parallel_loop3A_313 : vector<16xi32>
      %parallel_loop3A_315 = arith.constant 0 : i32
      %parallel_loop3A_316 = vector.broadcast %parallel_loop3A_315 : i32 to vector<16xi32>
      %parallel_loop3A_317 = arith.addi %parallel_loop3A_314, %parallel_loop3A_316 : vector<16xi32>
      %parallel_loop3A_318 = tpu.vector_load_idx %arg10[%parallel_loop3A_317] : memref<12288xf32, #tpu.memory_space<vmem>>[vector<16xi32>], vector<16xf32>,
      %parallel_loop3A_319 = arith.mulf %parallel_loop3A_182, %parallel_loop3A_318 : vector<16xf32>
      %parallel_loop3A_320 = arith.addf %parallel_loop3A_298, %parallel_loop3A_319 : vector<16xf32>
      %parallel_loop3A_321 = arith.mulf %parallel_loop3A_195, %parallel_loop3A_318 : vector<16xf32>
      %parallel_loop3A_322 = arith.addf %parallel_loop3A_299, %parallel_loop3A_321 : vector<16xf32>
      %parallel_loop3A_323 = arith.constant 1 : i32
      %parallel_loop3A_324 = vector.broadcast %parallel_loop3A_323 : i32 to vector<16xi32>
      %parallel_loop3A_325 = arith.addi %parallel_loop3A_314, %parallel_loop3A_324 : vector<16xi32>
      %parallel_loop3A_326 = tpu.vector_load_idx %arg10[%parallel_loop3A_325] : memref<12288xf32, #tpu.memory_space<vmem>>[vector<16xi32>], vector<16xf32>,
      %parallel_loop3A_327 = arith.mulf %parallel_loop3A_182, %parallel_loop3A_326 : vector<16xf32>
      %parallel_loop3A_328 = arith.addf %parallel_loop3A_304, %parallel_loop3A_327 : vector<16xf32>
      %parallel_loop3A_329 = arith.mulf %parallel_loop3A_195, %parallel_loop3A_326 : vector<16xf32>
      %parallel_loop3A_330 = arith.addf %parallel_loop3A_305, %parallel_loop3A_329 : vector<16xf32>
      %parallel_loop3A_331 = arith.constant 2 : i32
      %parallel_loop3A_332 = vector.broadcast %parallel_loop3A_331 : i32 to vector<16xi32>
      %parallel_loop3A_333 = arith.addi %parallel_loop3A_314, %parallel_loop3A_332 : vector<16xi32>
      %parallel_loop3A_334 = tpu.vector_load_idx %arg10[%parallel_loop3A_333] : memref<12288xf32, #tpu.memory_space<vmem>>[vector<16xi32>], vector<16xf32>,
      %parallel_loop3A_335 = arith.mulf %parallel_loop3A_182, %parallel_loop3A_334 : vector<16xf32>
      %parallel_loop3A_336 = arith.addf %parallel_loop3A_310, %parallel_loop3A_335 : vector<16xf32>
      %parallel_loop3A_337 = arith.mulf %parallel_loop3A_195, %parallel_loop3A_334 : vector<16xf32>
      %parallel_loop3A_338 = arith.addf %parallel_loop3A_311, %parallel_loop3A_337 : vector<16xf32>
      %parallel_loop3A_339 = arith.constant 384 : i32
      %parallel_loop3A_340 = vector.broadcast %parallel_loop3A_339 : i32 to vector<16xi32>
      %parallel_loop3A_341 = arith.addi %parallel_loop3A_290, %parallel_loop3A_340 : vector<16xi32>
      %parallel_loop3A_342 = arith.constant 0 : i32
      %parallel_loop3A_343 = vector.broadcast %parallel_loop3A_342 : i32 to vector<16xi32>
      %parallel_loop3A_344 = arith.addi %parallel_loop3A_341, %parallel_loop3A_343 : vector<16xi32>
      %parallel_loop3A_345 = tpu.vector_load_idx %arg10[%parallel_loop3A_344] : memref<12288xf32, #tpu.memory_space<vmem>>[vector<16xi32>], vector<16xf32>,
      %parallel_loop3A_346 = arith.mulf %parallel_loop3A_186, %parallel_loop3A_345 : vector<16xf32>
      %parallel_loop3A_347 = arith.addf %parallel_loop3A_320, %parallel_loop3A_346 : vector<16xf32>
      %parallel_loop3A_348 = arith.mulf %parallel_loop3A_197, %parallel_loop3A_345 : vector<16xf32>
      %parallel_loop3A_349 = arith.addf %parallel_loop3A_322, %parallel_loop3A_348 : vector<16xf32>
      %parallel_loop3A_350 = arith.constant 1 : i32
      %parallel_loop3A_351 = vector.broadcast %parallel_loop3A_350 : i32 to vector<16xi32>
      %parallel_loop3A_352 = arith.addi %parallel_loop3A_341, %parallel_loop3A_351 : vector<16xi32>
      %parallel_loop3A_353 = tpu.vector_load_idx %arg10[%parallel_loop3A_352] : memref<12288xf32, #tpu.memory_space<vmem>>[vector<16xi32>], vector<16xf32>,
      %parallel_loop3A_354 = arith.mulf %parallel_loop3A_186, %parallel_loop3A_353 : vector<16xf32>
      %parallel_loop3A_355 = arith.addf %parallel_loop3A_328, %parallel_loop3A_354 : vector<16xf32>
      %parallel_loop3A_356 = arith.mulf %parallel_loop3A_197, %parallel_loop3A_353 : vector<16xf32>
      %parallel_loop3A_357 = arith.addf %parallel_loop3A_330, %parallel_loop3A_356 : vector<16xf32>
      %parallel_loop3A_358 = arith.constant 2 : i32
      %parallel_loop3A_359 = vector.broadcast %parallel_loop3A_358 : i32 to vector<16xi32>
      %parallel_loop3A_360 = arith.addi %parallel_loop3A_341, %parallel_loop3A_359 : vector<16xi32>
      %parallel_loop3A_361 = tpu.vector_load_idx %arg10[%parallel_loop3A_360] : memref<12288xf32, #tpu.memory_space<vmem>>[vector<16xi32>], vector<16xf32>,
      %parallel_loop3A_362 = arith.mulf %parallel_loop3A_186, %parallel_loop3A_361 : vector<16xf32>
      %parallel_loop3A_363 = arith.addf %parallel_loop3A_336, %parallel_loop3A_362 : vector<16xf32>
      %parallel_loop3A_364 = arith.mulf %parallel_loop3A_197, %parallel_loop3A_361 : vector<16xf32>
      %parallel_loop3A_365 = arith.addf %parallel_loop3A_338, %parallel_loop3A_364 : vector<16xf32>
      %parallel_loop3A_366 = arith.constant 576 : i32
      %parallel_loop3A_367 = vector.broadcast %parallel_loop3A_366 : i32 to vector<16xi32>
      %parallel_loop3A_368 = arith.addi %parallel_loop3A_290, %parallel_loop3A_367 : vector<16xi32>
      %parallel_loop3A_369 = arith.constant 0 : i32
      %parallel_loop3A_370 = vector.broadcast %parallel_loop3A_369 : i32 to vector<16xi32>
      %parallel_loop3A_371 = arith.addi %parallel_loop3A_368, %parallel_loop3A_370 : vector<16xi32>
      %parallel_loop3A_372 = tpu.vector_load_idx %arg10[%parallel_loop3A_371] : memref<12288xf32, #tpu.memory_space<vmem>>[vector<16xi32>], vector<16xf32>,
      %parallel_loop3A_373 = arith.mulf %parallel_loop3A_187, %parallel_loop3A_372 : vector<16xf32>
      %parallel_loop3A_374 = arith.addf %parallel_loop3A_347, %parallel_loop3A_373 : vector<16xf32>
      %parallel_loop3A_375 = arith.mulf %parallel_loop3A_198, %parallel_loop3A_372 : vector<16xf32>
      %parallel_loop3A_376 = arith.addf %parallel_loop3A_349, %parallel_loop3A_375 : vector<16xf32>
      %parallel_loop3A_377 = arith.constant 1 : i32
      %parallel_loop3A_378 = vector.broadcast %parallel_loop3A_377 : i32 to vector<16xi32>
      %parallel_loop3A_379 = arith.addi %parallel_loop3A_368, %parallel_loop3A_378 : vector<16xi32>
      %parallel_loop3A_380 = tpu.vector_load_idx %arg10[%parallel_loop3A_379] : memref<12288xf32, #tpu.memory_space<vmem>>[vector<16xi32>], vector<16xf32>,
      %parallel_loop3A_381 = arith.mulf %parallel_loop3A_187, %parallel_loop3A_380 : vector<16xf32>
      %parallel_loop3A_382 = arith.addf %parallel_loop3A_355, %parallel_loop3A_381 : vector<16xf32>
      %parallel_loop3A_383 = arith.mulf %parallel_loop3A_198, %parallel_loop3A_380 : vector<16xf32>
      %parallel_loop3A_384 = arith.addf %parallel_loop3A_357, %parallel_loop3A_383 : vector<16xf32>
      %parallel_loop3A_385 = arith.constant 2 : i32
      %parallel_loop3A_386 = vector.broadcast %parallel_loop3A_385 : i32 to vector<16xi32>
      %parallel_loop3A_387 = arith.addi %parallel_loop3A_368, %parallel_loop3A_386 : vector<16xi32>
      %parallel_loop3A_388 = tpu.vector_load_idx %arg10[%parallel_loop3A_387] : memref<12288xf32, #tpu.memory_space<vmem>>[vector<16xi32>], vector<16xf32>,
      %parallel_loop3A_389 = arith.mulf %parallel_loop3A_187, %parallel_loop3A_388 : vector<16xf32>
      %parallel_loop3A_390 = arith.addf %parallel_loop3A_363, %parallel_loop3A_389 : vector<16xf32>
      %parallel_loop3A_391 = arith.mulf %parallel_loop3A_198, %parallel_loop3A_388 : vector<16xf32>
      %parallel_loop3A_392 = arith.addf %parallel_loop3A_365, %parallel_loop3A_391 : vector<16xf32>
      %parallel_loop3A_393 = arith.mulf %parallel_loop3A_263, %parallel_loop3A_374 : vector<16xf32>
      %parallel_loop3A_394 = arith.mulf %parallel_loop3A_263, %parallel_loop3A_376 : vector<16xf32>
      %parallel_loop3A_395 = arith.mulf %parallel_loop3A_278, %parallel_loop3A_374 : vector<16xf32>
      %parallel_loop3A_396 = arith.mulf %parallel_loop3A_263, %parallel_loop3A_382 : vector<16xf32>
      %parallel_loop3A_397 = arith.mulf %parallel_loop3A_263, %parallel_loop3A_384 : vector<16xf32>
      %parallel_loop3A_398 = arith.mulf %parallel_loop3A_278, %parallel_loop3A_382 : vector<16xf32>
      %parallel_loop3A_399 = arith.mulf %parallel_loop3A_263, %parallel_loop3A_390 : vector<16xf32>
      %parallel_loop3A_400 = arith.mulf %parallel_loop3A_263, %parallel_loop3A_392 : vector<16xf32>
      %parallel_loop3A_401 = arith.mulf %parallel_loop3A_278, %parallel_loop3A_390 : vector<16xf32>
      %parallel_loop3A_402 = arith.constant 3 : i32
      %parallel_loop3A_403 = vector.broadcast %parallel_loop3A_402 : i32 to vector<16xi32>
      %parallel_loop3A_404 = arith.addi %parallel_loop3A_290, %parallel_loop3A_403 : vector<16xi32>
      %parallel_loop3A_405 = arith.constant 0 : i32
      %parallel_loop3A_406 = vector.broadcast %parallel_loop3A_405 : i32 to vector<16xi32>
      %parallel_loop3A_407 = arith.addi %parallel_loop3A_404, %parallel_loop3A_406 : vector<16xi32>
      %parallel_loop3A_408 = tpu.vector_load_idx %arg10[%parallel_loop3A_407] : memref<12288xf32, #tpu.memory_space<vmem>>[vector<16xi32>], vector<16xf32>,
      %parallel_loop3A_409 = arith.mulf %parallel_loop3A_178, %parallel_loop3A_408 : vector<16xf32>
      %parallel_loop3A_410 = arith.mulf %parallel_loop3A_193, %parallel_loop3A_408 : vector<16xf32>
      %parallel_loop3A_411 = arith.constant 1 : i32
      %parallel_loop3A_412 = vector.broadcast %parallel_loop3A_411 : i32 to vector<16xi32>
      %parallel_loop3A_413 = arith.addi %parallel_loop3A_404, %parallel_loop3A_412 : vector<16xi32>
      %parallel_loop3A_414 = tpu.vector_load_idx %arg10[%parallel_loop3A_413] : memref<12288xf32, #tpu.memory_space<vmem>>[vector<16xi32>], vector<16xf32>,
      %parallel_loop3A_415 = arith.mulf %parallel_loop3A_178, %parallel_loop3A_414 : vector<16xf32>
      %parallel_loop3A_416 = arith.mulf %parallel_loop3A_193, %parallel_loop3A_414 : vector<16xf32>
      %parallel_loop3A_417 = arith.constant 2 : i32
      %parallel_loop3A_418 = vector.broadcast %parallel_loop3A_417 : i32 to vector<16xi32>
      %parallel_loop3A_419 = arith.addi %parallel_loop3A_404, %parallel_loop3A_418 : vector<16xi32>
      %parallel_loop3A_420 = tpu.vector_load_idx %arg10[%parallel_loop3A_419] : memref<12288xf32, #tpu.memory_space<vmem>>[vector<16xi32>], vector<16xf32>,
      %parallel_loop3A_421 = arith.mulf %parallel_loop3A_178, %parallel_loop3A_420 : vector<16xf32>
      %parallel_loop3A_422 = arith.mulf %parallel_loop3A_193, %parallel_loop3A_420 : vector<16xf32>
      %parallel_loop3A_423 = arith.constant 195 : i32
      %parallel_loop3A_424 = vector.broadcast %parallel_loop3A_423 : i32 to vector<16xi32>
      %parallel_loop3A_425 = arith.addi %parallel_loop3A_290, %parallel_loop3A_424 : vector<16xi32>
      %parallel_loop3A_426 = arith.constant 0 : i32
      %parallel_loop3A_427 = vector.broadcast %parallel_loop3A_426 : i32 to vector<16xi32>
      %parallel_loop3A_428 = arith.addi %parallel_loop3A_425, %parallel_loop3A_427 : vector<16xi32>
      %parallel_loop3A_429 = tpu.vector_load_idx %arg10[%parallel_loop3A_428] : memref<12288xf32, #tpu.memory_space<vmem>>[vector<16xi32>], vector<16xf32>,
      %parallel_loop3A_430 = arith.mulf %parallel_loop3A_182, %parallel_loop3A_429 : vector<16xf32>
      %parallel_loop3A_431 = arith.addf %parallel_loop3A_409, %parallel_loop3A_430 : vector<16xf32>
      %parallel_loop3A_432 = arith.mulf %parallel_loop3A_195, %parallel_loop3A_429 : vector<16xf32>
      %parallel_loop3A_433 = arith.addf %parallel_loop3A_410, %parallel_loop3A_432 : vector<16xf32>
      %parallel_loop3A_434 = arith.constant 1 : i32
      %parallel_loop3A_435 = vector.broadcast %parallel_loop3A_434 : i32 to vector<16xi32>
      %parallel_loop3A_436 = arith.addi %parallel_loop3A_425, %parallel_loop3A_435 : vector<16xi32>
      %parallel_loop3A_437 = tpu.vector_load_idx %arg10[%parallel_loop3A_436] : memref<12288xf32, #tpu.memory_space<vmem>>[vector<16xi32>], vector<16xf32>,
      %parallel_loop3A_438 = arith.mulf %parallel_loop3A_182, %parallel_loop3A_437 : vector<16xf32>
      %parallel_loop3A_439 = arith.addf %parallel_loop3A_415, %parallel_loop3A_438 : vector<16xf32>
      %parallel_loop3A_440 = arith.mulf %parallel_loop3A_195, %parallel_loop3A_437 : vector<16xf32>
      %parallel_loop3A_441 = arith.addf %parallel_loop3A_416, %parallel_loop3A_440 : vector<16xf32>
      %parallel_loop3A_442 = arith.constant 2 : i32
      %parallel_loop3A_443 = vector.broadcast %parallel_loop3A_442 : i32 to vector<16xi32>
      %parallel_loop3A_444 = arith.addi %parallel_loop3A_425, %parallel_loop3A_443 : vector<16xi32>
      %parallel_loop3A_445 = tpu.vector_load_idx %arg10[%parallel_loop3A_444] : memref<12288xf32, #tpu.memory_space<vmem>>[vector<16xi32>], vector<16xf32>,
      %parallel_loop3A_446 = arith.mulf %parallel_loop3A_182, %parallel_loop3A_445 : vector<16xf32>
      %parallel_loop3A_447 = arith.addf %parallel_loop3A_421, %parallel_loop3A_446 : vector<16xf32>
      %parallel_loop3A_448 = arith.mulf %parallel_loop3A_195, %parallel_loop3A_445 : vector<16xf32>
      %parallel_loop3A_449 = arith.addf %parallel_loop3A_422, %parallel_loop3A_448 : vector<16xf32>
      %parallel_loop3A_450 = arith.constant 387 : i32
      %parallel_loop3A_451 = vector.broadcast %parallel_loop3A_450 : i32 to vector<16xi32>
      %parallel_loop3A_452 = arith.addi %parallel_loop3A_290, %parallel_loop3A_451 : vector<16xi32>
      %parallel_loop3A_453 = arith.constant 0 : i32
      %parallel_loop3A_454 = vector.broadcast %parallel_loop3A_453 : i32 to vector<16xi32>
      %parallel_loop3A_455 = arith.addi %parallel_loop3A_452, %parallel_loop3A_454 : vector<16xi32>
      %parallel_loop3A_456 = tpu.vector_load_idx %arg10[%parallel_loop3A_455] : memref<12288xf32, #tpu.memory_space<vmem>>[vector<16xi32>], vector<16xf32>,
      %parallel_loop3A_457 = arith.mulf %parallel_loop3A_186, %parallel_loop3A_456 : vector<16xf32>
      %parallel_loop3A_458 = arith.addf %parallel_loop3A_431, %parallel_loop3A_457 : vector<16xf32>
      %parallel_loop3A_459 = arith.mulf %parallel_loop3A_197, %parallel_loop3A_456 : vector<16xf32>
      %parallel_loop3A_460 = arith.addf %parallel_loop3A_433, %parallel_loop3A_459 : vector<16xf32>
      %parallel_loop3A_461 = arith.constant 1 : i32
      %parallel_loop3A_462 = vector.broadcast %parallel_loop3A_461 : i32 to vector<16xi32>
      %parallel_loop3A_463 = arith.addi %parallel_loop3A_452, %parallel_loop3A_462 : vector<16xi32>
      %parallel_loop3A_464 = tpu.vector_load_idx %arg10[%parallel_loop3A_463] : memref<12288xf32, #tpu.memory_space<vmem>>[vector<16xi32>], vector<16xf32>,
      %parallel_loop3A_465 = arith.mulf %parallel_loop3A_186, %parallel_loop3A_464 : vector<16xf32>
      %parallel_loop3A_466 = arith.addf %parallel_loop3A_439, %parallel_loop3A_465 : vector<16xf32>
      %parallel_loop3A_467 = arith.mulf %parallel_loop3A_197, %parallel_loop3A_464 : vector<16xf32>
      %parallel_loop3A_468 = arith.addf %parallel_loop3A_441, %parallel_loop3A_467 : vector<16xf32>
      %parallel_loop3A_469 = arith.constant 2 : i32
      %parallel_loop3A_470 = vector.broadcast %parallel_loop3A_469 : i32 to vector<16xi32>
      %parallel_loop3A_471 = arith.addi %parallel_loop3A_452, %parallel_loop3A_470 : vector<16xi32>
      %parallel_loop3A_472 = tpu.vector_load_idx %arg10[%parallel_loop3A_471] : memref<12288xf32, #tpu.memory_space<vmem>>[vector<16xi32>], vector<16xf32>,
      %parallel_loop3A_473 = arith.mulf %parallel_loop3A_186, %parallel_loop3A_472 : vector<16xf32>
      %parallel_loop3A_474 = arith.addf %parallel_loop3A_447, %parallel_loop3A_473 : vector<16xf32>
      %parallel_loop3A_475 = arith.mulf %parallel_loop3A_197, %parallel_loop3A_472 : vector<16xf32>
      %parallel_loop3A_476 = arith.addf %parallel_loop3A_449, %parallel_loop3A_475 : vector<16xf32>
      %parallel_loop3A_477 = arith.constant 579 : i32
      %parallel_loop3A_478 = vector.broadcast %parallel_loop3A_477 : i32 to vector<16xi32>
      %parallel_loop3A_479 = arith.addi %parallel_loop3A_290, %parallel_loop3A_478 : vector<16xi32>
      %parallel_loop3A_480 = arith.constant 0 : i32
      %parallel_loop3A_481 = vector.broadcast %parallel_loop3A_480 : i32 to vector<16xi32>
      %parallel_loop3A_482 = arith.addi %parallel_loop3A_479, %parallel_loop3A_481 : vector<16xi32>
      %parallel_loop3A_483 = tpu.vector_load_idx %arg10[%parallel_loop3A_482] : memref<12288xf32, #tpu.memory_space<vmem>>[vector<16xi32>], vector<16xf32>,
      %parallel_loop3A_484 = arith.mulf %parallel_loop3A_187, %parallel_loop3A_483 : vector<16xf32>
      %parallel_loop3A_485 = arith.addf %parallel_loop3A_458, %parallel_loop3A_484 : vector<16xf32>
      %parallel_loop3A_486 = arith.mulf %parallel_loop3A_198, %parallel_loop3A_483 : vector<16xf32>
      %parallel_loop3A_487 = arith.addf %parallel_loop3A_460, %parallel_loop3A_486 : vector<16xf32>
      %parallel_loop3A_488 = arith.constant 1 : i32
      %parallel_loop3A_489 = vector.broadcast %parallel_loop3A_488 : i32 to vector<16xi32>
      %parallel_loop3A_490 = arith.addi %parallel_loop3A_479, %parallel_loop3A_489 : vector<16xi32>
      %parallel_loop3A_491 = tpu.vector_load_idx %arg10[%parallel_loop3A_490] : memref<12288xf32, #tpu.memory_space<vmem>>[vector<16xi32>], vector<16xf32>,
      %parallel_loop3A_492 = arith.mulf %parallel_loop3A_187, %parallel_loop3A_491 : vector<16xf32>
      %parallel_loop3A_493 = arith.addf %parallel_loop3A_466, %parallel_loop3A_492 : vector<16xf32>
      %parallel_loop3A_494 = arith.mulf %parallel_loop3A_198, %parallel_loop3A_491 : vector<16xf32>
      %parallel_loop3A_495 = arith.addf %parallel_loop3A_468, %parallel_loop3A_494 : vector<16xf32>
      %parallel_loop3A_496 = arith.constant 2 : i32
      %parallel_loop3A_497 = vector.broadcast %parallel_loop3A_496 : i32 to vector<16xi32>
      %parallel_loop3A_498 = arith.addi %parallel_loop3A_479, %parallel_loop3A_497 : vector<16xi32>
      %parallel_loop3A_499 = tpu.vector_load_idx %arg10[%parallel_loop3A_498] : memref<12288xf32, #tpu.memory_space<vmem>>[vector<16xi32>], vector<16xf32>,
      %parallel_loop3A_500 = arith.mulf %parallel_loop3A_187, %parallel_loop3A_499 : vector<16xf32>
      %parallel_loop3A_501 = arith.addf %parallel_loop3A_474, %parallel_loop3A_500 : vector<16xf32>
      %parallel_loop3A_502 = arith.mulf %parallel_loop3A_198, %parallel_loop3A_499 : vector<16xf32>
      %parallel_loop3A_503 = arith.addf %parallel_loop3A_476, %parallel_loop3A_502 : vector<16xf32>
      %parallel_loop3A_504 = arith.mulf %parallel_loop3A_267, %parallel_loop3A_485 : vector<16xf32>
      %parallel_loop3A_505 = arith.addf %parallel_loop3A_393, %parallel_loop3A_504 : vector<16xf32>
      %parallel_loop3A_506 = arith.mulf %parallel_loop3A_267, %parallel_loop3A_487 : vector<16xf32>
      %parallel_loop3A_507 = arith.addf %parallel_loop3A_394, %parallel_loop3A_506 : vector<16xf32>
      %parallel_loop3A_508 = arith.mulf %parallel_loop3A_280, %parallel_loop3A_485 : vector<16xf32>
      %parallel_loop3A_509 = arith.addf %parallel_loop3A_395, %parallel_loop3A_508 : vector<16xf32>
      %parallel_loop3A_510 = arith.mulf %parallel_loop3A_267, %parallel_loop3A_493 : vector<16xf32>
      %parallel_loop3A_511 = arith.addf %parallel_loop3A_396, %parallel_loop3A_510 : vector<16xf32>
      %parallel_loop3A_512 = arith.mulf %parallel_loop3A_267, %parallel_loop3A_495 : vector<16xf32>
      %parallel_loop3A_513 = arith.addf %parallel_loop3A_397, %parallel_loop3A_512 : vector<16xf32>
      %parallel_loop3A_514 = arith.mulf %parallel_loop3A_280, %parallel_loop3A_493 : vector<16xf32>
      %parallel_loop3A_515 = arith.addf %parallel_loop3A_398, %parallel_loop3A_514 : vector<16xf32>
      %parallel_loop3A_516 = arith.mulf %parallel_loop3A_267, %parallel_loop3A_501 : vector<16xf32>
      %parallel_loop3A_517 = arith.addf %parallel_loop3A_399, %parallel_loop3A_516 : vector<16xf32>
      %parallel_loop3A_518 = arith.mulf %parallel_loop3A_267, %parallel_loop3A_503 : vector<16xf32>
      %parallel_loop3A_519 = arith.addf %parallel_loop3A_400, %parallel_loop3A_518 : vector<16xf32>
      %parallel_loop3A_520 = arith.mulf %parallel_loop3A_280, %parallel_loop3A_501 : vector<16xf32>
      %parallel_loop3A_521 = arith.addf %parallel_loop3A_401, %parallel_loop3A_520 : vector<16xf32>
      %parallel_loop3A_522 = arith.constant 6 : i32
      %parallel_loop3A_523 = vector.broadcast %parallel_loop3A_522 : i32 to vector<16xi32>
      %parallel_loop3A_524 = arith.addi %parallel_loop3A_290, %parallel_loop3A_523 : vector<16xi32>
      %parallel_loop3A_525 = arith.constant 0 : i32
      %parallel_loop3A_526 = vector.broadcast %parallel_loop3A_525 : i32 to vector<16xi32>
      %parallel_loop3A_527 = arith.addi %parallel_loop3A_524, %parallel_loop3A_526 : vector<16xi32>
      %parallel_loop3A_528 = tpu.vector_load_idx %arg10[%parallel_loop3A_527] : memref<12288xf32, #tpu.memory_space<vmem>>[vector<16xi32>], vector<16xf32>,
      %parallel_loop3A_529 = arith.mulf %parallel_loop3A_178, %parallel_loop3A_528 : vector<16xf32>
      %parallel_loop3A_530 = arith.mulf %parallel_loop3A_193, %parallel_loop3A_528 : vector<16xf32>
      %parallel_loop3A_531 = arith.constant 1 : i32
      %parallel_loop3A_532 = vector.broadcast %parallel_loop3A_531 : i32 to vector<16xi32>
      %parallel_loop3A_533 = arith.addi %parallel_loop3A_524, %parallel_loop3A_532 : vector<16xi32>
      %parallel_loop3A_534 = tpu.vector_load_idx %arg10[%parallel_loop3A_533] : memref<12288xf32, #tpu.memory_space<vmem>>[vector<16xi32>], vector<16xf32>,
      %parallel_loop3A_535 = arith.mulf %parallel_loop3A_178, %parallel_loop3A_534 : vector<16xf32>
      %parallel_loop3A_536 = arith.mulf %parallel_loop3A_193, %parallel_loop3A_534 : vector<16xf32>
      %parallel_loop3A_537 = arith.constant 2 : i32
      %parallel_loop3A_538 = vector.broadcast %parallel_loop3A_537 : i32 to vector<16xi32>
      %parallel_loop3A_539 = arith.addi %parallel_loop3A_524, %parallel_loop3A_538 : vector<16xi32>
      %parallel_loop3A_540 = tpu.vector_load_idx %arg10[%parallel_loop3A_539] : memref<12288xf32, #tpu.memory_space<vmem>>[vector<16xi32>], vector<16xf32>,
      %parallel_loop3A_541 = arith.mulf %parallel_loop3A_178, %parallel_loop3A_540 : vector<16xf32>
      %parallel_loop3A_542 = arith.mulf %parallel_loop3A_193, %parallel_loop3A_540 : vector<16xf32>
      %parallel_loop3A_543 = arith.constant 198 : i32
      %parallel_loop3A_544 = vector.broadcast %parallel_loop3A_543 : i32 to vector<16xi32>
      %parallel_loop3A_545 = arith.addi %parallel_loop3A_290, %parallel_loop3A_544 : vector<16xi32>
      %parallel_loop3A_546 = arith.constant 0 : i32
      %parallel_loop3A_547 = vector.broadcast %parallel_loop3A_546 : i32 to vector<16xi32>
      %parallel_loop3A_548 = arith.addi %parallel_loop3A_545, %parallel_loop3A_547 : vector<16xi32>
      %parallel_loop3A_549 = tpu.vector_load_idx %arg10[%parallel_loop3A_548] : memref<12288xf32, #tpu.memory_space<vmem>>[vector<16xi32>], vector<16xf32>,
      %parallel_loop3A_550 = arith.mulf %parallel_loop3A_182, %parallel_loop3A_549 : vector<16xf32>
      %parallel_loop3A_551 = arith.addf %parallel_loop3A_529, %parallel_loop3A_550 : vector<16xf32>
      %parallel_loop3A_552 = arith.mulf %parallel_loop3A_195, %parallel_loop3A_549 : vector<16xf32>
      %parallel_loop3A_553 = arith.addf %parallel_loop3A_530, %parallel_loop3A_552 : vector<16xf32>
      %parallel_loop3A_554 = arith.constant 1 : i32
      %parallel_loop3A_555 = vector.broadcast %parallel_loop3A_554 : i32 to vector<16xi32>
      %parallel_loop3A_556 = arith.addi %parallel_loop3A_545, %parallel_loop3A_555 : vector<16xi32>
      %parallel_loop3A_557 = tpu.vector_load_idx %arg10[%parallel_loop3A_556] : memref<12288xf32, #tpu.memory_space<vmem>>[vector<16xi32>], vector<16xf32>,
      %parallel_loop3A_558 = arith.mulf %parallel_loop3A_182, %parallel_loop3A_557 : vector<16xf32>
      %parallel_loop3A_559 = arith.addf %parallel_loop3A_535, %parallel_loop3A_558 : vector<16xf32>
      %parallel_loop3A_560 = arith.mulf %parallel_loop3A_195, %parallel_loop3A_557 : vector<16xf32>
      %parallel_loop3A_561 = arith.addf %parallel_loop3A_536, %parallel_loop3A_560 : vector<16xf32>
      %parallel_loop3A_562 = arith.constant 2 : i32
      %parallel_loop3A_563 = vector.broadcast %parallel_loop3A_562 : i32 to vector<16xi32>
      %parallel_loop3A_564 = arith.addi %parallel_loop3A_545, %parallel_loop3A_563 : vector<16xi32>
      %parallel_loop3A_565 = tpu.vector_load_idx %arg10[%parallel_loop3A_564] : memref<12288xf32, #tpu.memory_space<vmem>>[vector<16xi32>], vector<16xf32>,
      %parallel_loop3A_566 = arith.mulf %parallel_loop3A_182, %parallel_loop3A_565 : vector<16xf32>
      %parallel_loop3A_567 = arith.addf %parallel_loop3A_541, %parallel_loop3A_566 : vector<16xf32>
      %parallel_loop3A_568 = arith.mulf %parallel_loop3A_195, %parallel_loop3A_565 : vector<16xf32>
      %parallel_loop3A_569 = arith.addf %parallel_loop3A_542, %parallel_loop3A_568 : vector<16xf32>
      %parallel_loop3A_570 = arith.constant 390 : i32
      %parallel_loop3A_571 = vector.broadcast %parallel_loop3A_570 : i32 to vector<16xi32>
      %parallel_loop3A_572 = arith.addi %parallel_loop3A_290, %parallel_loop3A_571 : vector<16xi32>
      %parallel_loop3A_573 = arith.constant 0 : i32
      %parallel_loop3A_574 = vector.broadcast %parallel_loop3A_573 : i32 to vector<16xi32>
      %parallel_loop3A_575 = arith.addi %parallel_loop3A_572, %parallel_loop3A_574 : vector<16xi32>
      %parallel_loop3A_576 = tpu.vector_load_idx %arg10[%parallel_loop3A_575] : memref<12288xf32, #tpu.memory_space<vmem>>[vector<16xi32>], vector<16xf32>,
      %parallel_loop3A_577 = arith.mulf %parallel_loop3A_186, %parallel_loop3A_576 : vector<16xf32>
      %parallel_loop3A_578 = arith.addf %parallel_loop3A_551, %parallel_loop3A_577 : vector<16xf32>
      %parallel_loop3A_579 = arith.mulf %parallel_loop3A_197, %parallel_loop3A_576 : vector<16xf32>
      %parallel_loop3A_580 = arith.addf %parallel_loop3A_553, %parallel_loop3A_579 : vector<16xf32>
      %parallel_loop3A_581 = arith.constant 1 : i32
      %parallel_loop3A_582 = vector.broadcast %parallel_loop3A_581 : i32 to vector<16xi32>
      %parallel_loop3A_583 = arith.addi %parallel_loop3A_572, %parallel_loop3A_582 : vector<16xi32>
      %parallel_loop3A_584 = tpu.vector_load_idx %arg10[%parallel_loop3A_583] : memref<12288xf32, #tpu.memory_space<vmem>>[vector<16xi32>], vector<16xf32>,
      %parallel_loop3A_585 = arith.mulf %parallel_loop3A_186, %parallel_loop3A_584 : vector<16xf32>
      %parallel_loop3A_586 = arith.addf %parallel_loop3A_559, %parallel_loop3A_585 : vector<16xf32>
      %parallel_loop3A_587 = arith.mulf %parallel_loop3A_197, %parallel_loop3A_584 : vector<16xf32>
      %parallel_loop3A_588 = arith.addf %parallel_loop3A_561, %parallel_loop3A_587 : vector<16xf32>
      %parallel_loop3A_589 = arith.constant 2 : i32
      %parallel_loop3A_590 = vector.broadcast %parallel_loop3A_589 : i32 to vector<16xi32>
      %parallel_loop3A_591 = arith.addi %parallel_loop3A_572, %parallel_loop3A_590 : vector<16xi32>
      %parallel_loop3A_592 = tpu.vector_load_idx %arg10[%parallel_loop3A_591] : memref<12288xf32, #tpu.memory_space<vmem>>[vector<16xi32>], vector<16xf32>,
      %parallel_loop3A_593 = arith.mulf %parallel_loop3A_186, %parallel_loop3A_592 : vector<16xf32>
      %parallel_loop3A_594 = arith.addf %parallel_loop3A_567, %parallel_loop3A_593 : vector<16xf32>
      %parallel_loop3A_595 = arith.mulf %parallel_loop3A_197, %parallel_loop3A_592 : vector<16xf32>
      %parallel_loop3A_596 = arith.addf %parallel_loop3A_569, %parallel_loop3A_595 : vector<16xf32>
      %parallel_loop3A_597 = arith.constant 582 : i32
      %parallel_loop3A_598 = vector.broadcast %parallel_loop3A_597 : i32 to vector<16xi32>
      %parallel_loop3A_599 = arith.addi %parallel_loop3A_290, %parallel_loop3A_598 : vector<16xi32>
      %parallel_loop3A_600 = arith.constant 0 : i32
      %parallel_loop3A_601 = vector.broadcast %parallel_loop3A_600 : i32 to vector<16xi32>
      %parallel_loop3A_602 = arith.addi %parallel_loop3A_599, %parallel_loop3A_601 : vector<16xi32>
      %parallel_loop3A_603 = tpu.vector_load_idx %arg10[%parallel_loop3A_602] : memref<12288xf32, #tpu.memory_space<vmem>>[vector<16xi32>], vector<16xf32>,
      %parallel_loop3A_604 = arith.mulf %parallel_loop3A_187, %parallel_loop3A_603 : vector<16xf32>
      %parallel_loop3A_605 = arith.addf %parallel_loop3A_578, %parallel_loop3A_604 : vector<16xf32>
      %parallel_loop3A_606 = arith.mulf %parallel_loop3A_198, %parallel_loop3A_603 : vector<16xf32>
      %parallel_loop3A_607 = arith.addf %parallel_loop3A_580, %parallel_loop3A_606 : vector<16xf32>
      %parallel_loop3A_608 = arith.constant 1 : i32
      %parallel_loop3A_609 = vector.broadcast %parallel_loop3A_608 : i32 to vector<16xi32>
      %parallel_loop3A_610 = arith.addi %parallel_loop3A_599, %parallel_loop3A_609 : vector<16xi32>
      %parallel_loop3A_611 = tpu.vector_load_idx %arg10[%parallel_loop3A_610] : memref<12288xf32, #tpu.memory_space<vmem>>[vector<16xi32>], vector<16xf32>,
      %parallel_loop3A_612 = arith.mulf %parallel_loop3A_187, %parallel_loop3A_611 : vector<16xf32>
      %parallel_loop3A_613 = arith.addf %parallel_loop3A_586, %parallel_loop3A_612 : vector<16xf32>
      %parallel_loop3A_614 = arith.mulf %parallel_loop3A_198, %parallel_loop3A_611 : vector<16xf32>
      %parallel_loop3A_615 = arith.addf %parallel_loop3A_588, %parallel_loop3A_614 : vector<16xf32>
      %parallel_loop3A_616 = arith.constant 2 : i32
      %parallel_loop3A_617 = vector.broadcast %parallel_loop3A_616 : i32 to vector<16xi32>
      %parallel_loop3A_618 = arith.addi %parallel_loop3A_599, %parallel_loop3A_617 : vector<16xi32>
      %parallel_loop3A_619 = tpu.vector_load_idx %arg10[%parallel_loop3A_618] : memref<12288xf32, #tpu.memory_space<vmem>>[vector<16xi32>], vector<16xf32>,
      %parallel_loop3A_620 = arith.mulf %parallel_loop3A_187, %parallel_loop3A_619 : vector<16xf32>
      %parallel_loop3A_621 = arith.addf %parallel_loop3A_594, %parallel_loop3A_620 : vector<16xf32>
      %parallel_loop3A_622 = arith.mulf %parallel_loop3A_198, %parallel_loop3A_619 : vector<16xf32>
      %parallel_loop3A_623 = arith.addf %parallel_loop3A_596, %parallel_loop3A_622 : vector<16xf32>
      %parallel_loop3A_624 = arith.mulf %parallel_loop3A_271, %parallel_loop3A_605 : vector<16xf32>
      %parallel_loop3A_625 = arith.addf %parallel_loop3A_505, %parallel_loop3A_624 : vector<16xf32>
      %parallel_loop3A_626 = arith.mulf %parallel_loop3A_271, %parallel_loop3A_607 : vector<16xf32>
      %parallel_loop3A_627 = arith.addf %parallel_loop3A_507, %parallel_loop3A_626 : vector<16xf32>
      %parallel_loop3A_628 = arith.mulf %parallel_loop3A_282, %parallel_loop3A_605 : vector<16xf32>
      %parallel_loop3A_629 = arith.addf %parallel_loop3A_509, %parallel_loop3A_628 : vector<16xf32>
      %parallel_loop3A_630 = arith.mulf %parallel_loop3A_271, %parallel_loop3A_613 : vector<16xf32>
      %parallel_loop3A_631 = arith.addf %parallel_loop3A_511, %parallel_loop3A_630 : vector<16xf32>
      %parallel_loop3A_632 = arith.mulf %parallel_loop3A_271, %parallel_loop3A_615 : vector<16xf32>
      %parallel_loop3A_633 = arith.addf %parallel_loop3A_513, %parallel_loop3A_632 : vector<16xf32>
      %parallel_loop3A_634 = arith.mulf %parallel_loop3A_282, %parallel_loop3A_613 : vector<16xf32>
      %parallel_loop3A_635 = arith.addf %parallel_loop3A_515, %parallel_loop3A_634 : vector<16xf32>
      %parallel_loop3A_636 = arith.mulf %parallel_loop3A_271, %parallel_loop3A_621 : vector<16xf32>
      %parallel_loop3A_637 = arith.addf %parallel_loop3A_517, %parallel_loop3A_636 : vector<16xf32>
      %parallel_loop3A_638 = arith.mulf %parallel_loop3A_271, %parallel_loop3A_623 : vector<16xf32>
      %parallel_loop3A_639 = arith.addf %parallel_loop3A_519, %parallel_loop3A_638 : vector<16xf32>
      %parallel_loop3A_640 = arith.mulf %parallel_loop3A_282, %parallel_loop3A_621 : vector<16xf32>
      %parallel_loop3A_641 = arith.addf %parallel_loop3A_521, %parallel_loop3A_640 : vector<16xf32>
      %parallel_loop3A_642 = arith.constant 9 : i32
      %parallel_loop3A_643 = vector.broadcast %parallel_loop3A_642 : i32 to vector<16xi32>
      %parallel_loop3A_644 = arith.addi %parallel_loop3A_290, %parallel_loop3A_643 : vector<16xi32>
      %parallel_loop3A_645 = arith.constant 0 : i32
      %parallel_loop3A_646 = vector.broadcast %parallel_loop3A_645 : i32 to vector<16xi32>
      %parallel_loop3A_647 = arith.addi %parallel_loop3A_644, %parallel_loop3A_646 : vector<16xi32>
      %parallel_loop3A_648 = tpu.vector_load_idx %arg10[%parallel_loop3A_647] : memref<12288xf32, #tpu.memory_space<vmem>>[vector<16xi32>], vector<16xf32>,
      %parallel_loop3A_649 = arith.mulf %parallel_loop3A_178, %parallel_loop3A_648 : vector<16xf32>
      %parallel_loop3A_650 = arith.mulf %parallel_loop3A_193, %parallel_loop3A_648 : vector<16xf32>
      %parallel_loop3A_651 = arith.constant 1 : i32
      %parallel_loop3A_652 = vector.broadcast %parallel_loop3A_651 : i32 to vector<16xi32>
      %parallel_loop3A_653 = arith.addi %parallel_loop3A_644, %parallel_loop3A_652 : vector<16xi32>
      %parallel_loop3A_654 = tpu.vector_load_idx %arg10[%parallel_loop3A_653] : memref<12288xf32, #tpu.memory_space<vmem>>[vector<16xi32>], vector<16xf32>,
      %parallel_loop3A_655 = arith.mulf %parallel_loop3A_178, %parallel_loop3A_654 : vector<16xf32>
      %parallel_loop3A_656 = arith.mulf %parallel_loop3A_193, %parallel_loop3A_654 : vector<16xf32>
      %parallel_loop3A_657 = arith.constant 2 : i32
      %parallel_loop3A_658 = vector.broadcast %parallel_loop3A_657 : i32 to vector<16xi32>
      %parallel_loop3A_659 = arith.addi %parallel_loop3A_644, %parallel_loop3A_658 : vector<16xi32>
      %parallel_loop3A_660 = tpu.vector_load_idx %arg10[%parallel_loop3A_659] : memref<12288xf32, #tpu.memory_space<vmem>>[vector<16xi32>], vector<16xf32>,
      %parallel_loop3A_661 = arith.mulf %parallel_loop3A_178, %parallel_loop3A_660 : vector<16xf32>
      %parallel_loop3A_662 = arith.mulf %parallel_loop3A_193, %parallel_loop3A_660 : vector<16xf32>
      %parallel_loop3A_663 = arith.constant 201 : i32
      %parallel_loop3A_664 = vector.broadcast %parallel_loop3A_663 : i32 to vector<16xi32>
      %parallel_loop3A_665 = arith.addi %parallel_loop3A_290, %parallel_loop3A_664 : vector<16xi32>
      %parallel_loop3A_666 = arith.constant 0 : i32
      %parallel_loop3A_667 = vector.broadcast %parallel_loop3A_666 : i32 to vector<16xi32>
      %parallel_loop3A_668 = arith.addi %parallel_loop3A_665, %parallel_loop3A_667 : vector<16xi32>
      %parallel_loop3A_669 = tpu.vector_load_idx %arg10[%parallel_loop3A_668] : memref<12288xf32, #tpu.memory_space<vmem>>[vector<16xi32>], vector<16xf32>,
      %parallel_loop3A_670 = arith.mulf %parallel_loop3A_182, %parallel_loop3A_669 : vector<16xf32>
      %parallel_loop3A_671 = arith.addf %parallel_loop3A_649, %parallel_loop3A_670 : vector<16xf32>
      %parallel_loop3A_672 = arith.mulf %parallel_loop3A_195, %parallel_loop3A_669 : vector<16xf32>
      %parallel_loop3A_673 = arith.addf %parallel_loop3A_650, %parallel_loop3A_672 : vector<16xf32>
      %parallel_loop3A_674 = arith.constant 1 : i32
      %parallel_loop3A_675 = vector.broadcast %parallel_loop3A_674 : i32 to vector<16xi32>
      %parallel_loop3A_676 = arith.addi %parallel_loop3A_665, %parallel_loop3A_675 : vector<16xi32>
      %parallel_loop3A_677 = tpu.vector_load_idx %arg10[%parallel_loop3A_676] : memref<12288xf32, #tpu.memory_space<vmem>>[vector<16xi32>], vector<16xf32>,
      %parallel_loop3A_678 = arith.mulf %parallel_loop3A_182, %parallel_loop3A_677 : vector<16xf32>
      %parallel_loop3A_679 = arith.addf %parallel_loop3A_655, %parallel_loop3A_678 : vector<16xf32>
      %parallel_loop3A_680 = arith.mulf %parallel_loop3A_195, %parallel_loop3A_677 : vector<16xf32>
      %parallel_loop3A_681 = arith.addf %parallel_loop3A_656, %parallel_loop3A_680 : vector<16xf32>
      %parallel_loop3A_682 = arith.constant 2 : i32
      %parallel_loop3A_683 = vector.broadcast %parallel_loop3A_682 : i32 to vector<16xi32>
      %parallel_loop3A_684 = arith.addi %parallel_loop3A_665, %parallel_loop3A_683 : vector<16xi32>
      %parallel_loop3A_685 = tpu.vector_load_idx %arg10[%parallel_loop3A_684] : memref<12288xf32, #tpu.memory_space<vmem>>[vector<16xi32>], vector<16xf32>,
      %parallel_loop3A_686 = arith.mulf %parallel_loop3A_182, %parallel_loop3A_685 : vector<16xf32>
      %parallel_loop3A_687 = arith.addf %parallel_loop3A_661, %parallel_loop3A_686 : vector<16xf32>
      %parallel_loop3A_688 = arith.mulf %parallel_loop3A_195, %parallel_loop3A_685 : vector<16xf32>
      %parallel_loop3A_689 = arith.addf %parallel_loop3A_662, %parallel_loop3A_688 : vector<16xf32>
      %parallel_loop3A_690 = arith.constant 393 : i32
      %parallel_loop3A_691 = vector.broadcast %parallel_loop3A_690 : i32 to vector<16xi32>
      %parallel_loop3A_692 = arith.addi %parallel_loop3A_290, %parallel_loop3A_691 : vector<16xi32>
      %parallel_loop3A_693 = arith.constant 0 : i32
      %parallel_loop3A_694 = vector.broadcast %parallel_loop3A_693 : i32 to vector<16xi32>
      %parallel_loop3A_695 = arith.addi %parallel_loop3A_692, %parallel_loop3A_694 : vector<16xi32>
      %parallel_loop3A_696 = tpu.vector_load_idx %arg10[%parallel_loop3A_695] : memref<12288xf32, #tpu.memory_space<vmem>>[vector<16xi32>], vector<16xf32>,
      %parallel_loop3A_697 = arith.mulf %parallel_loop3A_186, %parallel_loop3A_696 : vector<16xf32>
      %parallel_loop3A_698 = arith.addf %parallel_loop3A_671, %parallel_loop3A_697 : vector<16xf32>
      %parallel_loop3A_699 = arith.mulf %parallel_loop3A_197, %parallel_loop3A_696 : vector<16xf32>
      %parallel_loop3A_700 = arith.addf %parallel_loop3A_673, %parallel_loop3A_699 : vector<16xf32>
      %parallel_loop3A_701 = arith.constant 1 : i32
      %parallel_loop3A_702 = vector.broadcast %parallel_loop3A_701 : i32 to vector<16xi32>
      %parallel_loop3A_703 = arith.addi %parallel_loop3A_692, %parallel_loop3A_702 : vector<16xi32>
      %parallel_loop3A_704 = tpu.vector_load_idx %arg10[%parallel_loop3A_703] : memref<12288xf32, #tpu.memory_space<vmem>>[vector<16xi32>], vector<16xf32>,
      %parallel_loop3A_705 = arith.mulf %parallel_loop3A_186, %parallel_loop3A_704 : vector<16xf32>
      %parallel_loop3A_706 = arith.addf %parallel_loop3A_679, %parallel_loop3A_705 : vector<16xf32>
      %parallel_loop3A_707 = arith.mulf %parallel_loop3A_197, %parallel_loop3A_704 : vector<16xf32>
      %parallel_loop3A_708 = arith.addf %parallel_loop3A_681, %parallel_loop3A_707 : vector<16xf32>
      %parallel_loop3A_709 = arith.constant 2 : i32
      %parallel_loop3A_710 = vector.broadcast %parallel_loop3A_709 : i32 to vector<16xi32>
      %parallel_loop3A_711 = arith.addi %parallel_loop3A_692, %parallel_loop3A_710 : vector<16xi32>
      %parallel_loop3A_712 = tpu.vector_load_idx %arg10[%parallel_loop3A_711] : memref<12288xf32, #tpu.memory_space<vmem>>[vector<16xi32>], vector<16xf32>,
      %parallel_loop3A_713 = arith.mulf %parallel_loop3A_186, %parallel_loop3A_712 : vector<16xf32>
      %parallel_loop3A_714 = arith.addf %parallel_loop3A_687, %parallel_loop3A_713 : vector<16xf32>
      %parallel_loop3A_715 = arith.mulf %parallel_loop3A_197, %parallel_loop3A_712 : vector<16xf32>
      %parallel_loop3A_716 = arith.addf %parallel_loop3A_689, %parallel_loop3A_715 : vector<16xf32>
      %parallel_loop3A_717 = arith.constant 585 : i32
      %parallel_loop3A_718 = vector.broadcast %parallel_loop3A_717 : i32 to vector<16xi32>
      %parallel_loop3A_719 = arith.addi %parallel_loop3A_290, %parallel_loop3A_718 : vector<16xi32>
      %parallel_loop3A_720 = arith.constant 0 : i32
      %parallel_loop3A_721 = vector.broadcast %parallel_loop3A_720 : i32 to vector<16xi32>
      %parallel_loop3A_722 = arith.addi %parallel_loop3A_719, %parallel_loop3A_721 : vector<16xi32>
      %parallel_loop3A_723 = tpu.vector_load_idx %arg10[%parallel_loop3A_722] : memref<12288xf32, #tpu.memory_space<vmem>>[vector<16xi32>], vector<16xf32>,
      %parallel_loop3A_724 = arith.mulf %parallel_loop3A_187, %parallel_loop3A_723 : vector<16xf32>
      %parallel_loop3A_725 = arith.addf %parallel_loop3A_698, %parallel_loop3A_724 : vector<16xf32>
      %parallel_loop3A_726 = arith.mulf %parallel_loop3A_198, %parallel_loop3A_723 : vector<16xf32>
      %parallel_loop3A_727 = arith.addf %parallel_loop3A_700, %parallel_loop3A_726 : vector<16xf32>
      %parallel_loop3A_728 = arith.constant 1 : i32
      %parallel_loop3A_729 = vector.broadcast %parallel_loop3A_728 : i32 to vector<16xi32>
      %parallel_loop3A_730 = arith.addi %parallel_loop3A_719, %parallel_loop3A_729 : vector<16xi32>
      %parallel_loop3A_731 = tpu.vector_load_idx %arg10[%parallel_loop3A_730] : memref<12288xf32, #tpu.memory_space<vmem>>[vector<16xi32>], vector<16xf32>,
      %parallel_loop3A_732 = arith.mulf %parallel_loop3A_187, %parallel_loop3A_731 : vector<16xf32>
      %parallel_loop3A_733 = arith.addf %parallel_loop3A_706, %parallel_loop3A_732 : vector<16xf32>
      %parallel_loop3A_734 = arith.mulf %parallel_loop3A_198, %parallel_loop3A_731 : vector<16xf32>
      %parallel_loop3A_735 = arith.addf %parallel_loop3A_708, %parallel_loop3A_734 : vector<16xf32>
      %parallel_loop3A_736 = arith.constant 2 : i32
      %parallel_loop3A_737 = vector.broadcast %parallel_loop3A_736 : i32 to vector<16xi32>
      %parallel_loop3A_738 = arith.addi %parallel_loop3A_719, %parallel_loop3A_737 : vector<16xi32>
      %parallel_loop3A_739 = tpu.vector_load_idx %arg10[%parallel_loop3A_738] : memref<12288xf32, #tpu.memory_space<vmem>>[vector<16xi32>], vector<16xf32>,
      %parallel_loop3A_740 = arith.mulf %parallel_loop3A_187, %parallel_loop3A_739 : vector<16xf32>
      %parallel_loop3A_741 = arith.addf %parallel_loop3A_714, %parallel_loop3A_740 : vector<16xf32>
      %parallel_loop3A_742 = arith.mulf %parallel_loop3A_198, %parallel_loop3A_739 : vector<16xf32>
      %parallel_loop3A_743 = arith.addf %parallel_loop3A_716, %parallel_loop3A_742 : vector<16xf32>
      %parallel_loop3A_744 = arith.mulf %parallel_loop3A_272, %parallel_loop3A_725 : vector<16xf32>
      %parallel_loop3A_745 = arith.addf %parallel_loop3A_625, %parallel_loop3A_744 : vector<16xf32>
      %parallel_loop3A_746 = arith.mulf %parallel_loop3A_272, %parallel_loop3A_727 : vector<16xf32>
      %parallel_loop3A_747 = arith.addf %parallel_loop3A_627, %parallel_loop3A_746 : vector<16xf32>
      %parallel_loop3A_748 = arith.mulf %parallel_loop3A_283, %parallel_loop3A_725 : vector<16xf32>
      %parallel_loop3A_749 = arith.addf %parallel_loop3A_629, %parallel_loop3A_748 : vector<16xf32>
      %parallel_loop3A_750 = arith.mulf %parallel_loop3A_272, %parallel_loop3A_733 : vector<16xf32>
      %parallel_loop3A_751 = arith.addf %parallel_loop3A_631, %parallel_loop3A_750 : vector<16xf32>
      %parallel_loop3A_752 = arith.mulf %parallel_loop3A_272, %parallel_loop3A_735 : vector<16xf32>
      %parallel_loop3A_753 = arith.addf %parallel_loop3A_633, %parallel_loop3A_752 : vector<16xf32>
      %parallel_loop3A_754 = arith.mulf %parallel_loop3A_283, %parallel_loop3A_733 : vector<16xf32>
      %parallel_loop3A_755 = arith.addf %parallel_loop3A_635, %parallel_loop3A_754 : vector<16xf32>
      %parallel_loop3A_756 = arith.mulf %parallel_loop3A_272, %parallel_loop3A_741 : vector<16xf32>
      %parallel_loop3A_757 = arith.addf %parallel_loop3A_637, %parallel_loop3A_756 : vector<16xf32>
      %parallel_loop3A_758 = arith.mulf %parallel_loop3A_272, %parallel_loop3A_743 : vector<16xf32>
      %parallel_loop3A_759 = arith.addf %parallel_loop3A_639, %parallel_loop3A_758 : vector<16xf32>
      %parallel_loop3A_760 = arith.mulf %parallel_loop3A_283, %parallel_loop3A_741 : vector<16xf32>
      %parallel_loop3A_761 = arith.addf %parallel_loop3A_641, %parallel_loop3A_760 : vector<16xf32>
      %parallel_loop3A_762 = arith.addf %parallel_loop3A_178, %parallel_loop3A_182 : vector<16xf32>
      %parallel_loop3A_763 = arith.addf %parallel_loop3A_186, %parallel_loop3A_187 : vector<16xf32>
      %parallel_loop3A_764 = arith.addf %parallel_loop3A_762, %parallel_loop3A_763 : vector<16xf32>
      %parallel_loop3A_765 = arith.addf %parallel_loop3A_263, %parallel_loop3A_267 : vector<16xf32>
      %parallel_loop3A_766 = arith.addf %parallel_loop3A_271, %parallel_loop3A_272 : vector<16xf32>
      %parallel_loop3A_767 = arith.addf %parallel_loop3A_765, %parallel_loop3A_766 : vector<16xf32>
      %parallel_loop3A_768 = arith.mulf %parallel_loop3A_764, %parallel_loop3A_767 : vector<16xf32>
      %parallel_loop3A_769 = arith.mulf %parallel_loop3A_753, %parallel_loop3A_761 : vector<16xf32>
      %parallel_loop3A_770 = arith.mulf %parallel_loop3A_759, %parallel_loop3A_755 : vector<16xf32>
      %parallel_loop3A_771 = arith.subf %parallel_loop3A_769, %parallel_loop3A_770 : vector<16xf32>
      %parallel_loop3A_772 = arith.mulf %parallel_loop3A_759, %parallel_loop3A_749 : vector<16xf32>
      %parallel_loop3A_773 = arith.mulf %parallel_loop3A_747, %parallel_loop3A_761 : vector<16xf32>
      %parallel_loop3A_774 = arith.subf %parallel_loop3A_772, %parallel_loop3A_773 : vector<16xf32>
      %parallel_loop3A_775 = arith.mulf %parallel_loop3A_747, %parallel_loop3A_755 : vector<16xf32>
      %parallel_loop3A_776 = arith.mulf %parallel_loop3A_753, %parallel_loop3A_749 : vector<16xf32>
      %parallel_loop3A_777 = arith.subf %parallel_loop3A_775, %parallel_loop3A_776 : vector<16xf32>
      %parallel_loop3A_778 = arith.mulf %parallel_loop3A_771, %parallel_loop3A_771 : vector<16xf32>
      %parallel_loop3A_779 = arith.mulf %parallel_loop3A_774, %parallel_loop3A_774 : vector<16xf32>
      %parallel_loop3A_780 = arith.addf %parallel_loop3A_778, %parallel_loop3A_779 : vector<16xf32>
      %parallel_loop3A_781 = arith.mulf %parallel_loop3A_777, %parallel_loop3A_777 : vector<16xf32>
      %parallel_loop3A_782 = arith.addf %parallel_loop3A_780, %parallel_loop3A_781 : vector<16xf32>
      %parallel_loop3A_783 = tpu.bitcast %parallel_loop3A_782 : vector<16xf32> -> vector<16xi32>
      %parallel_loop3A_784 = arith.constant 1597463007 : i32
      %parallel_loop3A_785 = vector.broadcast %parallel_loop3A_784 : i32 to vector<16xi32>
      %parallel_loop3A_786 = arith.constant 1 : i32
      %parallel_loop3A_787 = vector.broadcast %parallel_loop3A_786 : i32 to vector<16xi32>
      %parallel_loop3A_788 = arith.shrui %parallel_loop3A_783, %parallel_loop3A_787 : vector<16xi32>
      %parallel_loop3A_789 = arith.subi %parallel_loop3A_785, %parallel_loop3A_788 : vector<16xi32>
      %parallel_loop3A_790 = tpu.bitcast %parallel_loop3A_789 : vector<16xi32> -> vector<16xf32>
      %parallel_loop3A_791 = arith.constant 5.000000e-01 : f32
      %parallel_loop3A_792 = vector.broadcast %parallel_loop3A_791 : f32 to vector<16xf32>
      %parallel_loop3A_793 = arith.mulf %parallel_loop3A_782, %parallel_loop3A_792 : vector<16xf32>
      %parallel_loop3A_794 = arith.constant 1.500000e+00 : f32
      %parallel_loop3A_795 = vector.broadcast %parallel_loop3A_794 : f32 to vector<16xf32>
      %parallel_loop3A_796 = arith.mulf %parallel_loop3A_793, %parallel_loop3A_790 : vector<16xf32>
      %parallel_loop3A_797 = arith.mulf %parallel_loop3A_796, %parallel_loop3A_790 : vector<16xf32>
      %parallel_loop3A_798 = arith.subf %parallel_loop3A_795, %parallel_loop3A_797 : vector<16xf32>
      %parallel_loop3A_799 = arith.mulf %parallel_loop3A_790, %parallel_loop3A_798 : vector<16xf32>
      %parallel_loop3A_800 = arith.constant 1.500000e+00 : f32
      %parallel_loop3A_801 = vector.broadcast %parallel_loop3A_800 : f32 to vector<16xf32>
      %parallel_loop3A_802 = arith.mulf %parallel_loop3A_793, %parallel_loop3A_799 : vector<16xf32>
      %parallel_loop3A_803 = arith.mulf %parallel_loop3A_802, %parallel_loop3A_799 : vector<16xf32>
      %parallel_loop3A_804 = arith.subf %parallel_loop3A_801, %parallel_loop3A_803 : vector<16xf32>
      %parallel_loop3A_805 = arith.mulf %parallel_loop3A_799, %parallel_loop3A_804 : vector<16xf32>
      %parallel_loop3A_806 = arith.index_cast %parallel_loop3A_69 : i32 to index
      %parallel_loop3A_807 = tpu.vector_load %arg12[%parallel_loop3A_806] {strides = array<i32>} : memref<8192xf32, #tpu.memory_space<vmem>>, vector<16xf32>,
      tpu.vector_store %arg12[%parallel_loop3A_806], %parallel_loop3A_745 {strides = array<i32>} : memref<8192xf32, #tpu.memory_space<vmem>>, vector<16xf32>,
      %parallel_loop3A_808 = arith.index_cast %parallel_loop3A_69 : i32 to index
      %parallel_loop3A_809 = tpu.vector_load %arg13[%parallel_loop3A_808] {strides = array<i32>} : memref<8192xf32, #tpu.memory_space<vmem>>, vector<16xf32>,
      tpu.vector_store %arg13[%parallel_loop3A_808], %parallel_loop3A_751 {strides = array<i32>} : memref<8192xf32, #tpu.memory_space<vmem>>, vector<16xf32>,
      %parallel_loop3A_810 = arith.index_cast %parallel_loop3A_69 : i32 to index
      %parallel_loop3A_811 = tpu.vector_load %arg14[%parallel_loop3A_810] {strides = array<i32>} : memref<8192xf32, #tpu.memory_space<vmem>>, vector<16xf32>,
      tpu.vector_store %arg14[%parallel_loop3A_810], %parallel_loop3A_757 {strides = array<i32>} : memref<8192xf32, #tpu.memory_space<vmem>>, vector<16xf32>,
      %parallel_loop3A_812 = arith.index_cast %parallel_loop3A_69 : i32 to index
      %parallel_loop3A_813 = tpu.vector_load %arg15[%parallel_loop3A_812] {strides = array<i32>} : memref<8192xf32, #tpu.memory_space<vmem>>, vector<16xf32>,
      tpu.vector_store %arg15[%parallel_loop3A_812], %parallel_loop3A_768 {strides = array<i32>} : memref<8192xf32, #tpu.memory_space<vmem>>, vector<16xf32>,
      %parallel_loop3A_814 = arith.mulf %parallel_loop3A_771, %parallel_loop3A_805 : vector<16xf32>
      %parallel_loop3A_815 = arith.index_cast %parallel_loop3A_69 : i32 to index
      %parallel_loop3A_816 = tpu.vector_load %arg16[%parallel_loop3A_815] {strides = array<i32>} : memref<8192xf32, #tpu.memory_space<vmem>>, vector<16xf32>,
      tpu.vector_store %arg16[%parallel_loop3A_815], %parallel_loop3A_814 {strides = array<i32>} : memref<8192xf32, #tpu.memory_space<vmem>>, vector<16xf32>,
      %parallel_loop3A_817 = arith.mulf %parallel_loop3A_774, %parallel_loop3A_805 : vector<16xf32>
      %parallel_loop3A_818 = arith.index_cast %parallel_loop3A_69 : i32 to index
      %parallel_loop3A_819 = tpu.vector_load %arg17[%parallel_loop3A_818] {strides = array<i32>} : memref<8192xf32, #tpu.memory_space<vmem>>, vector<16xf32>,
      tpu.vector_store %arg17[%parallel_loop3A_818], %parallel_loop3A_817 {strides = array<i32>} : memref<8192xf32, #tpu.memory_space<vmem>>, vector<16xf32>,
      %parallel_loop3A_820 = arith.mulf %parallel_loop3A_777, %parallel_loop3A_805 : vector<16xf32>
      %parallel_loop3A_821 = arith.index_cast %parallel_loop3A_69 : i32 to index
      %parallel_loop3A_822 = tpu.vector_load %arg18[%parallel_loop3A_821] {strides = array<i32>} : memref<8192xf32, #tpu.memory_space<vmem>>, vector<16xf32>,
      tpu.vector_store %arg18[%parallel_loop3A_821], %parallel_loop3A_820 {strides = array<i32>} : memref<8192xf32, #tpu.memory_space<vmem>>, vector<16xf32>,
    } {sc.loop_unroll_factor = 5 : i64, sc.parallel_access}
    %add3A_27 = arith.constant 0 : i32
    %add3A_28 = arith.addi %add3A_27, %mul3A_2 : i32
    %dma_start3A_29 = tpu.memref_slice %arg6[%add3A_28] : memref<1048576xf32, #tpu.memory_space<hbm>> -> memref<8192xf32, #tpu.memory_space<hbm>>
    %dma_start3A_30 = tpu.memref_slice %arg6[%add3A_28] : memref<1048576xf32, #tpu.memory_space<hbm>> -> memref<8192xf32, #tpu.memory_space<hbm>>
    tpu.enqueue_dma source(%arg12 : memref<8192xf32, #tpu.memory_space<vmem>>) target(%dma_start3A_30 : memref<8192xf32, #tpu.memory_space<hbm>>) target_semaphore(%arg19 : memref<!tpu.dma_semaphore, #tpu.memory_space<semaphore_mem>>)
    %add3A_31 = arith.constant 262144 : i32
    %add3A_32 = arith.addi %add3A_31, %mul3A_2 : i32
    %dma_start3A_33 = tpu.memref_slice %arg6[%add3A_32] : memref<1048576xf32, #tpu.memory_space<hbm>> -> memref<8192xf32, #tpu.memory_space<hbm>>
    %dma_start3A_34 = tpu.memref_slice %arg6[%add3A_32] : memref<1048576xf32, #tpu.memory_space<hbm>> -> memref<8192xf32, #tpu.memory_space<hbm>>
    tpu.enqueue_dma source(%arg13 : memref<8192xf32, #tpu.memory_space<vmem>>) target(%dma_start3A_34 : memref<8192xf32, #tpu.memory_space<hbm>>) target_semaphore(%arg19 : memref<!tpu.dma_semaphore, #tpu.memory_space<semaphore_mem>>)
    %add3A_35 = arith.constant 524288 : i32
    %add3A_36 = arith.addi %add3A_35, %mul3A_2 : i32
    %dma_start3A_37 = tpu.memref_slice %arg6[%add3A_36] : memref<1048576xf32, #tpu.memory_space<hbm>> -> memref<8192xf32, #tpu.memory_space<hbm>>
    %dma_start3A_38 = tpu.memref_slice %arg6[%add3A_36] : memref<1048576xf32, #tpu.memory_space<hbm>> -> memref<8192xf32, #tpu.memory_space<hbm>>
    tpu.enqueue_dma source(%arg14 : memref<8192xf32, #tpu.memory_space<vmem>>) target(%dma_start3A_38 : memref<8192xf32, #tpu.memory_space<hbm>>) target_semaphore(%arg19 : memref<!tpu.dma_semaphore, #tpu.memory_space<semaphore_mem>>)
    %add3A_39 = arith.constant 786432 : i32
    %add3A_40 = arith.addi %add3A_39, %mul3A_2 : i32
    %dma_start3A_41 = tpu.memref_slice %arg6[%add3A_40] : memref<1048576xf32, #tpu.memory_space<hbm>> -> memref<8192xf32, #tpu.memory_space<hbm>>
    %dma_start3A_42 = tpu.memref_slice %arg6[%add3A_40] : memref<1048576xf32, #tpu.memory_space<hbm>> -> memref<8192xf32, #tpu.memory_space<hbm>>
    tpu.enqueue_dma source(%arg15 : memref<8192xf32, #tpu.memory_space<vmem>>) target(%dma_start3A_42 : memref<8192xf32, #tpu.memory_space<hbm>>) target_semaphore(%arg19 : memref<!tpu.dma_semaphore, #tpu.memory_space<semaphore_mem>>)
    %add3A_43 = arith.constant 0 : i32
    %add3A_44 = arith.addi %add3A_43, %mul3A_2 : i32
    %dma_start3A_45 = tpu.memref_slice %arg7[%add3A_44] : memref<786432xf32, #tpu.memory_space<hbm>> -> memref<8192xf32, #tpu.memory_space<hbm>>
    %dma_start3A_46 = tpu.memref_slice %arg7[%add3A_44] : memref<786432xf32, #tpu.memory_space<hbm>> -> memref<8192xf32, #tpu.memory_space<hbm>>
    tpu.enqueue_dma source(%arg16 : memref<8192xf32, #tpu.memory_space<vmem>>) target(%dma_start3A_46 : memref<8192xf32, #tpu.memory_space<hbm>>) target_semaphore(%arg19 : memref<!tpu.dma_semaphore, #tpu.memory_space<semaphore_mem>>)
    %add3A_47 = arith.constant 262144 : i32
    %add3A_48 = arith.addi %add3A_47, %mul3A_2 : i32
    %dma_start3A_49 = tpu.memref_slice %arg7[%add3A_48] : memref<786432xf32, #tpu.memory_space<hbm>> -> memref<8192xf32, #tpu.memory_space<hbm>>
    %dma_start3A_50 = tpu.memref_slice %arg7[%add3A_48] : memref<786432xf32, #tpu.memory_space<hbm>> -> memref<8192xf32, #tpu.memory_space<hbm>>
    tpu.enqueue_dma source(%arg17 : memref<8192xf32, #tpu.memory_space<vmem>>) target(%dma_start3A_50 : memref<8192xf32, #tpu.memory_space<hbm>>) target_semaphore(%arg19 : memref<!tpu.dma_semaphore, #tpu.memory_space<semaphore_mem>>)
    %add3A_51 = arith.constant 524288 : i32
    %add3A_52 = arith.addi %add3A_51, %mul3A_2 : i32
    %dma_start3A_53 = tpu.memref_slice %arg7[%add3A_52] : memref<786432xf32, #tpu.memory_space<hbm>> -> memref<8192xf32, #tpu.memory_space<hbm>>
    %dma_start3A_54 = tpu.memref_slice %arg7[%add3A_52] : memref<786432xf32, #tpu.memory_space<hbm>> -> memref<8192xf32, #tpu.memory_space<hbm>>
    tpu.enqueue_dma source(%arg18 : memref<8192xf32, #tpu.memory_space<vmem>>) target(%dma_start3A_54 : memref<8192xf32, #tpu.memory_space<hbm>>) target_semaphore(%arg19 : memref<!tpu.dma_semaphore, #tpu.memory_space<semaphore_mem>>)
    %dma_wait3A_55 = tpu.memref_slice %arg6[%add3A_28] : memref<1048576xf32, #tpu.memory_space<hbm>> -> memref<8192xf32, #tpu.memory_space<hbm>>
    %dma_wait3A_56 = tpu.memref_slice %arg6[%add3A_28] : memref<1048576xf32, #tpu.memory_space<hbm>> -> memref<8192xf32, #tpu.memory_space<hbm>>
    tpu.wait_dma2 semaphore(%arg19 : memref<!tpu.dma_semaphore, #tpu.memory_space<semaphore_mem>>) src(%arg12 : memref<8192xf32, #tpu.memory_space<vmem>>) dst(%dma_wait3A_56 : memref<8192xf32, #tpu.memory_space<hbm>>)
    %dma_wait3A_57 = tpu.memref_slice %arg6[%add3A_32] : memref<1048576xf32, #tpu.memory_space<hbm>> -> memref<8192xf32, #tpu.memory_space<hbm>>
    %dma_wait3A_58 = tpu.memref_slice %arg6[%add3A_32] : memref<1048576xf32, #tpu.memory_space<hbm>> -> memref<8192xf32, #tpu.memory_space<hbm>>
    tpu.wait_dma2 semaphore(%arg19 : memref<!tpu.dma_semaphore, #tpu.memory_space<semaphore_mem>>) src(%arg13 : memref<8192xf32, #tpu.memory_space<vmem>>) dst(%dma_wait3A_58 : memref<8192xf32, #tpu.memory_space<hbm>>)
    %dma_wait3A_59 = tpu.memref_slice %arg6[%add3A_36] : memref<1048576xf32, #tpu.memory_space<hbm>> -> memref<8192xf32, #tpu.memory_space<hbm>>
    %dma_wait3A_60 = tpu.memref_slice %arg6[%add3A_36] : memref<1048576xf32, #tpu.memory_space<hbm>> -> memref<8192xf32, #tpu.memory_space<hbm>>
    tpu.wait_dma2 semaphore(%arg19 : memref<!tpu.dma_semaphore, #tpu.memory_space<semaphore_mem>>) src(%arg14 : memref<8192xf32, #tpu.memory_space<vmem>>) dst(%dma_wait3A_60 : memref<8192xf32, #tpu.memory_space<hbm>>)
    %dma_wait3A_61 = tpu.memref_slice %arg6[%add3A_40] : memref<1048576xf32, #tpu.memory_space<hbm>> -> memref<8192xf32, #tpu.memory_space<hbm>>
    %dma_wait3A_62 = tpu.memref_slice %arg6[%add3A_40] : memref<1048576xf32, #tpu.memory_space<hbm>> -> memref<8192xf32, #tpu.memory_space<hbm>>
    tpu.wait_dma2 semaphore(%arg19 : memref<!tpu.dma_semaphore, #tpu.memory_space<semaphore_mem>>) src(%arg15 : memref<8192xf32, #tpu.memory_space<vmem>>) dst(%dma_wait3A_62 : memref<8192xf32, #tpu.memory_space<hbm>>)
    %dma_wait3A_63 = tpu.memref_slice %arg7[%add3A_44] : memref<786432xf32, #tpu.memory_space<hbm>> -> memref<8192xf32, #tpu.memory_space<hbm>>
    %dma_wait3A_64 = tpu.memref_slice %arg7[%add3A_44] : memref<786432xf32, #tpu.memory_space<hbm>> -> memref<8192xf32, #tpu.memory_space<hbm>>
    tpu.wait_dma2 semaphore(%arg19 : memref<!tpu.dma_semaphore, #tpu.memory_space<semaphore_mem>>) src(%arg16 : memref<8192xf32, #tpu.memory_space<vmem>>) dst(%dma_wait3A_64 : memref<8192xf32, #tpu.memory_space<hbm>>)
    %dma_wait3A_65 = tpu.memref_slice %arg7[%add3A_48] : memref<786432xf32, #tpu.memory_space<hbm>> -> memref<8192xf32, #tpu.memory_space<hbm>>
    %dma_wait3A_66 = tpu.memref_slice %arg7[%add3A_48] : memref<786432xf32, #tpu.memory_space<hbm>> -> memref<8192xf32, #tpu.memory_space<hbm>>
    tpu.wait_dma2 semaphore(%arg19 : memref<!tpu.dma_semaphore, #tpu.memory_space<semaphore_mem>>) src(%arg17 : memref<8192xf32, #tpu.memory_space<vmem>>) dst(%dma_wait3A_66 : memref<8192xf32, #tpu.memory_space<hbm>>)
    %dma_wait3A_67 = tpu.memref_slice %arg7[%add3A_52] : memref<786432xf32, #tpu.memory_space<hbm>> -> memref<8192xf32, #tpu.memory_space<hbm>>
    %dma_wait3A_68 = tpu.memref_slice %arg7[%add3A_52] : memref<786432xf32, #tpu.memory_space<hbm>> -> memref<8192xf32, #tpu.memory_space<hbm>>
    tpu.wait_dma2 semaphore(%arg19 : memref<!tpu.dma_semaphore, #tpu.memory_space<semaphore_mem>>) src(%arg18 : memref<8192xf32, #tpu.memory_space<vmem>>) dst(%dma_wait3A_68 : memref<8192xf32, #tpu.memory_space<hbm>>)
    return
  }
}

</mosaic_0001>

<sc_bundles>
// kernel: kernel.3.cloned.1.call-start
scs
__scs_entry_jumppad:
0x0: {  	(pc) =	sbr.rel $0x88, $3  }
0x1: {  	(tag) =	ssettag $0x0;
	lr =	simm.s32 $0x1  }
0x2: {  	[smem:$0x3F9E] =	sst lr;
	_ =	strace $0xD0000000  }
0x3: {  	_ = 	snop  }
0x4: {  	_ = 	snop  }
0x5: {  	_ = 	snop  }
0x6: {  	_ = 	snop  }
0x7: {  	_ = 	snop  }
__scs_overlays_trampoline_lowered:
0x8: {  	[smem:$0x3FAD] =	sst s0  }
0x9: {  	[smem:$0x3FAE] =	sst s1  }
0xa: {  	[smem:$0x3FAF] =	sst s2  }
0xb: {  	[smem:$0x3FB0] =	sst s3  }
0xc: {  	[smem:$0x3FB1] =	sst s4  }
0xd: {  	[smem:$0x3FB2] =	sst s5  }
0xe: {  	[smem:$0x3FB3] =	sst s6  }
0xf: {  	[smem:$0x3FB4] =	sst s7  }
0x10: {  	[smem:$0x3FB5] =	sst s8  }
0x11: {  	[smem:$0x3FB6] =	sst s9;
	s0 =	simm.s32 @!p0 $0x0  }
0x12: {  	s1 =	sld [smem:$0x3F9C];
	s0 =	simm.s32 @p0 $0x1  }
0x13: {  	[smem:$0x3FB7] =	sst s0;
	s0 =	simm.s32 @!p1 $0x0  }
0x14: {  	s2 =	sld [smem:$0x3F9B];
	s0 =	simm.s32 @p1 $0x1  }
0x15: {  	[smem:$0x3FB8] =	sst s0;
	s0 =	simm.s32 @!p2 $0x0  }
0x16: {  	s3 =	sld [smem:$0x3FDB];
	s0 =	simm.s32 @p2 $0x1  }
0x17: {  	s4 =	simm.s32 $0x1BF5;
	[smem:$0x3FBA] =	sst s0  }
0x18: {  	s0 =	sld [smem:$0x3F9D];
	_ =	swait.ge [sflag:s4], $0x0  }
0x19: {  	s7 =	sld [smem:$0x3F9E]  }
0x1a: {  	s8 =	sadd.s32 $0xFFFFE003, lr  }
0x1b: {  	s9 =	sadd.s32 $0xFFFFFEF7, lr;
	s5 =	simm.s32 $0xFFFFFFFF;
	p2 =	slt.u32 s8, $0xFFFFF086  }
0x1c: {  	p1 =	slt.u32 s9, $0xF7A;
	s5 =	simm.s32 @!p2 $0x0  }
0x1d: {  	s5 =	simm.s32 @p1 $0x1;
	p0 =	seq.s32 s7, s2  }
0x1e: {  	s7 =	smul.u32 @!p0 $0xF7A, s2;
	p2 =	seq.s32 @!p0 s5, $0x0  }
0x1f: {  	s9 =	smul.u32 $0xF7A, s1;
	s8 =	simm.s32 @!p0 $0x1BF5;
	p2 =	por !p2, p0  }
0x20: {  	[sflag:s8] =	ssyncset.s32 @!p0 $0xFFFFF086;
	s6 =	sadd.s32 @!p0 s3, s7;
	s7 =	simm.s32 @!p0 $0x108  }
0x21: {  	s3 =	sadd.s32 s3, s9;
	s6 =	sadd.s32 @!p0 $0x88, s6;
	s7 =	simm.s32 @p2 $0x1082  }
0x22: {  	[simem:s7], [sflag:s8] =	dma.local @!p0 [hbm:s6], $0xF7A  }
0x23: {  	s9 =	sor.u32 $0xD0000000, s2;
	s6 =	simm.s32 $0x108;
	_ =	swait.ge @!p0 [sflag:s8], $0x0  }
0x24: {  	s3 =	sadd.s32 $0x88, s3;
	s6 =	simm.s32 @!p1 $0x1082;
	[sflag:s4] =	ssyncset.s32 $0xFFFFF086  }
0x25: {  	[simem:s6], [sflag:s4] =	dma.local [hbm:s3], $0xF7A  }
0x26: {  	[smem:$0x3F9E] =	sst s1;
	(tag) =	ssettag s2;
	_ =	strace s9  }
0x27: {  	s1 =	sld [smem:$0x3FAE]  }
0x28: {  	s2 =	sld [smem:$0x3FAF]  }
0x29: {  	s4 =	sld [smem:$0x3FB1]  }
0x2a: {  	p0 =	seq.s32 s5, $0x0;
	s5 =	sld [smem:$0x3FB2]  }
0x2b: {  	s6 =	sld [smem:$0x3FB3]  }
0x2c: {  	s7 =	sld [smem:$0x3FB4]  }
0x2d: {  	s3 =	simm.s32 $0x108;
	s8 =	sld [smem:$0x3FB5]  }
0x2e: {  	s3 =	simm.s32 @!p0 $0x1082;
	s9 =	sld [smem:$0x3FB6]  }
0x2f: {  	lr =	sadd.s32 s0, s3;
	s0 =	sld [smem:$0x3FAD]  }
0x30: {  	s3 =	sld [smem:$0x3FB0]  }
0x31: {  	[smem:$0x3FB9] =	sst s10  }
0x32: {  	s10 =	sld [smem:$0x3FB7];
	_ =	sdelay $0x3  }
0x33: {  	p0 =	seq.s32 s10, $0x1;
	s10 =	sld [smem:$0x3FB9];
	_ =	sdelay $0x3  }
0x34: {  	[smem:$0x3FB9] =	sst s10  }
0x35: {  	s10 =	sld [smem:$0x3FB8];
	_ =	sdelay $0x3  }
0x36: {  	p1 =	seq.s32 s10, $0x1;
	s10 =	sld [smem:$0x3FB9];
	_ =	sdelay $0x3  }
0x37: {  	[smem:$0x3FB9] =	sst s10  }
0x38: {  	s10 =	sld [smem:$0x3FBA]  }
0x39: {  	_ = 	snop;
	(pc) =	sbr.ind lr, $3  }
0x3a: {  	_ = 	snop  }
0x3b: {  	_ = 	snop  }
0x3c: {  	p2 =	seq.s32 s10, $0x1;
	s10 =	sld [smem:$0x3FB9]  }
0x3d: {  	_ =	shalt  }
0x3e: {  	_ =	shalt  }
0x3f: {  	_ =	shalt  }
0x40: {  	_ =	shalt  }
0x41: {  	_ =	shalt  }
0x42: {  	_ =	shalt  }
0x43: {  	_ =	shalt  }
0x44: {  	_ =	shalt  }
0x45: {  	_ =	shalt  }
0x46: {  	_ =	shalt  }
0x47: {  	_ =	shalt  }
0x48: {  	_ =	shalt  }
0x49: {  	_ =	shalt  }
0x4a: {  	_ =	shalt  }
0x4b: {  	_ =	shalt  }
0x4c: {  	_ =	shalt  }
0x4d: {  	_ =	shalt  }
0x4e: {  	_ =	shalt  }
0x4f: {  	_ =	shalt  }
0x50: {  	_ =	shalt  }
0x51: {  	_ =	shalt  }
0x52: {  	_ =	shalt  }
0x53: {  	_ =	shalt  }
0x54: {  	_ =	shalt  }
0x55: {  	_ =	shalt  }
0x56: {  	_ =	shalt  }
0x57: {  	_ =	shalt  }
0x58: {  	_ =	shalt  }
0x59: {  	_ =	shalt  }
0x5a: {  	_ =	shalt  }
0x5b: {  	_ =	shalt  }
0x5c: {  	_ =	shalt  }
0x5d: {  	_ =	shalt  }
0x5e: {  	_ =	shalt  }
0x5f: {  	_ =	shalt  }
0x60: {  	_ =	shalt  }
0x61: {  	_ =	shalt  }
0x62: {  	_ =	shalt  }
0x63: {  	_ =	shalt  }
0x64: {  	_ =	shalt  }
0x65: {  	_ =	shalt  }
0x66: {  	_ =	shalt  }
0x67: {  	_ =	shalt  }
0x68: {  	_ =	shalt  }
0x69: {  	_ =	shalt  }
0x6a: {  	_ =	shalt  }
0x6b: {  	_ =	shalt  }
0x6c: {  	_ =	shalt  }
0x6d: {  	_ =	shalt  }
0x6e: {  	_ =	shalt  }
0x6f: {  	_ =	shalt  }
0x70: {  	_ =	shalt  }
0x71: {  	_ =	shalt  }
0x72: {  	_ =	shalt  }
0x73: {  	_ =	shalt  }
0x74: {  	_ =	shalt  }
0x75: {  	_ =	shalt  }
0x76: {  	_ =	shalt  }
0x77: {  	_ =	shalt  }
0x78: {  	_ =	shalt  }
0x79: {  	_ =	shalt  }
0x7a: {  	_ =	shalt  }
0x7b: {  	_ =	shalt  }
0x7c: {  	_ =	shalt  }
0x7d: {  	_ =	shalt  }
0x7e: {  	_ =	shalt  }
0x7f: {  	_ =	shalt  }
0x80: {  	_ =	shalt  }
0x81: {  	_ =	shalt  }
0x82: {  	_ =	shalt  }
0x83: {  	_ =	shalt  }
0x84: {  	_ =	shalt  }
0x85: {  	_ =	shalt  }
0x86: {  	_ =	shalt  }
0x87: {  	_ =	shalt  }
.Lfunc_end0:
.L_simem_size_0:
called_computation_lowered:
.L_overlay_start_0:
0x88: {  	s2 =	sld [smem:$0x3FD9]  }
0x89: {  	s3 =	sld [smem:$0x3FFE];
	_ =	sdelay $0x1  }
0x8a: {  	s1 =	srdreg.scid  }
0x8b: {  	s0 =	sand.u32 $0x1, s1  }
0x8c: {  	s14 =	sshll.u32 s0, $0xA;
	s2 =	sadd.s32 s3, s2  }
0x8d: {  	s2 =	sadd.s32 s2, s14  }
0x8e: {  	[smem:$0x3FC5] =	sst s2  }
0x8f: {  	_ = 	snop  }
0x90: {  	s2 =	sld [smem:$0x3FD0];
	_ =	sdelay $0x1  }
0x91: {  	s15 =	sld [smem:$0x3FC9]  }
0x92: {  	s5 =	simm.s32 $0xA;
	s6 =	simm.s32 $0x10;
	s4 =	sld [smem:$0x3FC8]  }
0x93: {  	[smem:s6], [sflag:s5] =	dma.local [hbm:s2], $0x1  }
0x94: {  	_ =	swait.eq [sflag:s5], $0x1  }
0x95: {  	[sflag:s5] =	ssyncset.done $0x0  }
0x96: {  	s16 =	sld [smem:$0x10];
	[sflag:s5] =	ssyncadd.s32 $0xFFFFFFFF  }
0x97: {  	s17 =	sld [smem:$0x11];
	(tm) =	ssettm $0x1  }
0x98: {  	s18 =	sld [smem:$0x3FFB];
	_ =	sdelay $0x3  }
0x99: {  	_ =	strace s18  }
0x9a: {  	s6 =	sld [smem:$0x3FFC];
	_ =	sdelay $0x3  }
0x9b: {  	_ =	strace s6  }
0x9c: {  	s6 =	sld [smem:$0x3FFD];
	_ =	sdelay $0x3  }
0x9d: {  	_ =	strace s6  }
0x9e: {  	_ =	strace $0x8FFFFFFF  }
0x9f: {  	s19 =	sld [smem:$0x3FDB];
	_ =	sdelay $0x1  }
0xa0: {  	s7 =	simm.s32 $_scs_section_size  }
0xa1: {  	s8 =	simm.s32 $_size__tile_overlayer_lowered;
	s9 =	simm.s32 $_tile_overlayer_lowered  }
0xa2: {  	s22 =	simm.s32 $0x1BFF;
	s21 =	sshll.u32 s9, $0x1;
	s6 =	sadd.s32 s7, s19  }
0xa3: {  	s10 =	simm.s32 $0x0;
	s20 =	sshll.u32 s8, $0x1;
	s8 =	sadd.s32 s21, s6  }
0xa4: {  	[timem:s10], [sflag:s22] =	dma.local [hbm:s8], s20  }
0xa5: {  	_ =	swait.ge [sflag:s22], s20  }
0xa6: {  	s7 =	ssub.s32 $0x0, s20;
	[sflag:s22] =	ssyncset.done $0x0  }
0xa7: {  	[sflag:s22] =	ssyncadd.s32 s7;
	_ =	sdelay $0x1  }
0xa8: {  	s23 =	simm.s32 $0x1B8B  }
0xa9: {  	_ =	swait.ge [sflag:s23], $0x1  }
0xaa: {  	[sflag:s23] =	ssyncset.done $0x0  }
0xab: {  	s25 =	simm.s32 $0x1B8E;
	s24 =	sld [smem:$0x3FFE];
	[sflag:s23] =	ssyncadd.s32 $0xFFFFFFFF  }
0xac: {  	s26 =	simm.s32 $execute0_lowered;
	[smem:$0x3FD2] =	sst s25  }
0xad: {  	s8 =	sshll.u32 s26, $0x1;
	_ =	strace $0x80000046;
	[dreg:$0x1] =	wrdreg $0xFFFFFFFF  }
0xae: {  	s28 =	simm.s32 $_size_execute0_lowered;
	s6 =	sadd.s32 s6, s8;
	[dreg:$0x0] =	wrdreg $0x0  }
0xaf: {  	s8 =	sshll.u32 s28, $0x1;
	[dreg:$0x2] =	wrdreg s6  }
0xb0: {  	[dreg:$0x3] =	wrdreg s8  }
0xb1: {  	[dreg:$0x4] =	wrdreg $0xC0  }
0xb2: {  	_ =	task [dreg:s10], $0x5FFFF  }
0xb3: {  	[dreg:$0x1] =	wrdreg $0xFFFFFFFF  }
0xb4: {  	[dreg:$0x0] =	wrdreg $0x60  }
0xb5: {  	[dreg:$0x2] =	wrdreg s15  }
0xb6: {  	[dreg:$0x3] =	wrdreg s4  }
0xb7: {  	[dreg:$0x4] =	wrdreg s16  }
0xb8: {  	[dreg:$0x5] =	wrdreg s24  }
0xb9: {  	[dreg:$0x6] =	wrdreg s17  }
0xba: {  	[dreg:$0x7] =	wrdreg $0x9  }
0xbb: {  	_ =	task.clear_ibuf [dreg:s10], $0x8FFFF;
	_ =	strace $0x90000046  }
0xbc: {  	s29 =	simm.s32 $0x9;
	_ =	strace $0x80000048  }
0xbd: {  	_ =	swait.ge [sflag:s29], $0x1  }
0xbe: {  	[sflag:s29] =	ssyncadd.s32 $0xFFFFFFFF  }
0xbf: {  	_ =	strace $0x90000048  }
0xc0: {  	_ =	sfence  }
0xc1: {  	s30 =	sld [smem:$0x0];
	_ =	sdelay $0x2  }
0xc2: {  	s31 =	sshll.u32 s1, $0xD;
	s1 =	sshrl.u32 s1, $0x2  }
0xc3: {  	s3 =	sand.u32 $0x4000, s31;
	s1 =	sadd.s32 s1, s30  }
0xc4: {  	s0 =	sor.u32 s3, s0;
	s1 =	sshll.u32 s1, $0x11  }
0xc5: {  	s0 =	sor.u32 s1, s0  }
0xc6: {  	s0 =	sadd.s32 $0x8F2B, s0  }
0xc7: {  	[sflag:s0] =	ssyncadd.remote.s32 $0x1  }
0xc8: {  	_ =	sfence.sel $0xFFFF  }
0xc9: {  	[dreg:$0x0] =	wrdreg $0xFFFFFFFF;
	(pc) =	sbr.abs _section_cstart, $3  }
0xca: {  	[dreg:$0x1] =	wrdreg $0xFFFFFFFF  }
0xcb: {  	_ =	task.clear_ibuf [dreg:s10], $0x2FFFF;
	_ =	strace $0x9FFFFFFF  }
0xcc: {  	(tm) =	ssettm $0x7FFFFFFF  }
0xcd: {  	_ =	shalt  }
tec
execute0_lowered:
.L_overlay_start_1:
0x0: {  	(tag) =	ssettag $0x1  }
0x1: {  	s0 =	rddreg [dreg:$0x0]  }
0x2: {  	s1 =	rddreg [dreg:$0x1]  }
0x3: {  	s3 =	rddreg [dreg:$0x3]  }
0x4: {  	s4 =	rddreg [dreg:$0x4];
	s2 =	simm.s32 $0x0;
	s5 =	srdreg.scid  }
0x5: {  	s8 =	stileid.u32;
	s16 =	simm.s32 $0x4000;
	s17 =	simm.s32 $0x7000  }
0x6: {  	s18 =	simm.s32 $0x1;
	[smem:$0x7FF] =	sst s2;
	s5 =	sand.u32 $0x1, s5  }
0x7: {  	s6 =	sadd.s32 $0xC00, s3;
	s8 =	sshll.u32 s8, $0xB;
	s3 =	sadd.s32 $0xE00, s3  }
0x8: {  	_ =	strace $0x80000047;
	s26 =	ssub.s32 $0x2, s5;
	s5 =	sshll.u32 s5, $0xA  }
0x9: {  	[dreg:$0x6] =	wrdreg s6;
	s7 =	sshrl.u32 s26, $0x1;
	s5 =	sor.u32 s5, s8  }
0xa: {  	s6 =	ssub.s32 s26, s7;
	s0 =	sadd.s32 s0, s5;
	s28 =	sadd.s32 s1, s5  }
0xb: {  	s29 =	sor.u32 $0x8000, s5;
	s7 =	sadd.s32 s4, s5;
	s31 =	sor.u32 $0x10000, s5  }
0xc: {  	s11 =	sadd.s32 s3, s5;
	s26 =	simm.s32 $0x0;
	[dreg:$0x7] =	wrdreg s0  }
0xd: {  	[dreg:$0x8] =	wrdreg s28;
	s30 =	sadd.s32 s4, s29;
	s4 =	sadd.s32 s4, s31  }
0xe: {  	s10 =	sadd.s32 $0x18000, s7;
	s12 =	sadd.s32 s3, s29;
	[dreg:$0x9] =	wrdreg s30  }
0xf: {  	s13 =	sadd.s32 s3, s31;
	s14 =	smax.u32 s6, $0x1;
	[dreg:$0xa] =	wrdreg s4  }
.LBB2_1:
0x10: {  	s0 =	rddreg [dreg:$0x7]  }
0x11: {  	[tilespmem:s2], [sflag:$0x1] =	stream.linear.gather [hbm4b:s0+s2], $0x2000, $0x38;
	[tilespmem:$0x15200] =	vst v63  }
0x12: {  	s23 =	rddreg [dreg:$0x8];
	s1 =	simm.s32 $0x2000  }
0x13: {  	[tilespmem:s1], [sflag:$0x1] =	stream.linear.gather [hbm4b:s23+s2], $0x2000, $0x38;
	[tilespmem:$0x15200] =	vst v63  }
0x14: {  	s24 =	rddreg [dreg:$0x2]  }
0x15: {  	[tilespmem:s16], [sflag:$0x1] =	stream.linear.gather [hbm4b:s24+s2], $0x3000, $0x38;
	[tilespmem:$0x15200] =	vst v63  }
0x16: {  	s25 =	rddreg [dreg:$0x6]  }
0x17: {  	[tilespmem:s17], [sflag:$0x1] =	stream.linear.gather [hbm4b:s25+s2], $0x200, $0x38;
	[tilespmem:$0x15200] =	vst v63  }
0x18: {  	_ =	swait.ge [sflag:s18], $0x2000  }
0x19: {  	[sflag:s18] =	ssyncset.done $0x0  }
0x1a: {  	[sflag:s18] =	ssyncadd.s32 $0xFFFFE000  }
0x1b: {  	_ =	swait.ge [sflag:s18], $0x2000  }
0x1c: {  	[sflag:s18] =	ssyncset.done $0x0  }
0x1d: {  	[sflag:s18] =	ssyncadd.s32 $0xFFFFE000  }
0x1e: {  	_ =	swait.ge [sflag:s18], $0x3000  }
0x1f: {  	s28 =	simm.s32 $0xFFFFFFB0;
	s29 =	simm.s32 $0x20;
	[sflag:s18] =	ssyncset.done $0x0  }
0x20: {  	s30 =	simm.s32 $0x2020;
	s31 =	simm.s32 $0x7220;
	[sflag:s18] =	ssyncadd.s32 $0xFFFFD000  }
0x21: {  	s3 =	simm.s32 $0xB220;
	s15 =	simm.s32 $0xF220;
	_ =	swait.ge [sflag:s18], $0x200  }
0x22: {  	s19 =	simm.s32 $0x11220;
	s20 =	simm.s32 $0x13220;
	[sflag:s18] =	ssyncset.done $0x0  }
0x23: {  	s0 =	simm.s32 $0x9220;
	s1 =	simm.s32 $0xD220;
	[sflag:s18] =	ssyncadd.s32 $0xFFFFFE00  }
.LBB2_2:
0x24: {  	v0 =	vld [tilespmem:s29+$0xFFFFFFE0];
	_ =	sdelay $0x4  }
0x25: {  	v1 =	vmul.f32 $6.100000000e+01, v0;
	_ =	sdelay $0x1  }
0x26: {  	v1 =	vtrunc.f32 v1  }
0x27: {  	v1 =	vcvt.f32.s32 v1  }
0x28: {  	v10 =	vld [tilespmem:s30+$0xFFFFFFE0];
	v2 =	vadd.f32 $-9.836065760e-01, v0  }
0x29: {  	vm0 =	vgt.s32 v1, $0x0  }
0x2a: {  	v2 =	vand.u32 $0x7FFFFFFF, v2;
	v1 =	vnsel vm0, $0x0, v1  }
0x2b: {  	vm9 =	vle.f32 v2, $1.983606490e-05;
	v1 =	vmin.u32 v1, $0x3C  }
0x2c: {  	v7 =	vsel vm9, $0x3C, v1  }
0x2d: {  	v6 =	vmul.f32 $6.100000000e+01, v10;
	v1 =	vadd.s32 $0x1, v7  }
0x2e: {  	v3 =	vadd.s32 $0x3, v7  }
0x2f: {  	v6 =	vtrunc.f32 v6;
	v55 =	vadd.s32 $0x2, v7  }
0x30: {  	v6 =	vcvt.f32.s32 v6;
	v5 =	vadd.s32 $0x48, v7  }
0x31: {  	v11 =	vadd.f32 $-9.836065760e-01, v10;
	v4 =	vadd.s32 $0x4, v7  }
0x32: {  	vm10 =	vgt.s32 v6, $0x0;
	v8 =	vadd.s32 $0x88, v7;
	v1 =	vld.idx.msk [tilespmem:v1+s17+$0x0], $0xffff  }
0x33: {  	v11 =	vand.u32 $0x7FFFFFFF, v11;
	v6 =	vnsel vm10, $0x0, v6;
	v9 =	vadd.s32 $0xC8, v7;
	v3 =	vld.idx.msk [tilespmem:v3+s17+$0x0], $0xffff  }
0x34: {  	vm11 =	vle.f32 v11, $1.983606490e-05;
	v6 =	vmin.u32 v6, $0x3C;
	v2 =	vld.idx.msk [tilespmem:v55+s17+$0x0], $0xffff  }
0x35: {  	v15 =	vsel vm11, $0x3C, v6;
	v5 =	vld.idx.msk [tilespmem:v5+s17+$0x0], $0xffff  }
0x36: {  	v12 =	vadd.s32 $0x108, v7;
	v4 =	vld.idx.msk [tilespmem:v4+s17+$0x0], $0xffff  }
0x37: {  	v56 =	vadd.s32 $0x5, v7;
	v8 =	vld.idx.msk [tilespmem:v8+s17+$0x0], $0xffff  }
0x38: {  	v16 =	vadd.s32 $0x188, v7;
	v9 =	vld.idx.msk [tilespmem:v9+s17+$0x0], $0xffff;
	v3 =	vsub.f32 v3, v0  }
0x39: {  	v13 =	vadd.s32 $0x148, v7;
	v57 =	vld.idx.msk [tilespmem:v7+s17+$0x0], $0xffff;
	v2 =	vsub.f32 v0, v2  }
0x3a: {  	v59 =	vadd.s32 $0x1, v15;
	v18 =	vadd.s32 $0x3, v15;
	v32 =	vld.idx.msk [tilespmem:v15+s17+$0x0], $0xffff;
	v14 =	vmul.f32 v5, v3  }
0x3b: {  	v19 =	vadd.s32 $0x2, v15;
	v20 =	vadd.s32 $0x4, v15;
	v12 =	vld.idx.msk [tilespmem:v12+s17+$0x0], $0xffff;
	v5 =	vmul.f32 v5, v2  }
0x3c: {  	v60 =	vadd.s32 $0x48, v15;
	v11 =	vld.idx.msk [tilespmem:v56+s17+$0x0], $0xffff;
	v1 =	vsub.f32 v0, v1;
	v8 =	vmul.f32 v8, v14  }
0x3d: {  	v62 =	vadd.s32 $0x88, v15;
	v16 =	vld.idx.msk [tilespmem:v16+s17+$0x0], $0xffff;
	v4 =	vsub.f32 v4, v0;
	v5 =	vmul.f32 v9, v5  }
0x3e: {  	v24 =	vadd.s32 $0xC8, v15;
	v28 =	vadd.s32 $0x108, v15;
	v58 =	vld.idx.msk [tilespmem:v13+s17+$0x0], $0xffff;
	v14 =	vmul.f32 v8, v1  }
0x3f: {  	v21 =	vadd.s32 $0x5, v15;
	v61 =	vld.idx.msk [tilespmem:v59+s17+$0x0], $0xffff;
	v17 =	vmul.f32 v5, v4;
	v8 =	vmul.f32 v8, v3  }
0x40: {  	v23 =	vadd.s32 $0x148, v15;
	v35 =	vadd.s32 $0x188, v15;
	v27 =	vld.idx.msk [tilespmem:v20+s17+$0x0], $0xffff;
	v5 =	vmul.f32 v5, v2  }
0x41: {  	v63 =	vld.idx.msk [tilespmem:v18+s17+$0x0], $0xffff;
	v6 =	vsub.f32 v0, v57;
	v14 =	vadd.f32 v17, v14;
	v8 =	vmul.f32 v12, v8  }
0x42: {  	v7 =	vmul.u32 $0xC0, v7;
	v19 =	vld.idx.msk [tilespmem:v19+s17+$0x0], $0xffff;
	v0 =	vsub.f32 v11, v0;
	v25 =	vmul.f32 v16, v5  }
0x43: {  	v15 =	vmul.u32 $0x3, v15;
	v26 =	vld.idx.msk [tilespmem:v60+s17+$0x0], $0xffff;
	v9 =	vmul.f32 v14, v58;
	v6 =	vmul.f32 v8, v6  }
0x44: {  	v21 =	vld.idx.msk [tilespmem:v21+s17+$0x0], $0xffff;
	v12 =	vsub.f32 v10, v61;
	v3 =	vmul.f32 v8, v3;
	v0 =	vmul.f32 v25, v0  }
0x45: {  	v17 =	vsub.f32 v27, v10;
	v5 =	vmul.f32 v25, v2;
	v22 =	vmul.f32 $3.000000000e+00, v8  }
0x46: {  	v14 =	vsub.f32 v63, v10;
	v4 =	vmul.f32 v9, v4;
	v29 =	vsub.f32 v8, v9  }
0x47: {  	v13 =	vld.idx.msk [tilespmem:v62+s17+$0x0], $0xffff;
	v1 =	vmul.f32 v9, v1;
	v31 =	vsub.f32 v9, v25;
	v9 =	vsub.f32 v10, v19  }
0x48: {  	v33 =	vmul.f32 v26, v14;
	v8 =	vadd.s32 v7, v15;
	v19 =	vsub.f32 v10, v32  }
0x49: {  	v30 =	vld.idx.msk [tilespmem:v24+s17+$0x0], $0xffff;
	v10 =	vsub.f32 v21, v10;
	v15 =	vadd.s32 $0x1, v8;
	v40 =	vadd.s32 $0xC0, v8  }
0x4a: {  	v41 =	vadd.s32 $0x2, v8;
	v42 =	vadd.s32 $0xC1, v8;
	v43 =	vadd.s32 $0x180, v8  }
0x4b: {  	v34 =	vld.idx.msk [tilespmem:v28+s17+$0x0], $0xffff;
	v27 =	vadd.s32 $0xC2, v8;
	v44 =	vand.u32 $0x7F, v8;
	v28 =	vadd.s32 $0x181, v8  }
0x4c: {  	v4 =	vadd.f32 v4, v6;
	v16 =	vmul.f32 v26, v9;
	v13 =	vmul.f32 v13, v33  }
0x4d: {  	v36 =	vld.idx.msk [tilespmem:v23+s17+$0x0], $0xffff;
	v6 =	vadd.f32 v0, v1;
	v2 =	vmul.f32 $3.000000000e+00, v29;
	v1 =	vmul.f32 $3.000000000e+00, v31  }
0x4e: {  	v20 =	vld.idx.msk [tilespmem:v35+s17+$0x0], $0xffff;
	v53 =	vadd.s32 $0x241, v8;
	v16 =	vmul.f32 v30, v16;
	v37 =	vmul.f32 v13, v14  }
0x4f: {  	v35 =	vadd.s32 $0x184, v8;
	v0 =	vmul.f32 $3.000000000e+00, v25;
	v38 =	vmul.f32 v13, v12;
	v25 =	vld.idx.msk [tilespmem:v8+s16+$0x0], $0xffff  }
0x50: {  	v11 =	vand.u32 $0xFF80, v43;
	v39 =	vmul.f32 v16, v17;
	v18 =	vmul.f32 v34, v37;
	v26 =	vld.idx.msk [tilespmem:v15+s16+$0x0], $0xffff  }
0x51: {  	v29 =	vadd.s32 $0x182, v8;
	v31 =	vadd.s32 $0x240, v8;
	v46 =	vor.u32 v44, v11;
	v45 =	vld.idx.msk [tilespmem:v40+s16+$0x0], $0xffff  }
0x52: {  	v16 =	vmul.f32 v16, v9;
	v21 =	vld.idx.msk [tilespmem:v41+s16+$0x0], $0xffff;
	v13 =	vadd.f32 v39, v38;
	v7 =	vmul.f32 v18, v14  }
0x53: {  	v11 =	vsub.f32 $0.0e+00, v22;
	v48 =	vld.idx.msk [tilespmem:v42+s16+$0x0], $0xffff;
	v19 =	vmul.f32 v18, v19;
	v47 =	vmul.f32 $3.000000000e+00, v18  }
0x54: {  	v33 =	vadd.s32 $0x242, v8;
	v27 =	vld.idx.msk [tilespmem:v27+s16+$0x0], $0xffff;
	v24 =	vmul.f32 v13, v36;
	v13 =	vmul.f32 v20, v16  }
0x55: {  	v44 =	vadd.s32 $0xC4, v8;
	v28 =	vld.idx.msk [tilespmem:v28+s16+$0x0], $0xffff;
	v49 =	vmul.f32 v25, v3;
	v50 =	vmul.f32 v25, v11  }
0x56: {  	v40 =	vadd.s32 $0x5, v8;
	v51 =	vmul.f32 v26, v3;
	v26 =	vmul.f32 v26, v11  }
0x57: {  	v42 =	vadd.s32 $0xC3, v8;
	v29 =	vld.idx.msk [tilespmem:v29+s16+$0x0], $0xffff;
	v30 =	vmul.f32 v45, v4;
	v32 =	vmul.f32 v21, v3  }
0x58: {  	v31 =	vld.idx.msk [tilespmem:v31+s16+$0x0], $0xffff;
	v38 =	vadd.s32 $0x3, v8;
	v20 =	vmul.f32 v45, v2;
	v21 =	vmul.f32 v21, v11  }
0x59: {  	v63 =	vld.idx.msk [tilespmem:v33+s16+$0x0], $0xffff;
	v39 =	vadd.s32 $0x4, v8;
	v52 =	vmul.f32 v48, v4;
	v54 =	vmul.f32 v27, v4  }
0x5a: {  	v23 =	vld.idx.msk [tilespmem:v46+s16+$0x0], $0xffff;
	v46 =	vadd.s32 $0xC5, v8;
	v55 =	vmul.f32 v27, v2;
	v57 =	vmul.f32 v28, v6  }
0x5b: {  	v16 =	vsub.f32 $0.0e+00, v47;
	v59 =	vmul.f32 v28, v1;
	v17 =	vmul.f32 v24, v17  }
0x5c: {  	v33 =	vld.idx.msk [tilespmem:v44+s16+$0x0], $0xffff;
	v47 =	vadd.s32 $0x183, v8;
	v12 =	vmul.f32 v24, v12;
	v22 =	vmul.f32 v13, v10  }
0x5d: {  	v28 =	vld.idx.msk [tilespmem:v40+s16+$0x0], $0xffff;
	v40 =	vadd.s32 $0x244, v8;
	v10 =	vmul.f32 v48, v2;
	v61 =	vmul.f32 v29, v6  }
0x5e: {  	v18 =	vsub.f32 v18, v24;
	v62 =	vmul.f32 v29, v1;
	v36 =	vmul.f32 v31, v5  }
0x5f: {  	v24 =	vsub.f32 v24, v13;
	v37 =	vmul.f32 v31, v0;
	v43 =	vmul.f32 v63, v5  }
0x60: {  	v27 =	vmul.f32 v63, v0;
	v14 =	vadd.f32 v30, v49;
	v25 =	vadd.f32 v52, v51  }
0x61: {  	v35 =	vld.idx.msk [tilespmem:v35+s16+$0x0], $0xffff;
	v56 =	vmul.f32 v23, v6;
	v30 =	vadd.f32 v54, v32;
	v23 =	vmul.f32 v23, v1  }
0x62: {  	v21 =	vadd.f32 v55, v21;
	v45 =	vld.idx.msk [tilespmem:v38+s16+$0x0], $0xffff;
	v38 =	vadd.s32 $0x243, v8;
	v52 =	vmul.f32 v33, v4  }
0x63: {  	v49 =	vld.idx.msk [tilespmem:v46+s16+$0x0], $0xffff;
	v33 =	vmul.f32 v33, v2;
	v15 =	vmul.f32 $3.000000000e+00, v18;
	v18 =	vadd.f32 v20, v50  }
0x64: {  	v46 =	vadd.s32 $0x6, v8;
	v10 =	vadd.f32 v10, v26;
	v20 =	vld.idx.msk [tilespmem:v53+s16+$0x0], $0xffff;
	v12 =	vadd.f32 v22, v12  }
0x65: {  	v58 =	vadd.f32 v56, v14;
	v14 =	vmul.f32 $3.000000000e+00, v24;
	v60 =	vadd.f32 v57, v25  }
0x66: {  	v24 =	vadd.f32 v61, v30;
	v21 =	vadd.f32 v62, v21;
	v62 =	vmul.f32 v35, v1  }
0x67: {  	v25 =	vld.idx.msk [tilespmem:v39+s16+$0x0], $0xffff;
	v18 =	vadd.f32 v23, v18;
	v39 =	vmul.f32 v28, v3;
	v28 =	vmul.f32 v28, v11  }
0x68: {  	v30 =	vld.idx.msk [tilespmem:v42+s16+$0x0], $0xffff;
	v26 =	vadd.f32 v36, v58;
	v24 =	vadd.f32 v43, v24;
	v48 =	vmul.f32 v45, v3  }
0x69: {  	v31 =	vld.idx.msk [tilespmem:v47+s16+$0x0], $0xffff;
	v21 =	vadd.f32 v27, v21;
	v53 =	vmul.f32 v49, v4;
	v41 =	vmul.f32 v20, v5  }
0x6a: {  	v18 =	vadd.f32 v37, v18;
	v20 =	vmul.f32 v20, v0;
	v27 =	vmul.f32 v26, v7  }
0x6b: {  	v42 =	vadd.s32 $0x245, v8;
	v26 =	vmul.f32 v26, v16;
	v36 =	vmul.f32 v24, v7  }
0x6c: {  	v10 =	vadd.f32 v59, v10;
	v58 =	vld.idx.msk [tilespmem:v40+s16+$0x0], $0xffff;
	v18 =	vmul.f32 v18, v7;
	v50 =	vmul.f32 v25, v3  }
0x6d: {  	v37 =	vadd.s32 $0x185, v8;
	v25 =	vmul.f32 v25, v11;
	v51 =	vmul.f32 v30, v2  }
0x6e: {  	v56 =	vadd.f32 v53, v39;
	v57 =	vmul.f32 v31, v6;
	v59 =	vmul.f32 v31, v1  }
0x6f: {  	v39 =	vadd.s32 $0xB, v8;
	v10 =	vadd.f32 v20, v10;
	v20 =	vmul.f32 v45, v11  }
0x70: {  	v55 =	vld.idx.msk [tilespmem:v38+s16+$0x0], $0xffff;
	v23 =	vadd.f32 v41, v60;
	v41 =	vmul.f32 v30, v4;
	v60 =	vmul.f32 v35, v6  }
0x71: {  	v54 =	vadd.f32 v52, v50;
	v25 =	vadd.f32 v33, v25;
	v43 =	vmul.f32 v58, v5  }
0x72: {  	v44 =	vmul.f32 v58, v0;
	v52 =	vadd.s32 $0xC6, v8;
	v32 =	vmul.f32 v23, v7  }
0x73: {  	v34 =	vmul.f32 v10, v7;
	v23 =	vmul.f32 v23, v16;
	v10 =	vadd.f32 v17, v19  }
0x74: {  	v61 =	vld.idx.msk [tilespmem:v42+s16+$0x0], $0xffff;
	v17 =	vmul.f32 v21, v7;
	v19 =	vadd.f32 v41, v48;
	v21 =	vmul.f32 v49, v2  }
0x75: {  	v20 =	vadd.f32 v51, v20;
	v41 =	vmul.f32 v55, v5;
	v42 =	vmul.f32 v55, v0  }
0x76: {  	v53 =	vld.idx.msk [tilespmem:v46+s16+$0x0], $0xffff;
	v48 =	vadd.s32 $0x7, v8;
	v51 =	vadd.s32 $0x8, v8;
	v16 =	vmul.f32 v24, v16  }
0x77: {  	v22 =	vadd.f32 v60, v54;
	v25 =	vadd.f32 v62, v25;
	v54 =	vadd.s32 $0xC7, v8  }
0x78: {  	v37 =	vld.idx.msk [tilespmem:v37+s16+$0x0], $0xffff;
	v60 =	vadd.s32 $0x186, v8;
	v62 =	vadd.s32 $0x187, v8;
	v21 =	vadd.f32 v21, v28  }
0x79: {  	v19 =	vadd.f32 v57, v19;
	v20 =	vadd.f32 v59, v20;
	v45 =	vmul.f32 v61, v5  }
0x7a: {  	v49 =	vmul.f32 v61, v0;
	v57 =	vadd.s32 $0xC8, v8;
	v7 =	vadd.f32 v10, v7  }
0x7b: {  	v22 =	vadd.f32 v43, v22;
	v25 =	vadd.f32 v44, v25;
	v43 =	vmul.f32 v53, v3  }
0x7c: {  	v44 =	vadd.s32 $0x246, v8;
	v19 =	vadd.f32 v41, v19;
	v20 =	vadd.f32 v42, v20  }
0x7d: {  	v42 =	vadd.s32 $0x188, v8;
	v63 =	vmul.f32 v37, v6;
	v40 =	vmul.f32 v37, v1  }
0x7e: {  	v61 =	vld.idx.msk [tilespmem:v52+s16+$0x0], $0xffff;
	v41 =	vadd.s32 $0xC9, v8;
	v55 =	vmul.f32 v22, v10;
	v25 =	vmul.f32 v25, v10  }
0x7f: {  	v22 =	vmul.f32 v22, v15;
	v59 =	vld.idx.msk [tilespmem:v51+s16+$0x0], $0xffff;
	v50 =	vmul.f32 v19, v10;
	v30 =	vadd.f32 v63, v56  }
0x80: {  	v20 =	vmul.f32 v20, v10;
	v21 =	vadd.f32 v40, v21;
	v25 =	vadd.f32 v25, v34  }
0x81: {  	v19 =	vmul.f32 v19, v15;
	v35 =	vld.idx.msk [tilespmem:v60+s16+$0x0], $0xffff;
	v22 =	vadd.f32 v22, v23;
	v24 =	vadd.f32 v50, v27  }
0x82: {  	v56 =	vld.idx.msk [tilespmem:v48+s16+$0x0], $0xffff;
	v48 =	vadd.s32 $0x248, v8;
	v18 =	vadd.f32 v20, v18;
	v27 =	vadd.f32 v55, v32  }
0x83: {  	v31 =	vld.idx.msk [tilespmem:v62+s16+$0x0], $0xffff;
	v20 =	vmul.f32 v53, v11;
	v47 =	vadd.f32 v45, v30;
	v37 =	vmul.f32 v61, v4  }
0x84: {  	v21 =	vadd.f32 v49, v21;
	v32 =	vmul.f32 v61, v2;
	v46 =	vmul.f32 v59, v3  }
0x85: {  	v63 =	vld.idx.msk [tilespmem:v54+s16+$0x0], $0xffff;
	v19 =	vadd.f32 v19, v26;
	v33 =	vmul.f32 v59, v11;
	v58 =	vmul.f32 v47, v10  }
0x86: {  	v26 =	vld.idx.msk [tilespmem:v42+s16+$0x0], $0xffff;
	v42 =	vadd.s32 $0xCA, v8;
	v21 =	vmul.f32 v21, v10;
	v15 =	vmul.f32 v47, v15  }
0x87: {  	v34 =	vld.idx.msk [tilespmem:v44+s16+$0x0], $0xffff;
	v47 =	vadd.s32 $0x247, v8;
	v29 =	vadd.f32 v37, v43;
	v51 =	vmul.f32 v35, v6  }
0x88: {  	v30 =	vld.idx.msk [tilespmem:v57+s16+$0x0], $0xffff;
	v20 =	vadd.f32 v32, v20;
	v52 =	vmul.f32 v35, v1;
	v54 =	vmul.f32 v31, v6  }
0x89: {  	v31 =	vmul.f32 v31, v1;
	v37 =	vadd.s32 $0xA, v8;
	v45 =	vmul.f32 v56, v3  }
0x8a: {  	v28 =	vmul.f32 v56, v11;
	v49 =	vmul.f32 v63, v4;
	v23 =	vadd.f32 v58, v36  }
0x8b: {  	v17 =	vadd.f32 v21, v17;
	v15 =	vadd.f32 v15, v16;
	v21 =	vmul.f32 v63, v2  }
0x8c: {  	v20 =	vadd.f32 v52, v20;
	v57 =	vmul.f32 v34, v5;
	v59 =	vmul.f32 v34, v0  }
0x8d: {  	v55 =	vld.idx.msk [tilespmem:v48+s16+$0x0], $0xffff;
	v36 =	vadd.s32 $0x9, v8;
	v50 =	vmul.f32 v30, v4;
	v30 =	vmul.f32 v30, v2  }
0x8e: {  	v16 =	vadd.f32 v49, v45;
	v56 =	vmul.f32 v26, v6;
	v26 =	vmul.f32 v26, v1  }
0x8f: {  	v45 =	vadd.s32 $0xCB, v8;
	v21 =	vadd.f32 v21, v28;
	v28 =	vadd.f32 v51, v29  }
0x90: {  	v48 =	vld.idx.msk [tilespmem:v41+s16+$0x0], $0xffff;
	v49 =	vadd.s32 $0x18A, v8;
	v20 =	vadd.f32 v59, v20;
	v32 =	vadd.f32 v50, v46  }
0x91: {  	v51 =	vadd.s32 $0x18B, v8;
	v30 =	vadd.f32 v30, v33;
	v16 =	vadd.f32 v54, v16  }
0x92: {  	v53 =	vld.idx.msk [tilespmem:v47+s16+$0x0], $0xffff;
	v47 =	vadd.s32 $0x189, v8;
	v21 =	vadd.f32 v31, v21;
	v62 =	vmul.f32 v55, v5  }
0x93: {  	v28 =	vadd.f32 v57, v28;
	v63 =	vmul.f32 v55, v0;
	v20 =	vmul.f32 v20, v12  }
0x94: {  	v44 =	vld.idx.msk [tilespmem:v37+s16+$0x0], $0xffff;
	v55 =	vadd.s32 $0x24A, v8;
	v58 =	vadd.f32 v56, v32;
	v32 =	vmul.f32 v13, v9  }
0x95: {  	v33 =	vld.idx.msk [tilespmem:v39+s16+$0x0], $0xffff;
	v26 =	vadd.f32 v26, v30;
	v13 =	vmul.f32 $3.000000000e+00, v13;
	v56 =	vmul.f32 v48, v4  }
0x96: {  	v38 =	vmul.f32 v28, v12;
	v18 =	vadd.f32 v20, v18;
	v30 =	vadd.f32 v62, v58  }
0x97: {  	v43 =	vld.idx.msk [tilespmem:v36+s16+$0x0], $0xffff;
	v28 =	vmul.f32 v28, v14;
	v26 =	vadd.f32 v63, v26;
	v35 =	vadd.f32 v12, v32  }
0x98: {  	v20 =	vld.idx.msk [tilespmem:v42+s16+$0x0], $0xffff;
	v60 =	vmul.f32 v53, v5;
	v61 =	vmul.f32 v53, v0;
	v24 =	vadd.f32 v38, v24  }
0x99: {  	v29 =	vld.idx.msk [tilespmem:v45+s16+$0x0], $0xffff;
	v19 =	vadd.f32 v28, v19;
	v52 =	vmul.f32 v44, v3;
	v53 =	vadd.s32 $0x249, v8  }
0x9a: {  	v28 =	vmul.f32 v44, v11;
	v54 =	vmul.f32 v33, v3;
	v8 =	vadd.s32 $0x24B, v8  }
0x9b: {  	v58 =	vld.idx.msk [tilespmem:v51+s16+$0x0], $0xffff;
	v46 =	vmul.f32 v30, v12;
	v26 =	vmul.f32 v26, v12;
	v16 =	vadd.f32 v60, v16  }
0x9c: {  	v34 =	vld.idx.msk [tilespmem:v47+s16+$0x0], $0xffff;
	v21 =	vadd.f32 v61, v21;
	v50 =	vmul.f32 v43, v3;
	v9 =	vmul.f32 v43, v11  }
0x9d: {  	v11 =	vmul.f32 v33, v11;
	v3 =	vadd.f32 v4, v3;
	v57 =	vmul.f32 v20, v4  }
0x9e: {  	v23 =	vadd.f32 v46, v23;
	v20 =	vmul.f32 v20, v2;
	v59 =	vmul.f32 v29, v4  }
0x9f: {  	v17 =	vadd.f32 v26, v17;
	v40 =	vmul.f32 v16, v12;
	v21 =	vmul.f32 v21, v12  }
0xa0: {  	v63 =	vld.idx.msk [tilespmem:v55+s16+$0x0], $0xffff;
	v16 =	vmul.f32 v16, v14;
	v14 =	vmul.f32 v30, v14;
	v26 =	vadd.f32 v56, v50  }
0xa1: {  	v39 =	vmul.f32 v58, v6;
	v60 =	vld.idx.msk [tilespmem:v53+s16+$0x0], $0xffff;
	v20 =	vadd.f32 v20, v28;
	v61 =	vmul.f32 v34, v6  }
0xa2: {  	v62 =	vmul.f32 v34, v1;
	v30 =	vadd.f32 v59, v54;
	v21 =	vadd.f32 v21, v25;
	v25 =	vld.idx.msk [tilespmem:v49+s16+$0x0], $0xffff  }
0xa3: {  	v27 =	vadd.f32 v40, v27;
	v16 =	vadd.f32 v16, v22;
	v22 =	vmul.f32 v48, v2  }
0xa4: {  	v14 =	vadd.f32 v14, v15;
	v15 =	vadd.f32 v57, v52;
	v2 =	vmul.f32 v29, v2  }
0xa5: {  	v8 =	vld.idx.msk [tilespmem:v8+s16+$0x0], $0xffff;
	v42 =	vmul.f32 v63, v5;
	v43 =	vmul.f32 v63, v0;
	v9 =	vadd.f32 v22, v9  }
0xa6: {  	v26 =	vadd.f32 v61, v26;
	v2 =	vadd.f32 v2, v11;
	v40 =	vmul.f32 v60, v5  }
0xa7: {  	v38 =	vadd.f32 v62, v9;
	v9 =	vld [tilespmem:s29+$0xFFFFFFF0];
	v62 =	vadd.f32 v6, v5;
	v37 =	vmul.f32 v25, v6  }
0xa8: {  	v41 =	vmul.f32 v60, v0;
	v25 =	vmul.f32 v25, v1;
	v22 =	vadd.f32 v40, v26  }
0xa9: {  	v1 =	vmul.f32 v58, v1;
	v3 =	vadd.f32 v62, v3;
	v11 =	vadd.f32 v37, v15  }
0xaa: {  	v44 =	vmul.f32 v8, v5;
	v20 =	vadd.f32 v25, v20;
	v15 =	vadd.f32 v39, v30  }
0xab: {  	v0 =	vmul.f32 v8, v0;
	v1 =	vadd.f32 v1, v2;
	v25 =	vadd.f32 v41, v38  }
0xac: {  	v46 =	vmul.f32 v22, v32;
	v2 =	vadd.f32 v42, v11;
	v45 =	vmul.f32 $6.100000000e+01, v9  }
0xad: {  	v49 =	vmul.f32 v22, v13;
	v20 =	vadd.f32 v43, v20;
	v11 =	vadd.f32 v44, v15  }
0xae: {  	v47 =	vmul.f32 v25, v32;
	v1 =	vadd.f32 v0, v1;
	v48 =	vtrunc.f32 v45  }
0xaf: {  	v51 =	vadd.f32 $-9.836065760e-01, v9;
	v8 =	vadd.f32 v46, v24;
	v50 =	vcvt.f32.s32 v48  }
0xb0: {  	v52 =	vadd.f32 v49, v19;
	v54 =	vmul.f32 v2, v32;
	v20 =	vmul.f32 v20, v32  }
0xb1: {  	v2 =	vmul.f32 v2, v13;
	v1 =	vmul.f32 v1, v32;
	vm12 =	vgt.s32 v50, $0x0  }
0xb2: {  	v60 =	vmul.f32 v11, v13;
	[tilespmem:$0x1FEE0] =	vst v8;
	v8 =	vand.u32 $0x7FFFFFFF, v51;
	v55 =	vnsel vm12, $0x0, v50  }
0xb3: {  	vm13 =	vle.f32 v8, $1.983606490e-05;
	v0 =	vadd.f32 v54, v27;
	v19 =	vmin.u32 v55, $0x3C  }
0xb4: {  	v20 =	vadd.f32 v20, v21;
	v16 =	vadd.f32 v2, v16;
	v19 =	vsel vm13, $0x3C, v19  }
0xb5: {  	v1 =	vadd.f32 v1, v17;
	v8 =	vadd.f32 v60, v14;
	[tilespmem:$0x1FEF0] =	vst v0;
	v0 =	vld [tilespmem:s30+$0xFFFFFFF0];
	v57 =	vadd.s32 $0x1, v19  }
0xb6: {  	v15 =	vadd.f32 v47, v18;
	v56 =	vmul.f32 v11, v32;
	v59 =	vadd.s32 $0x2, v19  }
0xb7: {  	v28 =	vmul.f32 v8, v20;
	v29 =	vmul.f32 v1, v16;
	v61 =	vadd.s32 $0x3, v19  }
0xb8: {  	v1 =	vmul.f32 v1, v52;
	v8 =	vmul.f32 v8, v15;
	v63 =	vadd.s32 $0x4, v19  }
0xb9: {  	v58 =	vadd.f32 v56, v23;
	v54 =	vsub.f32 v28, v29;
	v24 =	vadd.s32 $0x48, v19;
	v36 =	vld.idx.msk [tilespmem:v19+s17+$0x0], $0xffff  }
0xba: {  	v56 =	vsub.f32 v1, v8;
	v27 =	vadd.s32 $0x88, v19;
	v25 =	vmul.f32 $6.100000000e+01, v0;
	v26 =	vld.idx.msk [tilespmem:v57+s17+$0x0], $0xffff  }
0xbb: {  	v31 =	vadd.s32 $0xC8, v19;
	v60 =	vadd.s32 $0x108, v19;
	v38 =	vmul.f32 v54, v54;
	v30 =	vld.idx.msk [tilespmem:v59+s17+$0x0], $0xffff  }
0xbc: {  	v39 =	vmul.f32 v56, v56;
	v55 =	vadd.f32 $-9.836065760e-01, v0;
	v33 =	vtrunc.f32 v25;
	v34 =	vld.idx.msk [tilespmem:v61+s17+$0x0], $0xffff  }
0xbd: {  	v37 =	vadd.s32 $0x188, v19;
	[tilespmem:$0x1FE20] =	vst v54;
	v54 =	vadd.f32 v35, v7;
	v53 =	vcvt.f32.s32 v33;
	v5 =	vld.idx.msk [tilespmem:v63+s17+$0x0], $0xffff  }
0xbe: {  	v45 =	vadd.f32 v39, v38;
	v12 =	vand.u32 $0x7FFFFFFF, v55;
	v13 =	vld.idx.msk [tilespmem:v24+s17+$0x0], $0xffff;
	v57 =	vmul.f32 v16, v15  }
0xbf: {  	[tilespmem:$0x1FF10] =	vst v58;
	v58 =	vld.idx.msk [tilespmem:v27+s17+$0x0], $0xffff;
	v61 =	vadd.s32 $0x148, v19;
	vm15 =	vle.f32 v12, $1.983606490e-05;
	vm14 =	vgt.s32 v53, $0x0  }
0xc0: {  	v59 =	vld.idx.msk [tilespmem:v31+s17+$0x0], $0xffff;
	v31 =	vadd.s32 $0x5, v19;
	v19 =	vmul.u32 $0xC0, v19;
	v11 =	vnsel vm14, $0x0, v53  }
0xc1: {  	v11 =	vmin.u32 v11, $0x3C;
	v62 =	vsub.f32 v9, v30;
	v63 =	vsub.f32 v34, v9  }
0xc2: {  	v30 =	vmul.f32 v20, v52;
	v33 =	vsel vm15, $0x3C, v11;
	v14 =	vsub.f32 v9, v26  }
0xc3: {  	v16 =	vld.idx.msk [tilespmem:v60+s17+$0x0], $0xffff;
	v40 =	vadd.s32 $0x1, v33;
	v32 =	vmul.f32 v13, v63;
	v13 =	vmul.f32 v13, v62  }
0xc4: {  	v47 =	vld.idx.msk [tilespmem:v37+s17+$0x0], $0xffff;
	v5 =	vsub.f32 v5, v9;
	v11 =	vsub.f32 v9, v36;
	v43 =	vadd.s32 $0x3, v33  }
0xc5: {  	v17 =	vld.idx.msk [tilespmem:v61+s17+$0x0], $0xffff;
	v46 =	vadd.s32 $0x2, v33;
	v8 =	vmul.f32 v58, v32;
	v13 =	vmul.f32 v59, v13  }
0xc6: {  	v12 =	vld.idx.msk [tilespmem:v31+s17+$0x0], $0xffff;
	v49 =	vadd.s32 $0x48, v33;
	v51 =	vadd.s32 $0x4, v33;
	v53 =	vadd.s32 $0x88, v33  }
0xc7: {  	[tilespmem:$0x1FE30] =	vst v56;
	v56 =	vadd.s32 $0xC8, v33;
	v36 =	vld.idx.msk [tilespmem:v33+s17+$0x0], $0xffff;
	v41 =	vmul.f32 v8, v14;
	v42 =	vmul.f32 v13, v5  }
0xc8: {  	v61 =	vadd.s32 $0x108, v33;
	v44 =	vsub.f32 v57, v30;
	v8 =	vmul.f32 v8, v63;
	v52 =	vld.idx.msk [tilespmem:v40+s17+$0x0], $0xffff  }
0xc9: {  	v35 =	vadd.s32 $0x148, v33;
	v55 =	vmul.f32 v13, v62;
	v27 =	vld.idx.msk [tilespmem:v43+s17+$0x0], $0xffff;
	v48 =	vadd.f32 v42, v41  }
0xca: {  	v39 =	vadd.s32 $0x188, v33;
	v50 =	vmul.f32 v44, v44;
	v15 =	vld.idx.msk [tilespmem:v46+s17+$0x0], $0xffff;
	v16 =	vmul.f32 v16, v8  }
0xcb: {  	v9 =	vsub.f32 v12, v9;
	v58 =	vmul.f32 v47, v55;
	v17 =	vmul.f32 v48, v17  }
0xcc: {  	v1 =	vadd.f32 v45, v50;
	v25 =	vld.idx.msk [tilespmem:v49+s17+$0x0], $0xffff;
	v57 =	vmul.f32 v16, v11;
	v11 =	vmul.f32 v16, v63  }
0xcd: {  	v20 =	vmul.u32 $0x3, v33;
	v60 =	vld.idx.msk [tilespmem:v51+s17+$0x0], $0xffff;
	v9 =	vmul.f32 v58, v9;
	v13 =	vmul.f32 v58, v62  }
0xce: {  	v24 =	vld.idx.msk [tilespmem:v53+s17+$0x0], $0xffff;
	[tilespmem:$0x1FE10] =	vst v1;
	v62 =	vadd.s32 $0x5, v33;
	v1 =	vsub.f32 v0, v36;
	v27 =	vsub.f32 v27, v0  }
0xcf: {  	v29 =	vld.idx.msk [tilespmem:v56+s17+$0x0], $0xffff;
	v63 =	vmul.f32 $3.000000000e+00, v16;
	v18 =	vsub.f32 v0, v15;
	v23 =	vsub.f32 v0, v52  }
0xd0: {  	v5 =	vmul.f32 v17, v5;
	v59 =	vmul.f32 v17, v14;
	v34 =	vsub.f32 v16, v17  }
0xd1: {  	v17 =	vsub.f32 v17, v58;
	v37 =	vmul.f32 v25, v27;
	v40 =	vmul.f32 v25, v18  }
0xd2: {  	v12 =	vadd.f32 v5, v57;
	v14 =	vadd.f32 v9, v59;
	v16 =	vmul.f32 $3.000000000e+00, v34  }
0xd3: {  	v38 =	vld.idx.msk [tilespmem:v61+s17+$0x0], $0xffff;
	v10 =	vmul.f32 $3.000000000e+00, v17;
	v5 =	vsub.f32 v60, v0;
	v9 =	vmul.f32 $3.000000000e+00, v58  }
0xd4: {  	v26 =	vld.idx.msk [tilespmem:v39+s17+$0x0], $0xffff;
	v17 =	vadd.s32 v19, v20;
	v24 =	vmul.f32 v24, v37;
	v25 =	vmul.f32 v29, v40  }
0xd5: {  	v21 =	vld.idx.msk [tilespmem:v62+s17+$0x0], $0xffff;
	v45 =	vadd.s32 $0x1, v17;
	v46 =	vadd.s32 $0xC0, v17;
	v47 =	vadd.s32 $0x2, v17  }
0xd6: {  	v49 =	vadd.s32 $0xC1, v17;
	v51 =	vadd.s32 $0x180, v17;
	v52 =	vadd.s32 $0xC2, v17  }
0xd7: {  	v41 =	vld.idx.msk [tilespmem:v35+s17+$0x0], $0xffff;
	v53 =	vand.u32 $0x7F, v17;
	v42 =	vmul.f32 v24, v27;
	v43 =	vmul.f32 v24, v23  }
0xd8: {  	[tilespmem:$0x1FE40] =	vst v44;
	v57 =	vadd.s32 $0x181, v17;
	v44 =	vmul.f32 v25, v5;
	v48 =	vmul.f32 v25, v18  }
0xd9: {  	v61 =	vadd.s32 $0x182, v17;
	v4 =	vadd.s32 $0x241, v17;
	v29 =	vmul.f32 v38, v42  }
0xda: {  	v19 =	vadd.f32 v44, v43;
	v50 =	vld.idx.msk [tilespmem:v17+s16+$0x0], $0xffff;
	v0 =	vsub.f32 v21, v0;
	v21 =	vmul.f32 v26, v48  }
0xdb: {  	v7 =	vadd.s32 $0x242, v17;
	v24 =	vld.idx.msk [tilespmem:v45+s16+$0x0], $0xffff;
	v15 =	vmul.f32 v29, v27;
	v27 =	vmul.f32 v29, v1  }
0xdc: {  	[tilespmem:$0x1FE00] =	vst v54;
	v54 =	vld.idx.msk [tilespmem:v46+s16+$0x0], $0xffff;
	v22 =	vmul.f32 v19, v41;
	v1 =	vand.u32 $0xFF80, v51;
	v56 =	vmul.f32 $3.000000000e+00, v29  }
0xdd: {  	v20 =	vld.idx.msk [tilespmem:v47+s16+$0x0], $0xffff;
	v19 =	vsub.f32 $0.0e+00, v63;
	v0 =	vmul.f32 v21, v0;
	v18 =	vmul.f32 v21, v18  }
0xde: {  	v33 =	vmul.f32 v22, v5;
	v29 =	vsub.f32 v29, v22;
	v23 =	vmul.f32 v22, v23  }
0xdf: {  	v25 =	vld.idx.msk [tilespmem:v49+s16+$0x0], $0xffff;
	v22 =	vsub.f32 v22, v21;
	v21 =	vmul.f32 $3.000000000e+00, v21;
	v58 =	vmul.f32 v50, v11  }
0xe0: {  	v32 =	vld.idx.msk [tilespmem:v52+s16+$0x0], $0xffff;
	v55 =	vor.u32 v53, v1;
	v59 =	vmul.f32 v50, v19;
	v1 =	vmul.f32 $3.000000000e+00, v29  }
0xe1: {  	v34 =	vld.idx.msk [tilespmem:v57+s16+$0x0], $0xffff;
	v52 =	vadd.s32 $0x5, v17;
	v60 =	vmul.f32 v24, v11;
	v24 =	vmul.f32 v24, v19  }
0xe2: {  	v35 =	vld.idx.msk [tilespmem:v61+s16+$0x0], $0xffff;
	v63 =	vadd.s32 $0x240, v17;
	v62 =	vmul.f32 v54, v12;
	v2 =	vmul.f32 v20, v11  }
0xe3: {  	v51 =	vadd.s32 $0x4, v17;
	v26 =	vmul.f32 v54, v16;
	v20 =	vmul.f32 v20, v19  }
0xe4: {  	[tilespmem:$0x1FDF0] =	vst v3;
	v5 =	vsub.f32 $0.0e+00, v56;
	v3 =	vmul.f32 v25, v12;
	v25 =	vmul.f32 v25, v16  }
0xe5: {  	v47 =	vld.idx.msk [tilespmem:v7+s16+$0x0], $0xffff;
	v56 =	vadd.s32 $0xC4, v17;
	v6 =	vmul.f32 v32, v12;
	v8 =	vmul.f32 v32, v16  }
0xe6: {  	v50 =	vadd.s32 $0x3, v17;
	v41 =	vmul.f32 v34, v14;
	v43 =	vmul.f32 v34, v10  }
0xe7: {  	v22 =	vmul.f32 $3.000000000e+00, v22;
	v45 =	vmul.f32 v35, v14;
	v0 =	vadd.f32 v0, v23  }
0xe8: {  	v29 =	vld.idx.msk [tilespmem:v4+s16+$0x0], $0xffff;
	v46 =	vmul.f32 v35, v10;
	v28 =	vadd.f32 v62, v58;
	v26 =	vadd.f32 v26, v59  }
0xe9: {  	v54 =	vadd.s32 $0xC3, v17;
	v37 =	vld.idx.msk [tilespmem:v63+s16+$0x0], $0xffff;
	v31 =	vadd.f32 v3, v60;
	v24 =	vadd.f32 v25, v24  }
0xea: {  	v32 =	vmul.f32 v47, v9;
	v30 =	vld.idx.msk [tilespmem:v55+s16+$0x0], $0xffff;
	v36 =	vadd.f32 v6, v2;
	v20 =	vadd.f32 v8, v20  }
0xeb: {  	v55 =	vmul.f32 v47, v13;
	v58 =	vadd.s32 $0xC5, v17;
	v59 =	vadd.s32 $0x183, v17  }
0xec: {  	v60 =	vadd.s32 $0x184, v17;
	v39 =	vld.idx.msk [tilespmem:v56+s16+$0x0], $0xffff;
	v44 =	vadd.f32 v41, v31;
	v20 =	vadd.f32 v46, v20  }
0xed: {  	v24 =	vadd.f32 v43, v24;
	v43 =	vadd.s32 $0x185, v17;
	v53 =	vmul.f32 v29, v13  }
0xee: {  	v57 =	vld.idx.msk [tilespmem:v50+s16+$0x0], $0xffff;
	v29 =	vmul.f32 v29, v9;
	v48 =	vmul.f32 v37, v13;
	v32 =	vadd.f32 v32, v20  }
0xef: {  	v31 =	vld.idx.msk [tilespmem:v51+s16+$0x0], $0xffff;
	v49 =	vmul.f32 v37, v9;
	v20 =	vadd.f32 v33, v27;
	v40 =	vmul.f32 v30, v14  }
0xf0: {  	v34 =	vld.idx.msk [tilespmem:v52+s16+$0x0], $0xffff;
	v30 =	vmul.f32 v30, v10;
	v24 =	vadd.f32 v29, v24;
	v27 =	vmul.f32 v32, v15  }
0xf1: {  	v46 =	vadd.s32 $0x244, v17;
	v4 =	vmul.f32 v39, v12;
	v39 =	vmul.f32 v39, v16  }
0xf2: {  	v62 =	vld.idx.msk [tilespmem:v58+s16+$0x0], $0xffff;
	v42 =	vadd.f32 v40, v28;
	v26 =	vadd.f32 v30, v26;
	v24 =	vmul.f32 v24, v15  }
0xf3: {  	v38 =	vld.idx.msk [tilespmem:v59+s16+$0x0], $0xffff;
	v28 =	vadd.f32 v45, v36;
	v61 =	vmul.f32 v57, v11;
	v29 =	vmul.f32 v57, v19  }
0xf4: {  	v41 =	vld.idx.msk [tilespmem:v60+s16+$0x0], $0xffff;
	v30 =	vadd.f32 v53, v44;
	v63 =	vmul.f32 v31, v11;
	v31 =	vmul.f32 v31, v19  }
0xf5: {  	v44 =	vadd.s32 $0x243, v17;
	v45 =	vmul.f32 v34, v11;
	v34 =	vmul.f32 v34, v19  }
0xf6: {  	v25 =	vadd.f32 v48, v42;
	v40 =	vmul.f32 v30, v15;
	v30 =	vmul.f32 v30, v5  }
0xf7: {  	v36 =	vld.idx.msk [tilespmem:v54+s16+$0x0], $0xffff;
	v26 =	vadd.f32 v49, v26;
	v6 =	vmul.f32 v62, v12;
	v33 =	vmul.f32 v62, v16  }
0xf8: {  	v28 =	vadd.f32 v55, v28;
	v50 =	vmul.f32 v38, v14;
	v52 =	vmul.f32 v38, v10  }
0xf9: {  	v43 =	vld.idx.msk [tilespmem:v43+s16+$0x0], $0xffff;
	v48 =	vadd.s32 $0x245, v17;
	v53 =	vmul.f32 v41, v14;
	v55 =	vmul.f32 v41, v10  }
0xfa: {  	v51 =	vld.idx.msk [tilespmem:v46+s16+$0x0], $0xffff;
	v7 =	vadd.f32 v4, v63;
	v37 =	vmul.f32 v25, v15;
	v26 =	vmul.f32 v26, v15  }
0xfb: {  	v31 =	vadd.f32 v39, v31;
	v25 =	vmul.f32 v25, v5;
	v42 =	vmul.f32 v28, v15  }
0xfc: {  	v63 =	vadd.s32 $0x6, v17;
	v5 =	vmul.f32 v28, v5;
	v47 =	vmul.f32 v36, v12  }
0xfd: {  	v3 =	vmul.f32 v36, v16;
	v49 =	vadd.f32 v6, v45;
	v33 =	vadd.f32 v33, v34  }
0xfe: {  	v56 =	vmul.f32 v43, v14;
	v57 =	vmul.f32 v43, v10;
	v31 =	vadd.f32 v55, v31  }
0xff: {  	v60 =	vmul.f32 v51, v13;
	v32 =	vadd.f32 v47, v61;
	v23 =	vadd.f32 v3, v29  }
0x100: {  	v8 =	vld.idx.msk [tilespmem:v44+s16+$0x0], $0xffff;
	v45 =	vadd.s32 $0xB, v17;
	v29 =	vadd.f32 v53, v7;
	v36 =	vadd.f32 v56, v49  }
0x101: {  	v54 =	vld.idx.msk [tilespmem:v48+s16+$0x0], $0xffff;
	v33 =	vadd.f32 v57, v33;
	v61 =	vmul.f32 v51, v9;
	v48 =	vadd.s32 $0x8, v17  }
0x102: {  	v49 =	vadd.s32 $0xC6, v17;
	v51 =	vld.idx.msk [tilespmem:v63+s16+$0x0], $0xffff;
	v57 =	vadd.s32 $0x186, v17;
	v63 =	vadd.s32 $0x246, v17  }
0x103: {  	v7 =	vadd.s32 $0x9, v17;
	v32 =	vadd.f32 v50, v32;
	v23 =	vadd.f32 v52, v23  }
0x104: {  	v29 =	vadd.f32 v60, v29;
	v31 =	vadd.f32 v61, v31;
	v52 =	vadd.s32 $0xC7, v17  }
0x105: {  	v61 =	vadd.s32 $0x188, v17;
	v58 =	vmul.f32 v8, v13;
	v59 =	vmul.f32 v8, v9  }
0x106: {  	v8 =	vadd.s32 $0x7, v17;
	v53 =	vmul.f32 v29, v20;
	v31 =	vmul.f32 v31, v20  }
0x107: {  	v29 =	vmul.f32 v29, v1;
	v32 =	vadd.f32 v58, v32;
	v62 =	vmul.f32 v54, v13  }
0x108: {  	v23 =	vadd.f32 v59, v23;
	v46 =	vmul.f32 v54, v9;
	v54 =	vadd.s32 $0xC8, v17  }
0x109: {  	v58 =	vld.idx.msk [tilespmem:v49+s16+$0x0], $0xffff;
	v59 =	vadd.s32 $0x187, v17;
	v49 =	vadd.s32 $0x247, v17;
	v34 =	vadd.f32 v53, v40  }
0x10a: {  	v56 =	vld.idx.msk [tilespmem:v48+s16+$0x0], $0xffff;
	v24 =	vadd.f32 v31, v24;
	v29 =	vadd.f32 v29, v30;
	v47 =	vmul.f32 v32, v20  }
0x10b: {  	v2 =	vadd.f32 v62, v36;
	v23 =	vmul.f32 v23, v20;
	v50 =	vadd.f32 v46, v33  }
0x10c: {  	v41 =	vld.idx.msk [tilespmem:v57+s16+$0x0], $0xffff;
	v32 =	vmul.f32 v32, v1;
	v62 =	vmul.f32 v51, v11;
	v33 =	vadd.f32 v47, v37  }
0x10d: {  	v40 =	vld.idx.msk [tilespmem:v63+s16+$0x0], $0xffff;
	v23 =	vadd.f32 v23, v26;
	v55 =	vmul.f32 v2, v20;
	v28 =	vmul.f32 v50, v20  }
0x10e: {  	v60 =	vld.idx.msk [tilespmem:v52+s16+$0x0], $0xffff;
	v25 =	vadd.f32 v32, v25;
	v1 =	vmul.f32 v2, v1;
	v26 =	vmul.f32 v51, v19  }
0x10f: {  	v36 =	vld.idx.msk [tilespmem:v8+s16+$0x0], $0xffff;
	v50 =	vadd.s32 $0x248, v17;
	v48 =	vmul.f32 v56, v11;
	v43 =	vmul.f32 v58, v12  }
0x110: {  	v32 =	vld.idx.msk [tilespmem:v61+s16+$0x0], $0xffff;
	v47 =	vadd.s32 $0xC9, v17;
	v39 =	vmul.f32 v56, v19;
	v31 =	vmul.f32 v58, v16  }
0x111: {  	v37 =	vld.idx.msk [tilespmem:v54+s16+$0x0], $0xffff;
	v53 =	vmul.f32 v41, v14;
	v54 =	vmul.f32 v41, v10;
	v30 =	vadd.f32 v55, v42  }
0x112: {  	v38 =	vld.idx.msk [tilespmem:v59+s16+$0x0], $0xffff;
	v27 =	vadd.f32 v28, v27;
	v59 =	vmul.f32 v40, v13;
	v35 =	vadd.f32 v43, v62  }
0x113: {  	v51 =	vmul.f32 v60, v12;
	v28 =	vmul.f32 v60, v16;
	v26 =	vadd.f32 v31, v26  }
0x114: {  	v1 =	vadd.f32 v1, v5;
	v60 =	vmul.f32 v40, v9;
	v8 =	vmul.f32 v36, v11  }
0x115: {  	v55 =	vld.idx.msk [tilespmem:v49+s16+$0x0], $0xffff;
	v36 =	vmul.f32 v36, v19;
	v35 =	vadd.f32 v53, v35;
	v26 =	vadd.f32 v54, v26  }
0x116: {  	v58 =	vmul.f32 v32, v14;
	v32 =	vmul.f32 v32, v10;
	v53 =	vadd.s32 $0x189, v17  }
0x117: {  	v52 =	vmul.f32 v37, v12;
	v37 =	vmul.f32 v37, v16;
	v5 =	vadd.f32 v51, v8  }
0x118: {  	v49 =	vld.idx.msk [tilespmem:v7+s16+$0x0], $0xffff;
	v28 =	vadd.f32 v28, v36;
	v56 =	vmul.f32 v38, v14;
	v38 =	vmul.f32 v38, v10  }
0x119: {  	v8 =	vadd.s32 $0xA, v17;
	v51 =	vadd.s32 $0xCB, v17;
	v35 =	vadd.f32 v59, v35  }
0x11a: {  	v57 =	vld.idx.msk [tilespmem:v50+s16+$0x0], $0xffff;
	v61 =	vmul.f32 v55, v13;
	v62 =	vmul.f32 v55, v9;
	v26 =	vadd.f32 v60, v26  }
0x11b: {  	v55 =	vadd.s32 $0x18A, v17;
	v31 =	vadd.f32 v52, v48;
	v37 =	vadd.f32 v37, v39  }
0x11c: {  	v54 =	vld.idx.msk [tilespmem:v47+s16+$0x0], $0xffff;
	v59 =	vadd.s32 $0x249, v17;
	v5 =	vadd.f32 v56, v5;
	v28 =	vadd.f32 v38, v28  }
0x11d: {  	v48 =	vadd.s32 $0xCA, v17;
	v56 =	vmul.f32 v49, v11;
	v44 =	vmul.f32 v35, v0  }
0x11e: {  	v26 =	vmul.f32 v26, v0;
	v35 =	vmul.f32 v35, v22;
	v31 =	vadd.f32 v58, v31  }
0x11f: {  	v32 =	vadd.f32 v32, v37;
	v63 =	vmul.f32 v57, v13;
	v2 =	vmul.f32 v57, v9  }
0x120: {  	v39 =	vld.idx.msk [tilespmem:v45+s16+$0x0], $0xffff;
	v5 =	vadd.f32 v61, v5;
	v28 =	vadd.f32 v62, v28;
	v57 =	vadd.s32 $0x18B, v17  }
0x121: {  	v61 =	vadd.s32 $0x24A, v17;
	v62 =	vmul.f32 v54, v12;
	v33 =	vadd.f32 v44, v33  }
0x122: {  	v17 =	vadd.s32 $0x24B, v17;
	v23 =	vadd.f32 v26, v23;
	v25 =	vadd.f32 v35, v25  }
0x123: {  	v40 =	vld.idx.msk [tilespmem:v53+s16+$0x0], $0xffff;
	v35 =	vmul.f32 v49, v19;
	v31 =	vadd.f32 v63, v31;
	v46 =	vmul.f32 v5, v0  }
0x124: {  	v50 =	vld.idx.msk [tilespmem:v8+s16+$0x0], $0xffff;
	v32 =	vadd.f32 v2, v32;
	v28 =	vmul.f32 v28, v0;
	v5 =	vmul.f32 v5, v22  }
0x125: {  	v37 =	vld.idx.msk [tilespmem:v51+s16+$0x0], $0xffff;
	v60 =	vmul.f32 v39, v11;
	v63 =	vmul.f32 v39, v19;
	v34 =	vadd.f32 v46, v34  }
0x126: {  	v6 =	vld.idx.msk [tilespmem:v59+s16+$0x0], $0xffff;
	v52 =	vmul.f32 v31, v0;
	v32 =	vmul.f32 v32, v0;
	v24 =	vadd.f32 v28, v24  }
0x127: {  	v26 =	vld.idx.msk [tilespmem:v48+s16+$0x0], $0xffff;
	v5 =	vadd.f32 v5, v29;
	v22 =	vmul.f32 v31, v22;
	v28 =	vmul.f32 v54, v16  }
0x128: {  	v31 =	vadd.f32 v62, v56;
	v0 =	vadd.f32 v0, v18;
	v7 =	vmul.f32 v40, v14  }
0x129: {  	v8 =	vmul.f32 v40, v10;
	v30 =	vadd.f32 v52, v30;
	v27 =	vadd.f32 v32, v27  }
0x12a: {  	v29 =	vld.idx.msk [tilespmem:v55+s16+$0x0], $0xffff;
	v58 =	vmul.f32 v50, v11;
	v36 =	vmul.f32 v50, v19;
	v22 =	vadd.f32 v22, v1  }
0x12b: {  	v43 =	vld.idx.msk [tilespmem:v61+s16+$0x0], $0xffff;
	v28 =	vadd.f32 v28, v35;
	v4 =	vmul.f32 v37, v12;
	v46 =	vmul.f32 v6, v13  }
0x12c: {  	v17 =	vld.idx.msk [tilespmem:v17+s16+$0x0], $0xffff;
	v31 =	vadd.f32 v7, v31;
	v47 =	vmul.f32 v6, v9;
	v3 =	vmul.f32 v26, v12  }
0x12d: {  	v26 =	vmul.f32 v26, v16;
	v35 =	vadd.f32 v4, v60;
	v28 =	vadd.f32 v8, v28  }
0x12e: {  	v32 =	vld.idx.msk [tilespmem:v57+s16+$0x0], $0xffff;
	v16 =	vmul.f32 v37, v16;
	v12 =	vadd.f32 v12, v11;
	v37 =	vadd.f32 v20, v15  }
0x12f: {  	v44 =	vmul.f32 v29, v14;
	v29 =	vmul.f32 v29, v10;
	v19 =	vadd.f32 v3, v58  }
0x130: {  	v26 =	vadd.f32 v26, v36;
	v1 =	vadd.f32 v16, v63;
	v36 =	vld [tilespmem:s29+$0x0];
	v48 =	vmul.f32 v43, v13  }
0x131: {  	v28 =	vadd.f32 v47, v28;
	v49 =	vmul.f32 v43, v9;
	v50 =	vmul.f32 v17, v13  }
0x132: {  	v9 =	vmul.f32 v17, v9;
	v13 =	vadd.f32 v14, v13;
	v0 =	vadd.f32 v0, v37  }
0x133: {  	v45 =	vmul.f32 v32, v14;
	v10 =	vmul.f32 v32, v10;
	v16 =	vadd.f32 v44, v19  }
0x134: {  	v26 =	vadd.f32 v29, v26;
	v29 =	vadd.f32 v46, v31;
	v53 =	vmul.f32 v28, v18  }
0x135: {  	v46 =	vadd.f32 v13, v12;
	v19 =	vadd.f32 v45, v35;
	v51 =	vmul.f32 $6.100000000e+01, v36  }
0x136: {  	v1 =	vadd.f32 v10, v1;
	v16 =	vadd.f32 v48, v16;
	v52 =	vmul.f32 v29, v18  }
0x137: {  	v26 =	vadd.f32 v49, v26;
	v55 =	vmul.f32 v29, v21;
	v54 =	vtrunc.f32 v51  }
0x138: {  	v23 =	vadd.f32 v53, v23;
	v19 =	vadd.f32 v50, v19;
	v28 =	vcvt.f32.s32 v54  }
0x139: {  	v1 =	vadd.f32 v9, v1;
	v57 =	vadd.f32 $-9.836065760e-01, v36  }
0x13a: {  	v56 =	vadd.f32 v52, v33;
	v9 =	vadd.f32 v55, v25;
	vm4 =	vgt.s32 v28, $0x0  }
0x13b: {  	v58 =	vmul.f32 v16, v18;
	v17 =	vand.u32 $0x7FFFFFFF, v57;
	v59 =	vnsel vm4, $0x0, v28  }
0x13c: {  	v62 =	vmul.f32 v1, v18;
	v1 =	vld [tilespmem:s30+$0x0];
	vm5 =	vle.f32 v17, $1.983606490e-05;
	v25 =	vmin.u32 v59, $0x3C  }
0x13d: {  	v26 =	vmul.f32 v26, v18;
	v16 =	vmul.f32 v16, v21;
	v25 =	vsel vm5, $0x3C, v25  }
0x13e: {  	v7 =	vmul.f32 v19, v21;
	v19 =	vmul.f32 v19, v18;
	v63 =	vadd.s32 $0x1, v25  }
0x13f: {  	v61 =	vadd.f32 v26, v24;
	v5 =	vadd.f32 v16, v5;
	v8 =	vadd.s32 $0x2, v25  }
0x140: {  	v24 =	vadd.f32 v62, v27;
	v22 =	vadd.f32 v7, v22;
	v10 =	vadd.s32 $0x3, v25  }
0x141: {  	v60 =	vadd.f32 v58, v34;
	v39 =	vmul.f32 $6.100000000e+01, v1;
	v11 =	vadd.s32 $0x4, v25  }
0x142: {  	v42 =	vmul.f32 v22, v61;
	v43 =	vmul.f32 v24, v5;
	v38 =	vadd.s32 $0x48, v25;
	v62 =	vld.idx.msk [tilespmem:v25+s17+$0x0], $0xffff  }
0x143: {  	v52 =	vmul.f32 v24, v9;
	v41 =	vadd.s32 $0x88, v25;
	v47 =	vtrunc.f32 v39;
	v40 =	vld.idx.msk [tilespmem:v63+s17+$0x0], $0xffff  }
0x144: {  	v22 =	vmul.f32 v22, v23;
	v44 =	vadd.s32 $0xC8, v25;
	v50 =	vcvt.f32.s32 v47;
	v21 =	vld.idx.msk [tilespmem:v8+s17+$0x0], $0xffff  }
0x145: {  	v5 =	vmul.f32 v5, v23;
	v53 =	vadd.f32 $-9.836065760e-01, v1;
	v57 =	vadd.s32 $0x108, v25;
	v48 =	vld.idx.msk [tilespmem:v10+s17+$0x0], $0xffff  }
0x146: {  	[tilespmem:$0x1FE60] =	vst v0;
	v9 =	vmul.f32 v61, v9;
	v58 =	vadd.s32 $0x148, v25;
	vm6 =	vgt.s32 v50, $0x0;
	v51 =	vld.idx.msk [tilespmem:v11+s17+$0x0], $0xffff  }
0x147: {  	[tilespmem:$0x1FF60] =	vst v60;
	v55 =	vand.u32 $0x7FFFFFFF, v53;
	v60 =	vadd.s32 $0x188, v25;
	v0 =	vnsel vm6, $0x0, v50;
	v20 =	vld.idx.msk [tilespmem:v38+s17+$0x0], $0xffff  }
0x148: {  	v59 =	vadd.s32 $0x5, v25;
	vm7 =	vle.f32 v55, $1.983606490e-05;
	v54 =	vld.idx.msk [tilespmem:v41+s17+$0x0], $0xffff;
	v0 =	vmin.u32 v0, $0x3C  }
0x149: {  	[tilespmem:$0x1FF50] =	vst v56;
	v45 =	vadd.f32 v19, v30;
	v13 =	vsub.f32 v52, v22;
	v56 =	vld.idx.msk [tilespmem:v44+s17+$0x0], $0xffff;
	v0 =	vsel vm7, $0x3C, v0  }
0x14a: {  	v49 =	vsub.f32 v42, v43;
	v14 =	vsub.f32 v5, v9;
	v26 =	vld.idx.msk [tilespmem:v57+s17+$0x0], $0xffff;
	v43 =	vadd.s32 $0x2, v0  }
0x14b: {  	[tilespmem:$0x1FE50] =	vst v46;
	v46 =	vmul.f32 v13, v13;
	v39 =	vld.idx.msk [tilespmem:v58+s17+$0x0], $0xffff;
	v12 =	vadd.s32 $0x1, v0  }
0x14c: {  	[tilespmem:$0x1FF70] =	vst v45;
	v52 =	vmul.f32 v14, v14;
	v23 =	vld.idx.msk [tilespmem:v60+s17+$0x0], $0xffff;
	v45 =	vadd.s32 $0x48, v0;
	v19 =	vsub.f32 v48, v36  }
0x14d: {  	v44 =	vmul.f32 v49, v49;
	v47 =	vadd.s32 $0x4, v0;
	v28 =	vsub.f32 v36, v21;
	v21 =	vld.idx.msk [tilespmem:v59+s17+$0x0], $0xffff  }
0x14e: {  	[tilespmem:$0x1FEB0] =	vst v14;
	v50 =	vadd.s32 $0xC8, v0;
	v58 =	vadd.s32 $0x108, v0;
	v14 =	vld.idx.msk [tilespmem:v0+s17+$0x0], $0xffff;
	v61 =	vmul.f32 v20, v19  }
0x14f: {  	v18 =	vsub.f32 v36, v40;
	v40 =	vadd.s32 $0x3, v0;
	v20 =	vmul.f32 v20, v28;
	v29 =	vld.idx.msk [tilespmem:v43+s17+$0x0], $0xffff  }
0x150: {  	v60 =	vadd.s32 $0x5, v0;
	v10 =	vadd.s32 $0x188, v0;
	v24 =	vld.idx.msk [tilespmem:v12+s17+$0x0], $0xffff;
	v17 =	vmul.f32 v54, v61  }
0x151: {  	v63 =	vsub.f32 v51, v36;
	v51 =	vadd.f32 v46, v44;
	v55 =	vld.idx.msk [tilespmem:v45+s17+$0x0], $0xffff;
	v20 =	vmul.f32 v56, v20  }
0x152: {  	[tilespmem:$0x1FE90] =	vst v49;
	v30 =	vsub.f32 v36, v62;
	v48 =	vadd.s32 $0x88, v0;
	v57 =	vld.idx.msk [tilespmem:v47+s17+$0x0], $0xffff;
	v41 =	vmul.f32 v17, v18  }
0x153: {  	v56 =	vadd.f32 v51, v52;
	v61 =	vld.idx.msk [tilespmem:v50+s17+$0x0], $0xffff;
	v42 =	vmul.f32 v20, v63;
	v17 =	vmul.f32 v17, v19  }
0x154: {  	v9 =	vld.idx.msk [tilespmem:v40+s17+$0x0], $0xffff;
	v53 =	vsub.f32 v21, v36;
	v49 =	vmul.f32 v20, v28;
	v29 =	vsub.f32 v1, v29  }
0x155: {  	v40 =	vld.idx.msk [tilespmem:v60+s17+$0x0], $0xffff;
	v31 =	vsub.f32 v1, v14;
	v22 =	vadd.f32 v42, v41;
	v26 =	vmul.f32 v26, v17  }
0x156: {  	[tilespmem:$0x1FEA0] =	vst v13;
	v24 =	vsub.f32 v1, v24;
	v23 =	vmul.f32 v23, v49;
	v13 =	vmul.f32 v55, v29  }
0x157: {  	v15 =	vsub.f32 v57, v1;
	v5 =	vmul.f32 v22, v39;
	v30 =	vmul.f32 v26, v30  }
0x158: {  	v41 =	vmul.u32 $0xC0, v25;
	v20 =	vmul.f32 v26, v19;
	v33 =	vmul.f32 v23, v53  }
0x159: {  	v22 =	vmul.f32 v23, v28;
	v9 =	vsub.f32 v9, v1;
	v8 =	vmul.f32 $3.000000000e+00, v26  }
0x15a: {  	v59 =	vld.idx.msk [tilespmem:v48+s17+$0x0], $0xffff;
	v1 =	vsub.f32 v40, v1;
	v32 =	vmul.f32 v61, v13;
	v54 =	vmul.f32 v5, v63  }
0x15b: {  	v44 =	vld.idx.msk [tilespmem:v10+s17+$0x0], $0xffff;
	v62 =	vsub.f32 v26, v5;
	v63 =	vadd.s32 $0x148, v0;
	v11 =	vmul.f32 v55, v9  }
0x15c: {  	v0 =	vmul.u32 $0x3, v0;
	v27 =	vsub.f32 $0.0e+00, v8;
	v46 =	vmul.f32 v32, v15  }
0x15d: {  	v32 =	vmul.f32 v32, v29;
	v21 =	vadd.f32 v54, v30;
	v30 =	vmul.f32 v5, v18  }
0x15e: {  	v26 =	vmul.f32 $3.000000000e+00, v62;
	v5 =	vsub.f32 v5, v23;
	v28 =	vadd.s32 v41, v0  }
0x15f: {  	v12 =	vld.idx.msk [tilespmem:v58+s17+$0x0], $0xffff;
	v18 =	vmul.f32 v59, v11;
	v48 =	vadd.s32 $0x1, v28;
	v50 =	vadd.s32 $0xC0, v28  }
0x160: {  	v51 =	vadd.s32 $0x2, v28;
	v19 =	vmul.f32 v44, v32;
	v53 =	vadd.s32 $0xC1, v28;
	v42 =	vld.idx.msk [tilespmem:v63+s17+$0x0], $0xffff  }
0x161: {  	v54 =	vadd.s32 $0x180, v28;
	v55 =	vadd.s32 $0xC2, v28;
	v45 =	vmul.f32 v18, v24  }
0x162: {  	[tilespmem:$0x1FE70] =	vst v56;
	v56 =	vand.u32 $0x7F, v28;
	v59 =	vadd.s32 $0x181, v28;
	v43 =	vmul.f32 v18, v9  }
0x163: {  	v25 =	vmul.f32 $3.000000000e+00, v5;
	v18 =	vmul.f32 $3.000000000e+00, v23;
	v49 =	vadd.f32 v46, v45;
	v52 =	vld.idx.msk [tilespmem:v28+s16+$0x0], $0xffff  }
0x164: {  	v13 =	vadd.s32 $0x240, v28;
	v1 =	vmul.f32 v19, v1;
	v47 =	vmul.f32 v12, v43;
	v34 =	vld.idx.msk [tilespmem:v48+s16+$0x0], $0xffff  }
0x165: {  	v14 =	vadd.s32 $0x241, v28;
	v29 =	vmul.f32 v19, v29;
	v37 =	vld.idx.msk [tilespmem:v50+s16+$0x0], $0xffff;
	v5 =	vmul.f32 v49, v42  }
0x166: {  	v61 =	vadd.s32 $0x182, v28;
	v23 =	vmul.f32 v47, v9;
	v31 =	vmul.f32 v47, v31;
	v9 =	vld.idx.msk [tilespmem:v51+s16+$0x0], $0xffff  }
0x167: {  	v16 =	vadd.s32 $0x242, v28;
	v58 =	vmul.f32 $3.000000000e+00, v47;
	v36 =	vld.idx.msk [tilespmem:v53+s16+$0x0], $0xffff;
	v39 =	vmul.f32 v5, v15  }
0x168: {  	v32 =	vand.u32 $0xFF80, v54;
	v2 =	vld.idx.msk [tilespmem:v55+s16+$0x0], $0xffff;
	v42 =	vmul.f32 v5, v24;
	v60 =	vmul.f32 v52, v20  }
0x169: {  	v54 =	vadd.s32 $0x3, v28;
	v50 =	vld.idx.msk [tilespmem:v13+s16+$0x0], $0xffff;
	v62 =	vmul.f32 v52, v27;
	v63 =	vmul.f32 v34, v20  }
0x16a: {  	v40 =	vor.u32 v56, v32;
	v43 =	vld.idx.msk [tilespmem:v14+s16+$0x0], $0xffff;
	v34 =	vmul.f32 v34, v27;
	v7 =	vmul.f32 v37, v21  }
0x16b: {  	v55 =	vadd.s32 $0x4, v28;
	v12 =	vmul.f32 v9, v20;
	v9 =	vmul.f32 v9, v27  }
0x16c: {  	v41 =	vld.idx.msk [tilespmem:v59+s16+$0x0], $0xffff;
	v38 =	vsub.f32 $0.0e+00, v58;
	v37 =	vmul.f32 v37, v26;
	v15 =	vmul.f32 v36, v21  }
0x16d: {  	v44 =	vld.idx.msk [tilespmem:v61+s16+$0x0], $0xffff;
	v57 =	vsub.f32 v47, v5;
	v36 =	vmul.f32 v36, v26;
	v17 =	vmul.f32 v2, v21  }
0x16e: {  	v5 =	vsub.f32 v5, v19;
	v35 =	vmul.f32 v2, v26;
	v56 =	vmul.f32 v50, v22  }
0x16f: {  	v40 =	vld.idx.msk [tilespmem:v40+s16+$0x0], $0xffff;
	v24 =	vadd.f32 v33, v30;
	v58 =	vmul.f32 v43, v22;
	v43 =	vmul.f32 v43, v18  }
0x170: {  	v59 =	vadd.s32 $0xC3, v28;
	v32 =	vmul.f32 $3.000000000e+00, v57;
	v0 =	vmul.f32 $3.000000000e+00, v5  }
0x171: {  	v53 =	vld.idx.msk [tilespmem:v16+s16+$0x0], $0xffff;
	v61 =	vadd.s32 $0xC4, v28;
	v51 =	vmul.f32 v41, v24;
	v41 =	vmul.f32 v41, v25  }
0x172: {  	v2 =	vadd.s32 $0x183, v28;
	v52 =	vmul.f32 v44, v24;
	v44 =	vmul.f32 v44, v25  }
0x173: {  	v57 =	vadd.s32 $0x5, v28;
	v5 =	vadd.f32 v7, v60;
	v30 =	vadd.f32 v37, v62  }
0x174: {  	v33 =	vadd.f32 v15, v63;
	v34 =	vadd.f32 v36, v34;
	v47 =	vmul.f32 v40, v24  }
0x175: {  	v37 =	vadd.f32 v17, v12;
	v49 =	vmul.f32 v40, v25;
	v40 =	vmul.f32 v50, v18  }
0x176: {  	v9 =	vadd.f32 v35, v9;
	v60 =	vmul.f32 v53, v22;
	v36 =	vld.idx.msk [tilespmem:v54+s16+$0x0], $0xffff;
	v62 =	vmul.f32 v53, v18  }
0x177: {  	v63 =	vadd.s32 $0xC5, v28;
	v5 =	vadd.f32 v47, v5;
	v30 =	vadd.f32 v49, v30  }
0x178: {  	v53 =	vadd.s32 $0x243, v28;
	v33 =	vadd.f32 v51, v33;
	v34 =	vadd.f32 v41, v34  }
0x179: {  	v54 =	vadd.s32 $0x244, v28;
	v35 =	vadd.f32 v52, v37;
	v9 =	vadd.f32 v44, v9  }
0x17a: {  	v49 =	vadd.s32 $0x184, v28;
	v51 =	vadd.s32 $0x185, v28;
	v5 =	vadd.f32 v56, v5  }
0x17b: {  	v30 =	vadd.f32 v40, v30;
	v33 =	vadd.f32 v58, v33;
	v52 =	vmul.f32 v36, v20  }
0x17c: {  	v37 =	vld.idx.msk [tilespmem:v55+s16+$0x0], $0xffff;
	v34 =	vadd.f32 v43, v34;
	v36 =	vmul.f32 v36, v27;
	v45 =	vmul.f32 v5, v23  }
0x17d: {  	v47 =	vld.idx.msk [tilespmem:v59+s16+$0x0], $0xffff;
	v35 =	vadd.f32 v60, v35;
	v46 =	vmul.f32 v30, v23;
	v5 =	vmul.f32 v5, v38  }
0x17e: {  	v41 =	vld.idx.msk [tilespmem:v61+s16+$0x0], $0xffff;
	v9 =	vadd.f32 v62, v9;
	v40 =	vmul.f32 v33, v23;
	v34 =	vmul.f32 v34, v23  }
0x17f: {  	v55 =	vadd.s32 $0x245, v28;
	v48 =	vld.idx.msk [tilespmem:v2+s16+$0x0], $0xffff;
	v33 =	vmul.f32 v33, v38;
	v50 =	vmul.f32 v35, v23  }
0x180: {  	v2 =	vadd.s32 $0x8, v28;
	v44 =	vld.idx.msk [tilespmem:v57+s16+$0x0], $0xffff;
	v9 =	vmul.f32 v9, v23;
	v35 =	vmul.f32 v35, v38  }
0x181: {  	v62 =	vadd.s32 $0x6, v28;
	v4 =	vmul.f32 v37, v20;
	v37 =	vmul.f32 v37, v27  }
0x182: {  	v43 =	vld.idx.msk [tilespmem:v63+s16+$0x0], $0xffff;
	v63 =	vadd.s32 $0x7, v28;
	v7 =	vmul.f32 v47, v21;
	v47 =	vmul.f32 v47, v26  }
0x183: {  	v53 =	vld.idx.msk [tilespmem:v53+s16+$0x0], $0xffff;
	v30 =	vadd.f32 v39, v31;
	v8 =	vmul.f32 v41, v21;
	v41 =	vmul.f32 v41, v26  }
0x184: {  	v14 =	vld.idx.msk [tilespmem:v54+s16+$0x0], $0xffff;
	v31 =	vadd.f32 v1, v42;
	v11 =	vmul.f32 v48, v24;
	v12 =	vmul.f32 v48, v25  }
0x185: {  	v6 =	vmul.f32 v44, v20;
	v42 =	vadd.f32 v7, v52;
	v36 =	vadd.f32 v47, v36  }
0x186: {  	v49 =	vld.idx.msk [tilespmem:v49+s16+$0x0], $0xffff;
	v44 =	vmul.f32 v44, v27;
	v39 =	vadd.f32 v8, v4;
	v37 =	vadd.f32 v41, v37  }
0x187: {  	v51 =	vld.idx.msk [tilespmem:v51+s16+$0x0], $0xffff;
	v8 =	vadd.s32 $0xC6, v28;
	v10 =	vmul.f32 v43, v21;
	v43 =	vmul.f32 v43, v26  }
0x188: {  	v17 =	vld.idx.msk [tilespmem:v55+s16+$0x0], $0xffff;
	v4 =	vadd.s32 $0x247, v28;
	v55 =	vmul.f32 v53, v22;
	v56 =	vmul.f32 v53, v18  }
0x189: {  	v58 =	vmul.f32 v14, v22;
	v59 =	vmul.f32 v14, v18;
	v42 =	vadd.f32 v11, v42  }
0x18a: {  	v36 =	vadd.f32 v12, v36;
	v11 =	vadd.s32 $0xC7, v28;
	v12 =	vld.idx.msk [tilespmem:v62+s16+$0x0], $0xffff;
	v62 =	vadd.s32 $0x246, v28  }
0x18b: {  	v1 =	vadd.f32 v10, v6;
	v13 =	vmul.f32 v49, v24;
	v15 =	vmul.f32 v49, v25  }
0x18c: {  	v43 =	vadd.f32 v43, v44;
	v16 =	vmul.f32 v51, v24;
	v54 =	vmul.f32 v51, v25  }
0x18d: {  	v60 =	vmul.f32 v17, v22;
	v42 =	vadd.f32 v55, v42;
	v36 =	vadd.f32 v56, v36  }
0x18e: {  	v61 =	vmul.f32 v17, v18;
	v39 =	vadd.f32 v13, v39;
	v37 =	vadd.f32 v15, v37  }
0x18f: {  	v41 =	vld.idx.msk [tilespmem:v63+s16+$0x0], $0xffff;
	v56 =	vadd.s32 $0x187, v28;
	v1 =	vadd.f32 v16, v1;
	v57 =	vadd.f32 v54, v43  }
0x190: {  	v13 =	vadd.s32 $0xC8, v28;
	v43 =	vld.idx.msk [tilespmem:v2+s16+$0x0], $0xffff;
	v15 =	vadd.s32 $0x186, v28;
	v2 =	vadd.s32 $0xA, v28  }
0x191: {  	v7 =	vmul.f32 v42, v30;
	v36 =	vmul.f32 v36, v30;
	v39 =	vadd.f32 v58, v39  }
0x192: {  	v42 =	vmul.f32 v42, v32;
	v37 =	vadd.f32 v59, v37;
	v1 =	vadd.f32 v60, v1  }
0x193: {  	v38 =	vadd.f32 v61, v57;
	v58 =	vadd.s32 $0x188, v28;
	v59 =	vmul.f32 v12, v20  }
0x194: {  	v17 =	vld.idx.msk [tilespmem:v8+s16+$0x0], $0xffff;
	v61 =	vmul.f32 v41, v20;
	v41 =	vmul.f32 v41, v27;
	v44 =	vadd.f32 v7, v45  }
0x195: {  	v36 =	vadd.f32 v36, v46;
	v45 =	vmul.f32 v12, v27;
	v10 =	vmul.f32 v39, v30  }
0x196: {  	v57 =	vld.idx.msk [tilespmem:v11+s16+$0x0], $0xffff;
	v5 =	vadd.f32 v42, v5;
	v37 =	vmul.f32 v37, v30;
	v39 =	vmul.f32 v39, v32  }
0x197: {  	v7 =	vadd.s32 $0x248, v28;
	v12 =	vld.idx.msk [tilespmem:v62+s16+$0x0], $0xffff;
	v14 =	vmul.f32 v1, v30;
	v16 =	vmul.f32 v38, v30  }
0x198: {  	v1 =	vmul.f32 v1, v32;
	v47 =	vld.idx.msk [tilespmem:v56+s16+$0x0], $0xffff;
	v30 =	vadd.f32 v30, v23;
	v63 =	vmul.f32 v43, v20  }
0x199: {  	v60 =	vld.idx.msk [tilespmem:v13+s16+$0x0], $0xffff;
	v43 =	vmul.f32 v43, v27;
	v6 =	vmul.f32 v17, v21;
	v40 =	vadd.f32 v10, v40  }
0x19a: {  	v48 =	vld.idx.msk [tilespmem:v15+s16+$0x0], $0xffff;
	v8 =	vmul.f32 v17, v26;
	v34 =	vadd.f32 v37, v34;
	v33 =	vadd.f32 v39, v33  }
0x19b: {  	v15 =	vld.idx.msk [tilespmem:v4+s16+$0x0], $0xffff;
	v4 =	vadd.s32 $0x24A, v28;
	v39 =	vadd.f32 v14, v50;
	v9 =	vadd.f32 v16, v9  }
0x19c: {  	v1 =	vadd.f32 v1, v35;
	v10 =	vmul.f32 v57, v21;
	v32 =	vadd.f32 v6, v59  }
0x19d: {  	v42 =	vmul.f32 v57, v26;
	v35 =	vadd.f32 v8, v45;
	v8 =	vadd.s32 $0xB, v28  }
0x19e: {  	v49 =	vld.idx.msk [tilespmem:v58+s16+$0x0], $0xffff;
	v58 =	vmul.f32 v12, v22;
	v59 =	vmul.f32 v12, v18;
	v12 =	vadd.s32 $0xCA, v28  }
0x19f: {  	v38 =	vadd.f32 v10, v61;
	v17 =	vmul.f32 v47, v24;
	v55 =	vmul.f32 v47, v25  }
0x1a0: {  	v41 =	vadd.f32 v42, v41;
	v11 =	vmul.f32 v60, v21;
	v37 =	vmul.f32 v60, v26  }
0x1a1: {  	v54 =	vld.idx.msk [tilespmem:v7+s16+$0x0], $0xffff;
	v10 =	vadd.s32 $0xC9, v28;
	v14 =	vmul.f32 v48, v24;
	v16 =	vmul.f32 v48, v25  }
0x1a2: {  	v45 =	vld.idx.msk [tilespmem:v2+s16+$0x0], $0xffff;
	v60 =	vmul.f32 v15, v22;
	v38 =	vadd.f32 v17, v38;
	v41 =	vadd.f32 v55, v41  }
0x1a3: {  	v61 =	vmul.f32 v15, v18;
	v13 =	vadd.f32 v11, v63;
	v37 =	vadd.f32 v37, v43  }
0x1a4: {  	v32 =	vadd.f32 v14, v32;
	v56 =	vmul.f32 v49, v24;
	v35 =	vadd.f32 v16, v35  }
0x1a5: {  	v57 =	vmul.f32 v49, v25;
	v63 =	vadd.s32 $0x9, v28;
	v14 =	vadd.s32 $0xCB, v28  }
0x1a6: {  	v16 =	vadd.s32 $0x189, v28;
	v62 =	vmul.f32 v54, v22;
	v38 =	vadd.f32 v60, v38  }
0x1a7: {  	v41 =	vadd.f32 v61, v41;
	v6 =	vmul.f32 v54, v18;
	v60 =	vmul.f32 v45, v20  }
0x1a8: {  	v45 =	vmul.f32 v45, v27;
	v42 =	vadd.f32 v56, v13;
	v37 =	vadd.f32 v57, v37  }
0x1a9: {  	v48 =	vld.idx.msk [tilespmem:v8+s16+$0x0], $0xffff;
	v32 =	vadd.f32 v58, v32;
	v35 =	vadd.f32 v59, v35;
	v56 =	vadd.s32 $0x18A, v28  }
0x1aa: {  	v57 =	vadd.s32 $0x18B, v28;
	v59 =	vadd.s32 $0x249, v28;
	v13 =	vmul.f32 v38, v31  }
0x1ab: {  	v17 =	vld.idx.msk [tilespmem:v10+s16+$0x0], $0xffff;
	v28 =	vadd.s32 $0x24B, v28;
	v41 =	vmul.f32 v41, v31;
	v38 =	vmul.f32 v38, v0  }
0x1ac: {  	v42 =	vadd.f32 v62, v42;
	v7 =	vmul.f32 v32, v31;
	v35 =	vmul.f32 v35, v31;
	v11 =	vld.idx.msk [tilespmem:v63+s16+$0x0], $0xffff  }
0x1ad: {  	v32 =	vmul.f32 v32, v0;
	v37 =	vadd.f32 v6, v37;
	v40 =	vadd.f32 v13, v40;
	v46 =	vld.idx.msk [tilespmem:v14+s16+$0x0], $0xffff  }
0x1ae: {  	v34 =	vadd.f32 v41, v34;
	v33 =	vadd.f32 v38, v33;
	v61 =	vld.idx.msk [tilespmem:v16+s16+$0x0], $0xffff;
	v62 =	vmul.f32 v48, v20  }
0x1af: {  	v6 =	vmul.f32 v48, v27;
	v35 =	vadd.f32 v35, v36;
	v15 =	vmul.f32 v42, v31;
	v36 =	vld.idx.msk [tilespmem:v12+s16+$0x0], $0xffff  }
0x1b0: {  	v44 =	vadd.f32 v7, v44;
	v37 =	vmul.f32 v37, v31;
	v0 =	vmul.f32 v42, v0;
	v8 =	vld.idx.msk [tilespmem:v56+s16+$0x0], $0xffff  }
0x1b1: {  	v5 =	vadd.f32 v32, v5;
	v63 =	vmul.f32 v17, v21;
	v7 =	vmul.f32 v17, v26;
	v42 =	vld.idx.msk [tilespmem:v57+s16+$0x0], $0xffff  }
0x1b2: {  	v14 =	vld.idx.msk [tilespmem:v59+s16+$0x0], $0xffff;
	v38 =	vadd.f32 v15, v39;
	v58 =	vmul.f32 v11, v20;
	v32 =	vmul.f32 v11, v27  }
0x1b3: {  	v17 =	vld.idx.msk [tilespmem:v4+s16+$0x0], $0xffff;
	v9 =	vadd.f32 v37, v9;
	v13 =	vmul.f32 v46, v21;
	v15 =	vmul.f32 v61, v24  }
0x1b4: {  	v28 =	vld.idx.msk [tilespmem:v28+s16+$0x0], $0xffff;
	v53 =	vadd.f32 v0, v1;
	v16 =	vmul.f32 v61, v25;
	v11 =	vmul.f32 v36, v21  }
0x1b5: {  	v12 =	vmul.f32 v36, v26;
	v26 =	vmul.f32 v46, v26;
	v21 =	vadd.f32 v21, v20  }
0x1b6: {  	v1 =	vld [tilespmem:s29+$0x10];
	v10 =	vadd.f32 v63, v58;
	v49 =	vmul.f32 v8, v24;
	v27 =	vmul.f32 v8, v25  }
0x1b7: {  	v32 =	vadd.f32 v7, v32;
	v50 =	vmul.f32 v42, v24;
	v25 =	vmul.f32 v42, v25  }
0x1b8: {  	v36 =	vadd.f32 v13, v62;
	v51 =	vmul.f32 v14, v22;
	v55 =	vmul.f32 v17, v22  }
0x1b9: {  	v58 =	vmul.f32 v28, v22;
	v22 =	vadd.f32 v24, v22;
	v37 =	vadd.f32 v11, v60  }
0x1ba: {  	v52 =	vmul.f32 v14, v18;
	v45 =	vadd.f32 v12, v45;
	v0 =	vadd.f32 v26, v6  }
0x1bb: {  	v56 =	vmul.f32 v17, v18;
	v7 =	vadd.f32 $-9.836065760e-01, v1;
	v48 =	vadd.f32 v15, v10  }
0x1bc: {  	v18 =	vmul.f32 v28, v18;
	v32 =	vadd.f32 v16, v32;
	v36 =	vadd.f32 v50, v36  }
0x1bd: {  	v57 =	vmul.f32 $6.100000000e+01, v1;
	v50 =	vadd.f32 v22, v21;
	v37 =	vadd.f32 v49, v37  }
0x1be: {  	v62 =	vmul.f32 $3.000000000e+00, v19;
	v27 =	vadd.f32 v27, v45;
	v0 =	vadd.f32 v25, v0  }
0x1bf: {  	v60 =	vtrunc.f32 v57;
	v54 =	vadd.f32 v51, v48;
	v32 =	vadd.f32 v52, v32  }
0x1c0: {  	v36 =	vadd.f32 v58, v36;
	v61 =	vcvt.f32.s32 v60;
	v26 =	vadd.f32 v55, v37  }
0x1c1: {  	v27 =	vadd.f32 v56, v27;
	v63 =	vadd.f32 v18, v0;
	v0 =	vand.u32 $0x7FFFFFFF, v7  }
0x1c2: {  	v59 =	vmul.f32 v54, v29;
	v32 =	vmul.f32 v32, v29;
	vm8 =	vgt.s32 v61, $0x0  }
0x1c3: {  	v19 =	vmul.f32 v54, v62;
	vm9 =	vle.f32 v0, $1.983606490e-05;
	v17 =	vmul.f32 v36, v62  }
0x1c4: {  	v36 =	vmul.f32 v36, v29;
	v10 =	vnsel vm8, $0x0, v61;
	v11 =	vmul.f32 v26, v29  }
0x1c5: {  	v27 =	vmul.f32 v27, v29;
	v13 =	vmul.f32 v26, v62;
	v25 =	vmin.u32 v10, $0x3C  }
0x1c6: {  	v15 =	vmul.f32 v63, v29;
	v28 =	vadd.f32 v32, v35;
	v35 =	vsel vm9, $0x3C, v25  }
0x1c7: {  	v0 =	vld [tilespmem:s30+$0x10];
	v29 =	vadd.f32 v31, v29;
	v8 =	vadd.f32 v59, v44;
	v14 =	vadd.s32 $0x1, v35  }
0x1c8: {  	v5 =	vadd.f32 v19, v5;
	v47 =	vadd.f32 v36, v38;
	v16 =	vadd.s32 $0x2, v35  }
0x1c9: {  	v12 =	vadd.f32 v11, v40;
	v27 =	vadd.f32 v27, v34;
	v18 =	vadd.s32 $0x3, v35  }
0x1ca: {  	v25 =	vadd.f32 v13, v33;
	v9 =	vadd.f32 v15, v9;
	v19 =	vadd.s32 $0x4, v35  }
0x1cb: {  	v33 =	vadd.f32 v17, v53;
	v44 =	vadd.s32 $0x48, v35;
	v46 =	vadd.s32 $0x88, v35  }
0x1cc: {  	v49 =	vadd.s32 $0xC8, v35;
	v59 =	vadd.s32 $0x108, v35;
	v45 =	vmul.f32 $6.100000000e+01, v0;
	v26 =	vld.idx.msk [tilespmem:v14+s17+$0x0], $0xffff  }
0x1cd: {  	v60 =	vadd.s32 $0x148, v35;
	v48 =	vmul.f32 v33, v27;
	v51 =	vmul.f32 v9, v25;
	v34 =	vld.idx.msk [tilespmem:v16+s17+$0x0], $0xffff  }
0x1ce: {  	v63 =	vadd.s32 $0x5, v35;
	v9 =	vmul.f32 v9, v5;
	v24 =	vtrunc.f32 v45;
	v37 =	vld.idx.msk [tilespmem:v18+s17+$0x0], $0xffff  }
0x1cf: {  	v55 =	vadd.f32 $-9.836065760e-01, v0;
	v33 =	vmul.f32 v33, v28;
	v52 =	vcvt.f32.s32 v24;
	v53 =	vld.idx.msk [tilespmem:v19+s17+$0x0], $0xffff  }
0x1d0: {  	v10 =	vadd.s32 $0x188, v35;
	v5 =	vmul.f32 v27, v5;
	v54 =	vsub.f32 v48, v51;
	v56 =	vld.idx.msk [tilespmem:v44+s17+$0x0], $0xffff  }
0x1d1: {  	v31 =	vand.u32 $0x7FFFFFFF, v55;
	v61 =	vsub.f32 v9, v33;
	v57 =	vld.idx.msk [tilespmem:v46+s17+$0x0], $0xffff;
	vm10 =	vgt.s32 v52, $0x0  }
0x1d2: {  	vm11 =	vle.f32 v31, $1.983606490e-05;
	v38 =	vld.idx.msk [tilespmem:v49+s17+$0x0], $0xffff;
	v14 =	vmul.f32 v25, v28;
	v58 =	vnsel vm10, $0x0, v52  }
0x1d3: {  	v15 =	vld.idx.msk [tilespmem:v60+s17+$0x0], $0xffff;
	v21 =	vmul.f32 v54, v54;
	v60 =	vadd.f32 v29, v30;
	v62 =	vmin.u32 v58, $0x3C  }
0x1d4: {  	[tilespmem:$0x1FFD0] =	vst v8;
	v8 =	vld.idx.msk [tilespmem:v35+s17+$0x0], $0xffff;
	v9 =	vsel vm11, $0x3C, v62;
	v34 =	vsub.f32 v1, v34;
	v37 =	vsub.f32 v37, v1  }
0x1d5: {  	v20 =	vsub.f32 v14, v5;
	v52 =	vmul.f32 v61, v61;
	v16 =	vadd.s32 $0x1, v9  }
0x1d6: {  	v31 =	vld.idx.msk [tilespmem:v63+s17+$0x0], $0xffff;
	v19 =	vadd.s32 $0x3, v9;
	v7 =	vmul.f32 v56, v37;
	v32 =	vmul.f32 v56, v34  }
0x1d7: {  	v11 =	vsub.f32 v1, v26;
	v13 =	vsub.f32 v53, v1;
	v22 =	vadd.s32 $0x2, v9  }
0x1d8: {  	[tilespmem:$0x1FFE0] =	vst v12;
	v12 =	vld.idx.msk [tilespmem:v59+s17+$0x0], $0xffff;
	v53 =	vadd.s32 $0x4, v9;
	v33 =	vmul.f32 v57, v7;
	v32 =	vmul.f32 v38, v32  }
0x1d9: {  	v35 =	vmul.u32 $0xC0, v35;
	v42 =	vld.idx.msk [tilespmem:v10+s17+$0x0], $0xffff;
	v39 =	vsub.f32 v1, v8;
	v5 =	vadd.f32 v52, v21  }
0x1da: {  	v23 =	vadd.s32 $0x48, v9;
	v55 =	vld.idx.msk [tilespmem:v16+s17+$0x0], $0xffff;
	v17 =	vmul.f32 v33, v11;
	v18 =	vmul.f32 v32, v13  }
0x1db: {  	v59 =	vadd.s32 $0xC8, v9;
	v1 =	vsub.f32 v31, v1;
	v38 =	vld.idx.msk [tilespmem:v19+s17+$0x0], $0xffff;
	v33 =	vmul.f32 v33, v37  }
0x1dc: {  	v14 =	vadd.s32 $0x108, v9;
	v41 =	vld.idx.msk [tilespmem:v22+s17+$0x0], $0xffff;
	v58 =	vmul.f32 v32, v34;
	v28 =	vadd.f32 v18, v17  }
0x1dd: {  	v56 =	vadd.s32 $0x88, v9;
	v57 =	vmul.f32 v20, v20;
	v63 =	vld.idx.msk [tilespmem:v53+s17+$0x0], $0xffff;
	v33 =	vmul.f32 v12, v33  }
0x1de: {  	[tilespmem:$0x1FFA0] =	vst v54;
	v19 =	vadd.s32 $0x148, v9;
	v22 =	vld.idx.msk [tilespmem:v9+s17+$0x0], $0xffff;
	v30 =	vmul.f32 v42, v58;
	v54 =	vmul.f32 v28, v15  }
0x1df: {  	[tilespmem:$0x1FFB0] =	vst v61;
	v61 =	vld.idx.msk [tilespmem:v23+s17+$0x0], $0xffff;
	v23 =	vadd.s32 $0x188, v9;
	v39 =	vmul.f32 v33, v39;
	v25 =	vmul.f32 v33, v37  }
0x1e0: {  	v62 =	vadd.f32 v5, v57;
	v1 =	vmul.f32 v30, v1;
	v28 =	vmul.f32 v30, v34  }
0x1e1: {  	v15 =	vadd.s32 $0x5, v9;
	v17 =	vsub.f32 v38, v0;
	v36 =	vsub.f32 v0, v41  }
0x1e2: {  	[tilespmem:$0x1FFC0] =	vst v20;
	v16 =	vld.idx.msk [tilespmem:v59+s17+$0x0], $0xffff;
	v20 =	vmul.f32 $3.000000000e+00, v33;
	v9 =	vmul.u32 $0x3, v9;
	v27 =	vsub.f32 v0, v55  }
0x1e3: {  	v5 =	vsub.f32 v63, v0;
	v57 =	vsub.f32 v0, v22;
	v40 =	vmul.f32 v54, v13  }
0x1e4: {  	v12 =	vmul.f32 v54, v11;
	v18 =	vsub.f32 v33, v54;
	v21 =	vmul.f32 v61, v17  }
0x1e5: {  	v13 =	vld.idx.msk [tilespmem:v56+s17+$0x0], $0xffff;
	v31 =	vmul.f32 v61, v36;
	v51 =	vsub.f32 v54, v30;
	v42 =	vadd.s32 v35, v9  }
0x1e6: {  	[tilespmem:$0x1FF40] =	vst v60;
	v43 =	vld.idx.msk [tilespmem:v23+s17+$0x0], $0xffff;
	v56 =	vadd.s32 $0x1, v42;
	v58 =	vadd.s32 $0x2, v42;
	v59 =	vadd.s32 $0xC0, v42  }
0x1e7: {  	[tilespmem:$0x1FE80] =	vst v62;
	v60 =	vadd.s32 $0xC1, v42;
	v62 =	vadd.s32 $0x180, v42;
	v31 =	vmul.f32 v16, v31  }
0x1e8: {  	v63 =	vadd.s32 $0xC2, v42;
	v11 =	vand.u32 $0x7F, v42;
	v23 =	vadd.s32 $0x240, v42;
	v34 =	vld.idx.msk [tilespmem:v15+s17+$0x0], $0xffff  }
0x1e9: {  	v24 =	vld.idx.msk [tilespmem:v14+s17+$0x0], $0xffff;
	v26 =	vadd.f32 v40, v39;
	v55 =	vmul.f32 v31, v5;
	v31 =	vmul.f32 v31, v36  }
0x1ea: {  	v29 =	vadd.f32 v1, v12;
	v38 =	vmul.f32 $3.000000000e+00, v18;
	v33 =	vmul.f32 v13, v21;
	v61 =	vld.idx.msk [tilespmem:v42+s16+$0x0], $0xffff  }
0x1eb: {  	v52 =	vld.idx.msk [tilespmem:v19+s17+$0x0], $0xffff;
	v39 =	vmul.f32 $3.000000000e+00, v51;
	v40 =	vand.u32 $0xFF80, v62;
	v41 =	vmul.f32 v43, v31  }
0x1ec: {  	[tilespmem:$0x1FF30] =	vst v50;
	v50 =	vor.u32 v11, v40;
	v53 =	vmul.f32 v33, v17;
	v54 =	vmul.f32 v33, v27  }
0x1ed: {  	[tilespmem:$0x1FFF0] =	vst v47;
	v40 =	vmul.f32 $3.000000000e+00, v30;
	v15 =	vadd.s32 $0x181, v42;
	v47 =	vld.idx.msk [tilespmem:v56+s16+$0x0], $0xffff;
	v0 =	vsub.f32 v34, v0  }
0x1ee: {  	v48 =	vld.idx.msk [tilespmem:v58+s16+$0x0], $0xffff;
	v36 =	vmul.f32 v41, v36;
	v9 =	vadd.f32 v55, v54;
	v45 =	vmul.f32 v24, v53  }
0x1ef: {  	v43 =	vsub.f32 $0.0e+00, v20;
	v12 =	vld.idx.msk [tilespmem:v59+s16+$0x0], $0xffff;
	v0 =	vmul.f32 v41, v0;
	v14 =	vmul.f32 v61, v25  }
0x1f0: {  	v56 =	vadd.s32 $0x242, v42;
	v32 =	vld.idx.msk [tilespmem:v23+s16+$0x0], $0xffff;
	v46 =	vmul.f32 v45, v57;
	v35 =	vmul.f32 v9, v52  }
0x1f1: {  	v49 =	vld.idx.msk [tilespmem:v63+s16+$0x0], $0xffff;
	v58 =	vadd.s32 $0x4, v42;
	v2 =	vmul.f32 v45, v17;
	v37 =	vmul.f32 $3.000000000e+00, v45  }
0x1f2: {  	v63 =	vadd.s32 $0xC4, v42;
	v34 =	vld.idx.msk [tilespmem:v60+s16+$0x0], $0xffff;
	v9 =	vmul.f32 v61, v43;
	v16 =	vmul.f32 v47, v25  }
0x1f3: {  	v33 =	vadd.s32 $0x3, v42;
	v18 =	vmul.f32 v47, v43;
	v19 =	vmul.f32 v48, v25  }
0x1f4: {  	v20 =	vld.idx.msk [tilespmem:v50+s16+$0x0], $0xffff;
	v60 =	vadd.s32 $0xC3, v42;
	v21 =	vmul.f32 v12, v26;
	v1 =	vmul.f32 v12, v38  }
0x1f5: {  	v24 =	vadd.s32 $0x241, v42;
	v48 =	vmul.f32 v48, v43;
	v12 =	vmul.f32 v32, v28  }
0x1f6: {  	v17 =	vadd.s32 $0x182, v42;
	v5 =	vmul.f32 v35, v5;
	v13 =	vmul.f32 v35, v27  }
0x1f7: {  	v45 =	vsub.f32 v45, v35;
	v22 =	vmul.f32 v34, v26;
	v44 =	vadd.f32 v21, v14  }
0x1f8: {  	v9 =	vadd.f32 v1, v9;
	v34 =	vmul.f32 v34, v38;
	v27 =	vmul.f32 v49, v26  }
0x1f9: {  	v62 =	vld.idx.msk [tilespmem:v56+s16+$0x0], $0xffff;
	v49 =	vmul.f32 v49, v38;
	v30 =	vmul.f32 v20, v29;
	v37 =	vsub.f32 $0.0e+00, v37  }
0x1fa: {  	v53 =	vld.idx.msk [tilespmem:v58+s16+$0x0], $0xffff;
	v47 =	vmul.f32 v20, v39;
	v35 =	vsub.f32 v35, v41;
	v3 =	vadd.f32 v5, v46  }
0x1fb: {  	v41 =	vmul.f32 $3.000000000e+00, v41;
	v6 =	vadd.f32 v0, v13;
	v51 =	vadd.f32 v22, v16  }
0x1fc: {  	v50 =	vld.idx.msk [tilespmem:v24+s16+$0x0], $0xffff;
	v1 =	vmul.f32 $3.000000000e+00, v45;
	v0 =	vadd.f32 v34, v18;
	v31 =	vadd.f32 v49, v48  }
0x1fd: {  	v44 =	vadd.f32 v30, v44;
	v9 =	vadd.f32 v47, v9;
	v45 =	vmul.f32 v32, v40  }
0x1fe: {  	v46 =	vld.idx.msk [tilespmem:v15+s16+$0x0], $0xffff;
	v13 =	vadd.s32 $0x5, v42;
	v15 =	vadd.s32 $0xC5, v42;
	v18 =	vmul.f32 v62, v28  }
0x1ff: {  	v48 =	vld.idx.msk [tilespmem:v33+s16+$0x0], $0xffff;
	v30 =	vadd.s32 $0x243, v42;
	v20 =	vmul.f32 v62, v40;
	v23 =	vmul.f32 v53, v25  }
0x200: {  	v52 =	vld.idx.msk [tilespmem:v17+s16+$0x0], $0xffff;
	v53 =	vmul.f32 v53, v43;
	v44 =	vadd.f32 v12, v44;
	v9 =	vadd.f32 v45, v9  }
0x201: {  	v33 =	vadd.s32 $0x244, v42;
	v17 =	vld.idx.msk [tilespmem:v60+s16+$0x0], $0xffff;
	v14 =	vmul.f32 v50, v28;
	v16 =	vmul.f32 v50, v40  }
0x202: {  	v5 =	vadd.f32 v27, v19;
	v49 =	vmul.f32 v44, v2;
	v9 =	vmul.f32 v9, v2  }
0x203: {  	v19 =	vadd.s32 $0x183, v42;
	v44 =	vmul.f32 v44, v37;
	v57 =	vmul.f32 v46, v29;
	v54 =	vld.idx.msk [tilespmem:v13+s16+$0x0], $0xffff  }
0x204: {  	v60 =	vadd.s32 $0x245, v42;
	v46 =	vmul.f32 v46, v39;
	v21 =	vmul.f32 v48, v25;
	v56 =	vld.idx.msk [tilespmem:v15+s16+$0x0], $0xffff  }
0x205: {  	v22 =	vmul.f32 v48, v43;
	v10 =	vld.idx.msk [tilespmem:v30+s16+$0x0], $0xffff;
	v30 =	vadd.s32 $0xC6, v42;
	v59 =	vmul.f32 v52, v29  }
0x206: {  	v50 =	vld.idx.msk [tilespmem:v33+s16+$0x0], $0xffff;
	v33 =	vadd.s32 $0xC7, v42;
	v11 =	vmul.f32 v52, v39;
	v58 =	vmul.f32 v17, v26  }
0x207: {  	v24 =	vmul.f32 v17, v38;
	v61 =	vadd.f32 v57, v51;
	v0 =	vadd.f32 v46, v0  }
0x208: {  	v51 =	vld.idx.msk [tilespmem:v63+s16+$0x0], $0xffff;
	v57 =	vadd.s32 $0x184, v42;
	v63 =	vadd.s32 $0xC8, v42;
	v5 =	vadd.f32 v59, v5  }
0x209: {  	v52 =	vld.idx.msk [tilespmem:v19+s16+$0x0], $0xffff;
	v34 =	vadd.f32 v11, v31;
	v59 =	vadd.s32 $0x185, v42;
	v55 =	vadd.f32 v58, v21  }
0x20a: {  	v15 =	vld.idx.msk [tilespmem:v60+s16+$0x0], $0xffff;
	v45 =	vadd.f32 v24, v22;
	v21 =	vadd.s32 $0x6, v42;
	v4 =	vmul.f32 v54, v25  }
0x20b: {  	v24 =	vadd.s32 $0x7, v42;
	v7 =	vmul.f32 v56, v26;
	v54 =	vmul.f32 v54, v43  }
0x20c: {  	v0 =	vadd.f32 v16, v0;
	v56 =	vmul.f32 v56, v38;
	v16 =	vmul.f32 v10, v28  }
0x20d: {  	v46 =	vadd.f32 v14, v61;
	v19 =	vmul.f32 v50, v28;
	v50 =	vmul.f32 v50, v40  }
0x20e: {  	v5 =	vadd.f32 v18, v5;
	v8 =	vmul.f32 v52, v29;
	v52 =	vmul.f32 v52, v39  }
0x20f: {  	v34 =	vadd.f32 v20, v34;
	v22 =	vmul.f32 v15, v28;
	v27 =	vmul.f32 v51, v26;
	v32 =	vld.idx.msk [tilespmem:v57+s16+$0x0], $0xffff  }
0x210: {  	v51 =	vmul.f32 v51, v38;
	v54 =	vadd.f32 v56, v54;
	v57 =	vmul.f32 v46, v2  }
0x211: {  	v46 =	vmul.f32 v46, v37;
	v56 =	vmul.f32 v10, v40;
	v59 =	vld.idx.msk [tilespmem:v59+s16+$0x0], $0xffff;
	v55 =	vadd.f32 v8, v55  }
0x212: {  	v17 =	vmul.f32 v34, v2;
	v10 =	vadd.s32 $0x186, v42;
	v45 =	vadd.f32 v52, v45;
	v62 =	vld.idx.msk [tilespmem:v24+s16+$0x0], $0xffff  }
0x213: {  	v52 =	vmul.f32 v0, v2;
	v31 =	vadd.f32 v27, v23;
	v20 =	vadd.f32 v16, v55  }
0x214: {  	v23 =	vmul.f32 v15, v40;
	v45 =	vadd.f32 v56, v45;
	v11 =	vmul.f32 v32, v29  }
0x215: {  	v51 =	vadd.f32 v51, v53;
	v12 =	vmul.f32 v32, v39;
	v27 =	vmul.f32 v20, v3  }
0x216: {  	v53 =	vadd.f32 v7, v4;
	v45 =	vmul.f32 v45, v3;
	v13 =	vmul.f32 v59, v29  }
0x217: {  	v16 =	vld.idx.msk [tilespmem:v33+s16+$0x0], $0xffff;
	v33 =	vadd.s32 $0x189, v42;
	v14 =	vmul.f32 v59, v39;
	v55 =	vmul.f32 v62, v43  }
0x218: {  	v8 =	vld.idx.msk [tilespmem:v30+s16+$0x0], $0xffff;
	v59 =	vmul.f32 $3.000000000e+00, v35;
	v35 =	vadd.s32 $0x18A, v42;
	v47 =	vadd.f32 v11, v31  }
0x219: {  	v0 =	vadd.f32 v12, v51;
	v51 =	vmul.f32 v5, v2;
	v5 =	vmul.f32 v5, v37  }
0x21a: {  	v49 =	vadd.f32 v27, v49;
	v37 =	vmul.f32 v20, v1;
	v31 =	vadd.s32 $0x8, v42  }
0x21b: {  	v9 =	vadd.f32 v45, v9;
	v20 =	vmul.f32 v62, v25;
	v62 =	vadd.s32 $0x248, v42  }
0x21c: {  	v48 =	vadd.f32 v13, v53;
	v18 =	vadd.f32 v14, v54;
	v14 =	vadd.s32 $0x187, v42  }
0x21d: {  	v53 =	vld.idx.msk [tilespmem:v21+s16+$0x0], $0xffff;
	v21 =	vmul.f32 v8, v26;
	v27 =	vmul.f32 v16, v26;
	v47 =	vadd.f32 v19, v47  }
0x21e: {  	v0 =	vadd.f32 v50, v0;
	v44 =	vadd.f32 v37, v44;
	v37 =	vmul.f32 v16, v38  }
0x21f: {  	v48 =	vadd.f32 v22, v48;
	v34 =	vadd.f32 v23, v18;
	v22 =	vadd.s32 $0x246, v42  }
0x220: {  	v23 =	vadd.s32 $0x247, v42;
	v32 =	vmul.f32 v47, v3;
	v61 =	vmul.f32 v0, v3  }
0x221: {  	v19 =	vld.idx.msk [tilespmem:v63+s16+$0x0], $0xffff;
	v7 =	vmul.f32 v47, v1;
	v47 =	vmul.f32 v8, v38;
	v37 =	vadd.f32 v37, v55  }
0x222: {  	v11 =	vmul.f32 v48, v3;
	v12 =	vmul.f32 v34, v3;
	v13 =	vld.idx.msk [tilespmem:v31+s16+$0x0], $0xffff;
	v4 =	vadd.f32 v32, v57  }
0x223: {  	v1 =	vmul.f32 v48, v1;
	v52 =	vadd.f32 v61, v52;
	v45 =	vadd.f32 v7, v46;
	v57 =	vld.idx.msk [tilespmem:v10+s16+$0x0], $0xffff  }
0x224: {  	v18 =	vmul.f32 v53, v25;
	v53 =	vmul.f32 v53, v43;
	v48 =	vld.idx.msk [tilespmem:v14+s16+$0x0], $0xffff;
	v14 =	vadd.s32 $0x9, v42  }
0x225: {  	v15 =	vadd.f32 v11, v51;
	v50 =	vadd.f32 v12, v17;
	v17 =	vadd.s32 $0x188, v42  }
0x226: {  	v7 =	vld.idx.msk [tilespmem:v62+s16+$0x0], $0xffff;
	v5 =	vadd.f32 v1, v5;
	v61 =	vmul.f32 v19, v26;
	v1 =	vadd.f32 v21, v18  }
0x227: {  	v54 =	vmul.f32 v19, v38;
	v47 =	vadd.f32 v47, v53;
	v53 =	vadd.f32 v27, v20;
	v30 =	vld.idx.msk [tilespmem:v22+s16+$0x0], $0xffff  }
0x228: {  	v63 =	vld.idx.msk [tilespmem:v23+s16+$0x0], $0xffff;
	v18 =	vadd.s32 $0xC9, v42;
	v20 =	vadd.s32 $0xB, v42;
	v24 =	vmul.f32 v13, v25  }
0x229: {  	v22 =	vadd.s32 $0xCA, v42;
	v46 =	vmul.f32 v13, v43;
	v31 =	vmul.f32 v57, v29  }
0x22a: {  	[tilespmem:$0x1FF00] =	vst v15;
	v15 =	vadd.s32 $0xA, v42;
	v0 =	vmul.f32 v48, v29;
	v48 =	vmul.f32 v48, v39  }
0x22b: {  	v51 =	vld.idx.msk [tilespmem:v17+s16+$0x0], $0xffff;
	v58 =	vadd.f32 v61, v24;
	v46 =	vadd.f32 v54, v46;
	v61 =	vmul.f32 v57, v39  }
0x22c: {  	[tilespmem:$0x1FF90] =	vst v3;
	v17 =	vmul.f32 v7, v28;
	v1 =	vadd.f32 v31, v1;
	v3 =	vadd.f32 v0, v53  }
0x22d: {  	[tilespmem:$0x1FF80] =	vst v2;
	v37 =	vadd.f32 v48, v37;
	v10 =	vmul.f32 v30, v28;
	v12 =	vmul.f32 v63, v28  }
0x22e: {  	v24 =	vld.idx.msk [tilespmem:v14+s16+$0x0], $0xffff;
	v11 =	vmul.f32 v30, v40;
	v13 =	vmul.f32 v63, v40;
	v47 =	vadd.f32 v61, v47  }
0x22f: {  	v53 =	vmul.f32 v7, v40;
	v56 =	vld.idx.msk [tilespmem:v18+s16+$0x0], $0xffff;
	v54 =	vadd.f32 v10, v1;
	v1 =	vadd.f32 v12, v3  }
0x230: {  	v48 =	vld.idx.msk [tilespmem:v22+s16+$0x0], $0xffff;
	v16 =	vadd.f32 v13, v37;
	v2 =	vmul.f32 v51, v29;
	v51 =	vmul.f32 v51, v39  }
0x231: {  	v47 =	vadd.f32 v11, v47;
	v19 =	vmul.f32 v54, v6;
	v30 =	vmul.f32 v54, v59  }
0x232: {  	v27 =	vadd.s32 $0xCB, v42;
	v31 =	vmul.f32 v16, v6;
	v32 =	vmul.f32 v1, v59  }
0x233: {  	v13 =	vadd.s32 $0x249, v42;
	v0 =	vmul.f32 v24, v25;
	v47 =	vmul.f32 v47, v6  }
0x234: {  	v34 =	vld.idx.msk [tilespmem:v20+s16+$0x0], $0xffff;
	v16 =	vmul.f32 v56, v26;
	v56 =	vmul.f32 v56, v38;
	v8 =	vadd.f32 v2, v58  }
0x235: {  	v18 =	vmul.f32 v48, v26;
	v46 =	vadd.f32 v51, v46;
	v23 =	vadd.f32 v19, v49;
	v51 =	vld.idx.msk [tilespmem:v15+s16+$0x0], $0xffff  }
0x236: {  	v48 =	vmul.f32 v48, v38;
	v44 =	vadd.f32 v30, v44;
	v52 =	vadd.f32 v31, v52  }
0x237: {  	v45 =	vadd.f32 v32, v45;
	v2 =	vadd.s32 $0x18B, v42;
	v15 =	vld.idx.msk [tilespmem:v33+s16+$0x0], $0xffff;
	v46 =	vadd.f32 v53, v46  }
0x238: {  	v49 =	vmul.f32 v24, v43;
	v47 =	vadd.f32 v47, v9;
	v21 =	vadd.f32 v17, v8;
	v53 =	vld.idx.msk [tilespmem:v27+s16+$0x0], $0xffff  }
0x239: {  	v9 =	vmul.f32 v34, v25;
	v55 =	vadd.f32 v16, v0;
	v46 =	vmul.f32 v46, v6  }
0x23a: {  	v54 =	vld.idx.msk [tilespmem:v35+s16+$0x0], $0xffff;
	[tilespmem:$0x1FF20] =	vst v23;
	v17 =	vadd.s32 $0x24A, v42;
	v37 =	vmul.f32 v21, v59;
	v12 =	vmul.f32 v51, v25  }
0x23b: {  	v42 =	vadd.s32 $0x24B, v42;
	[tilespmem:$0x1FED0] =	vst v21;
	v21 =	vld.idx.msk [tilespmem:v13+s16+$0x0], $0xffff;
	v14 =	vmul.f32 v51, v43;
	v43 =	vmul.f32 v34, v43  }
0x23c: {  	v49 =	vadd.f32 v56, v49;
	v58 =	vld.idx.msk [tilespmem:v2+s16+$0x0], $0xffff;
	v22 =	vmul.f32 v15, v29;
	v23 =	vmul.f32 v15, v39  }
0x23d: {  	v46 =	vadd.f32 v46, v50;
	v50 =	vadd.f32 v37, v5;
	v5 =	vld [tilespmem:s29+$0x20];
	v19 =	vmul.f32 v53, v26  }
0x23e: {  	v20 =	vadd.f32 v18, v12;
	v38 =	vmul.f32 v53, v38;
	v48 =	vadd.f32 v48, v14  }
0x23f: {  	v24 =	vmul.f32 v54, v29;
	v27 =	vld.idx.msk [tilespmem:v17+s16+$0x0], $0xffff;
	v55 =	vadd.f32 v22, v55;
	v49 =	vadd.f32 v23, v49  }
0x240: {  	v54 =	vmul.f32 v54, v39;
	v42 =	vld.idx.msk [tilespmem:v42+s16+$0x0], $0xffff;
	v9 =	vadd.f32 v19, v9;
	v38 =	vadd.f32 v38, v43  }
0x241: {  	v51 =	vadd.f32 v24, v20;
	v31 =	vmul.f32 v21, v28;
	v53 =	vmul.f32 v21, v40  }
0x242: {  	v48 =	vadd.f32 v54, v48;
	v30 =	vmul.f32 v58, v29;
	v32 =	vmul.f32 $6.100000000e+01, v5  }
0x243: {  	v39 =	vmul.f32 v58, v39;
	v43 =	vadd.f32 v31, v55;
	v49 =	vadd.f32 v53, v49  }
0x244: {  	v59 =	vadd.f32 $-9.836065760e-01, v5;
	v34 =	vmul.f32 v27, v28;
	v56 =	vtrunc.f32 v32  }
0x245: {  	v9 =	vadd.f32 v30, v9;
	v58 =	vmul.f32 v42, v28;
	v53 =	vcvt.f32.s32 v56  }
0x246: {  	v33 =	vadd.f32 v39, v38;
	v35 =	vmul.f32 v27, v40;
	v40 =	vmul.f32 v42, v40  }
0x247: {  	v60 =	vmul.f32 v49, v36;
	v39 =	vadd.f32 v58, v9;
	v9 =	vld [tilespmem:s30+$0x20];
	vm12 =	vgt.s32 v53, $0x0  }
0x248: {  	v62 =	vand.u32 $0x7FFFFFFF, v59;
	v63 =	vmul.f32 v43, v41;
	v61 =	vnsel vm12, $0x0, v53  }
0x249: {  	v48 =	vadd.f32 v35, v48;
	vm13 =	vle.f32 v62, $1.983606490e-05;
	v49 =	vmin.u32 v61, $0x3C  }
0x24a: {  	v38 =	vadd.f32 v34, v51;
	v40 =	vadd.f32 v40, v33;
	v49 =	vsel vm13, $0x3C, v49  }
0x24b: {  	v42 =	vadd.f32 v60, v47;
	v48 =	vmul.f32 v48, v36;
	v2 =	vadd.s32 $0x2, v49  }
0x24c: {  	v0 =	vmul.f32 v38, v41;
	v3 =	vmul.f32 $6.100000000e+01, v9;
	v7 =	vadd.s32 $0x3, v49  }
0x24d: {  	v41 =	vmul.f32 v39, v41;
	v40 =	vmul.f32 v40, v36;
	v8 =	vadd.s32 $0x1, v49  }
0x24e: {  	v48 =	vadd.f32 v48, v52;
	v10 =	vadd.s32 $0x48, v49;
	v47 =	vtrunc.f32 v3  }
0x24f: {  	v45 =	vadd.f32 v0, v45;
	v11 =	vadd.s32 $0x88, v49;
	v47 =	vcvt.f32.s32 v47  }
0x250: {  	v41 =	vadd.f32 v41, v50;
	v12 =	vadd.f32 $-9.836065760e-01, v9;
	v13 =	vadd.s32 $0xC8, v49;
	v53 =	vld.idx.msk [tilespmem:v2+s17+$0x0], $0xffff  }
0x251: {  	v40 =	vadd.f32 v40, v46;
	v15 =	vadd.s32 $0x4, v49;
	vm14 =	vgt.s32 v47, $0x0;
	v14 =	vld.idx.msk [tilespmem:v7+s17+$0x0], $0xffff  }
0x252: {  	v19 =	vadd.s32 $0x108, v49;
	v50 =	vand.u32 $0x7FFFFFFF, v12;
	v47 =	vnsel vm14, $0x0, v47;
	v17 =	vld.idx.msk [tilespmem:v8+s17+$0x0], $0xffff  }
0x253: {  	v21 =	vadd.s32 $0x148, v49;
	vm15 =	vle.f32 v50, $1.983606490e-05;
	v18 =	vld.idx.msk [tilespmem:v10+s17+$0x0], $0xffff;
	v47 =	vmin.u32 v47, $0x3C  }
0x254: {  	v44 =	vadd.f32 v63, v44;
	v55 =	vld.idx.msk [tilespmem:v11+s17+$0x0], $0xffff;
	v47 =	vsel vm15, $0x3C, v47  }
0x255: {  	v16 =	vmul.f32 v41, v48;
	v20 =	vmul.f32 v40, v45;
	v56 =	vld.idx.msk [tilespmem:v13+s17+$0x0], $0xffff;
	v23 =	vadd.s32 $0x2, v47  }
0x256: {  	v40 =	vmul.f32 v40, v44;
	v22 =	vmul.f32 v41, v42;
	v54 =	vld.idx.msk [tilespmem:v15+s17+$0x0], $0xffff;
	v24 =	vadd.s32 $0x3, v47  }
0x257: {  	v42 =	vmul.f32 v45, v42;
	v32 =	vmul.f32 v48, v44;
	v59 =	vld.idx.msk [tilespmem:v19+s17+$0x0], $0xffff;
	v27 =	vadd.s32 $0x1, v47  }
0x258: {  	v40 =	vsub.f32 v40, v22;
	v33 =	vld.idx.msk [tilespmem:v21+s17+$0x0], $0xffff;
	v31 =	vadd.s32 $0x48, v47  }
0x259: {  	v41 =	vsub.f32 v16, v20;
	v42 =	vsub.f32 v42, v32;
	v19 =	vld.idx.msk [tilespmem:v49+s17+$0x0], $0xffff;
	v34 =	vadd.s32 $0x88, v47  }
0x25a: {  	v16 =	vadd.s32 $0x188, v49;
	v63 =	vmul.f32 v40, v40;
	v11 =	vadd.s32 $0x4, v47;
	v35 =	vld.idx.msk [tilespmem:v23+s17+$0x0], $0xffff  }
0x25b: {  	v8 =	vmul.f32 v1, v6;
	v51 =	vsub.f32 v5, v53;
	v46 =	vsub.f32 v14, v5;
	v53 =	vld.idx.msk [tilespmem:v24+s17+$0x0], $0xffff  }
0x25c: {  	v10 =	vmul.f32 v41, v41;
	v21 =	vmul.f32 v42, v42;
	v57 =	vld.idx.msk [tilespmem:v27+s17+$0x0], $0xffff  }
0x25d: {  	v12 =	vadd.s32 $0x5, v49;
	v30 =	vmul.f32 v18, v46;
	v50 =	vmul.f32 v18, v51;
	v61 =	vld.idx.msk [tilespmem:v31+s17+$0x0], $0xffff  }
0x25e: {  	v49 =	vmul.u32 $0xC0, v49;
	v37 =	vadd.s32 $0xC8, v47;
	v58 =	vsub.f32 v5, v17;
	v15 =	vld.idx.msk [tilespmem:v34+s17+$0x0], $0xffff  }
0x25f: {  	v54 =	vsub.f32 v54, v5;
	v20 =	vld.idx.msk [tilespmem:v11+s17+$0x0], $0xffff;
	v55 =	vmul.f32 v55, v30;
	v56 =	vmul.f32 v56, v50  }
0x260: {  	v44 =	vadd.f32 v8, v4;
	v62 =	vadd.f32 v63, v10;
	v18 =	vadd.s32 $0x5, v47;
	v30 =	vld.idx.msk [tilespmem:v16+s17+$0x0], $0xffff  }
0x261: {  	v27 =	vadd.s32 $0x148, v47;
	v34 =	vld.idx.msk [tilespmem:v47+s17+$0x0], $0xffff;
	v13 =	vmul.f32 v55, v58;
	v14 =	vmul.f32 v56, v54  }
0x262: {  	v22 =	vadd.s32 $0x108, v47;
	v32 =	vadd.s32 $0x188, v47;
	v50 =	vadd.f32 v62, v21  }
0x263: {  	v23 =	vld.idx.msk [tilespmem:v12+s17+$0x0], $0xffff;
	v55 =	vmul.f32 v55, v46;
	v56 =	vmul.f32 v56, v51;
	v1 =	vadd.f32 v14, v13  }
0x264: {  	v17 =	vld.idx.msk [tilespmem:v37+s17+$0x0], $0xffff;
	v47 =	vmul.u32 $0x3, v47;
	v52 =	vsub.f32 v9, v35;
	v60 =	vsub.f32 v53, v9  }
0x265: {  	v31 =	vld.idx.msk [tilespmem:v18+s17+$0x0], $0xffff;
	v55 =	vmul.f32 v59, v55;
	v7 =	vsub.f32 v20, v9;
	v63 =	vmul.f32 v30, v56  }
0x266: {  	v3 =	vld.idx.msk [tilespmem:v27+s17+$0x0], $0xffff;
	v27 =	vsub.f32 v9, v34;
	v24 =	vmul.f32 v61, v60;
	v61 =	vmul.f32 v61, v52  }
0x267: {  	v62 =	vmul.f32 v1, v33;
	v33 =	vsub.f32 v5, v19;
	v46 =	vmul.f32 v55, v46  }
0x268: {  	v14 =	vld.idx.msk [tilespmem:v32+s17+$0x0], $0xffff;
	v5 =	vsub.f32 v23, v5;
	v32 =	vmul.f32 $3.000000000e+00, v55;
	v51 =	vmul.f32 v63, v51  }
0x269: {  	v0 =	vmul.f32 v15, v24;
	v4 =	vmul.f32 v17, v61;
	v61 =	vsub.f32 v9, v57  }
0x26a: {  	v57 =	vadd.s32 v49, v47;
	v45 =	vmul.f32 v55, v33;
	v35 =	vmul.f32 v62, v54  }
0x26b: {  	[tilespmem:$0x1FEC0] =	vst v6;
	v6 =	vsub.f32 v31, v9;
	v33 =	vsub.f32 v55, v62;
	v13 =	vadd.s32 $0x1, v57  }
0x26c: {  	v2 =	vld.idx.msk [tilespmem:v22+s17+$0x0], $0xffff;
	v34 =	vmul.f32 v62, v58;
	v5 =	vmul.f32 v63, v5;
	v24 =	vadd.s32 $0xC0, v57  }
0x26d: {  	v30 =	vadd.s32 $0xC1, v57;
	v15 =	vadd.s32 $0xC2, v57;
	v17 =	vadd.s32 $0x180, v57  }
0x26e: {  	v18 =	vand.u32 $0x7F, v57;
	v37 =	vmul.f32 v0, v61;
	v12 =	vmul.f32 v4, v7  }
0x26f: {  	v45 =	vadd.f32 v35, v45;
	v0 =	vmul.f32 v0, v60;
	v31 =	vmul.f32 v4, v52;
	v35 =	vld.idx.msk [tilespmem:v57+s16+$0x0], $0xffff  }
0x270: {  	v47 =	vand.u32 $0xFF80, v17;
	v23 =	vadd.f32 v12, v37;
	v37 =	vadd.s32 $0x2, v57;
	v53 =	vld.idx.msk [tilespmem:v13+s16+$0x0], $0xffff  }
0x271: {  	v58 =	vmul.f32 $3.000000000e+00, v33;
	v19 =	vor.u32 v18, v47;
	v16 =	vmul.f32 v2, v0;
	v12 =	vld.idx.msk [tilespmem:v24+s16+$0x0], $0xffff  }
0x272: {  	v18 =	vsub.f32 v62, v63;
	v56 =	vmul.f32 v14, v31;
	v21 =	vmul.f32 v23, v3;
	v14 =	vld.idx.msk [tilespmem:v30+s16+$0x0], $0xffff  }
0x273: {  	v62 =	vmul.f32 $3.000000000e+00, v63;
	v13 =	vmul.f32 v16, v27;
	v23 =	vadd.s32 $0x181, v57;
	v27 =	vld.idx.msk [tilespmem:v15+s16+$0x0], $0xffff  }
0x274: {  	v59 =	vsub.f32 $0.0e+00, v32;
	v6 =	vmul.f32 v56, v6;
	v7 =	vmul.f32 v21, v7  }
0x275: {  	v32 =	vadd.s32 $0x182, v57;
	v61 =	vmul.f32 v21, v61;
	v22 =	vld.idx.msk [tilespmem:v37+s16+$0x0], $0xffff;
	v20 =	vmul.f32 v35, v46  }
0x276: {  	v48 =	vadd.f32 v5, v34;
	v8 =	vmul.f32 v35, v59;
	v24 =	vmul.f32 v12, v45  }
0x277: {  	v37 =	vadd.s32 $0x3, v57;
	v4 =	vmul.f32 v12, v58;
	v30 =	vmul.f32 v53, v46  }
0x278: {  	v47 =	vadd.f32 v7, v13;
	v31 =	vmul.f32 v14, v45;
	v2 =	vld.idx.msk [tilespmem:v23+s16+$0x0], $0xffff;
	v23 =	vmul.f32 v27, v45  }
0x279: {  	v17 =	vld.idx.msk [tilespmem:v19+s16+$0x0], $0xffff;
	v3 =	vmul.f32 v27, v58;
	v27 =	vadd.s32 $0x242, v57;
	v1 =	vadd.f32 v24, v20  }
0x27a: {  	v20 =	vmul.f32 v22, v46;
	v0 =	vmul.f32 v22, v59;
	v22 =	vadd.s32 $0x240, v57  }
0x27b: {  	v5 =	vld.idx.msk [tilespmem:v32+s16+$0x0], $0xffff;
	v19 =	vmul.f32 v53, v59;
	v9 =	vmul.f32 v14, v58;
	v24 =	vadd.s32 $0x241, v57  }
0x27c: {  	v49 =	vadd.f32 v6, v61;
	v61 =	vmul.f32 $3.000000000e+00, v18;
	v4 =	vadd.f32 v4, v8  }
0x27d: {  	v33 =	vadd.f32 v31, v30;
	v9 =	vadd.f32 v9, v19;
	v10 =	vld.idx.msk [tilespmem:v37+s16+$0x0], $0xffff;
	v35 =	vmul.f32 v2, v48  }
0x27e: {  	v34 =	vmul.f32 v17, v48;
	v30 =	vadd.f32 v23, v20;
	v20 =	vadd.s32 $0xC3, v57;
	v8 =	vld.idx.msk [tilespmem:v27+s16+$0x0], $0xffff  }
0x27f: {  	v7 =	vmul.f32 v17, v61;
	v6 =	vadd.f32 v35, v33;
	v33 =	vadd.s32 $0x4, v57;
	v19 =	vld.idx.msk [tilespmem:v22+s16+$0x0], $0xffff  }
0x280: {  	v32 =	vmul.f32 v5, v48;
	v5 =	vmul.f32 v5, v61;
	v18 =	vadd.f32 v34, v1;
	v22 =	vld.idx.msk [tilespmem:v24+s16+$0x0], $0xffff  }
0x281: {  	v4 =	vadd.f32 v7, v4;
	v2 =	vmul.f32 v2, v61;
	v35 =	vadd.s32 $0xC4, v57  }
0x282: {  	v34 =	vadd.s32 $0x5, v57;
	v31 =	vadd.f32 v3, v0;
	v27 =	vadd.s32 $0xC5, v57  }
0x283: {  	v23 =	vadd.f32 v2, v9;
	v0 =	vmul.f32 v10, v46;
	v10 =	vmul.f32 v10, v59;
	v54 =	vld.idx.msk [tilespmem:v20+s16+$0x0], $0xffff  }
0x284: {  	v9 =	vadd.f32 v32, v30;
	v32 =	vld.idx.msk [tilespmem:v33+s16+$0x0], $0xffff;
	v33 =	vmul.f32 v8, v51;
	v3 =	vmul.f32 v19, v62  }
0x285: {  	v30 =	vadd.f32 v5, v31;
	v31 =	vmul.f32 v22, v51;
	v7 =	vmul.f32 v22, v62  }
0x286: {  	v1 =	vld.idx.msk [tilespmem:v35+s16+$0x0], $0xffff;
	v35 =	vadd.s32 $0x183, v57;
	v24 =	vmul.f32 v19, v51;
	v17 =	vadd.f32 v3, v4  }
0x287: {  	v5 =	vld.idx.msk [tilespmem:v27+s16+$0x0], $0xffff;
	v22 =	vadd.s32 $0x184, v57;
	v53 =	vadd.f32 v31, v6;
	v20 =	vadd.f32 v7, v23  }
0x288: {  	v6 =	vld.idx.msk [tilespmem:v34+s16+$0x0], $0xffff;
	v34 =	vmul.f32 v8, v62;
	v3 =	vmul.f32 v54, v45;
	v23 =	vadd.s32 $0x185, v57  }
0x289: {  	v37 =	vadd.f32 v33, v9;
	v33 =	vld [tilespmem:$0x1FDF0];
	v55 =	vadd.f32 v24, v18;
	v54 =	vmul.f32 v54, v58  }
0x28a: {  	v9 =	vmul.f32 v16, v60;
	v18 =	vadd.f32 v34, v30;
	v14 =	vadd.f32 v3, v0;
	v34 =	vld [tilespmem:$0x1FE00]  }
0x28b: {  	v15 =	vadd.f32 v54, v10;
	v24 =	vmul.f32 v32, v46;
	v4 =	vmul.f32 v32, v59;
	v8 =	vld.idx.msk [tilespmem:v35+s16+$0x0], $0xffff  }
0x28c: {  	v27 =	vmul.f32 v1, v45;
	v30 =	vmul.f32 v1, v58;
	v54 =	vadd.s32 $0x243, v57;
	v2 =	vld.idx.msk [tilespmem:v22+s16+$0x0], $0xffff  }
0x28d: {  	v0 =	vmul.f32 v5, v45;
	v32 =	vadd.s32 $0x244, v57;
	v5 =	vmul.f32 v5, v58;
	v19 =	vld.idx.msk [tilespmem:v23+s16+$0x0], $0xffff  }
0x28e: {  	v10 =	vadd.f32 v27, v24;
	v27 =	vadd.s32 $0x245, v57;
	v31 =	vmul.f32 v6, v46;
	v23 =	vld [tilespmem:$0x1FE10]  }
0x28f: {  	v6 =	vmul.f32 v6, v59;
	v63 =	vmul.f32 v34, v33  }
0x290: {  	v35 =	vadd.f32 v30, v4;
	v30 =	vmul.f32 v8, v48;
	v8 =	vmul.f32 v8, v61  }
0x291: {  	v22 =	vadd.f32 v0, v31;
	v54 =	vld.idx.msk [tilespmem:v54+s16+$0x0], $0xffff;
	v5 =	vadd.f32 v5, v6;
	v33 =	vmul.f32 v2, v48  }
0x292: {  	v31 =	vld.idx.msk [tilespmem:v32+s16+$0x0], $0xffff;
	v2 =	vmul.f32 v2, v61;
	v3 =	vadd.f32 v30, v14;
	v15 =	vadd.f32 v8, v15  }
0x293: {  	v12 =	vld.idx.msk [tilespmem:v27+s16+$0x0], $0xffff;
	v27 =	vadd.s32 $0x6, v57;
	v30 =	vsub.f32 v16, v21;
	v24 =	vshrl.u32 v23, $0x1  }
0x294: {  	v11 =	vmul.f32 $5.000000000e-01, v23;
	v34 =	vmul.f32 v19, v48;
	v0 =	vadd.f32 v33, v10  }
0x295: {  	v2 =	vadd.f32 v2, v35;
	v4 =	vmul.f32 v19, v61;
	v1 =	vsub.s32 $0x5F3759DF, v24  }
0x296: {  	v23 =	vmul.f32 $3.000000000e+00, v16;
	v32 =	vmul.f32 v1, v11;
	v10 =	vadd.f32 v34, v22  }
0x297: {  	v35 =	vmul.f32 v54, v51;
	v13 =	vmul.f32 v54, v62;
	v4 =	vadd.f32 v4, v5  }
0x298: {  	v14 =	vmul.f32 v31, v51;
	v6 =	vmul.f32 v31, v62;
	v31 =	vadd.s32 $0xC6, v57  }
0x299: {  	v54 =	vadd.s32 $0x7, v57;
	v7 =	vmul.f32 v1, v32;
	v34 =	vadd.f32 v35, v3  }
0x29a: {  	v22 =	vadd.f32 v13, v15;
	v35 =	vadd.f32 v14, v0;
	v24 =	vmul.f32 v12, v51  }
0x29b: {  	v0 =	vadd.f32 v6, v2;
	v12 =	vmul.f32 v12, v62;
	v32 =	vmul.f32 v17, v9  }
0x29c: {  	v2 =	vsub.f32 $0.0e+00, v23;
	v6 =	vmul.f32 v18, v9;
	v7 =	vsub.f32 $1.500000000e+00, v7  }
0x29d: {  	v60 =	vadd.f32 v24, v10;
	v3 =	vmul.f32 v22, v47;
	v10 =	vmul.f32 $3.000000000e+00, v30  }
0x29e: {  	v4 =	vadd.f32 v12, v4;
	v23 =	vmul.f32 v55, v2;
	v24 =	vadd.s32 $0xC7, v57  }
0x29f: {  	v30 =	vadd.s32 $0x8, v57;
	v14 =	vld.idx.msk [tilespmem:v31+s16+$0x0], $0xffff;
	v19 =	vmul.f32 v1, v7;
	v13 =	vmul.f32 v34, v10  }
0x2a0: {  	v0 =	vmul.f32 v0, v47;
	v31 =	vmul.f32 v53, v2;
	v5 =	vld.idx.msk [tilespmem:v54+s16+$0x0], $0xffff;
	v54 =	vadd.s32 $0x247, v57  }
0x2a1: {  	v33 =	vmul.f32 v19, v11;
	v12 =	vadd.f32 v13, v23;
	v13 =	vadd.s32 $0xC8, v57  }
0x2a2: {  	v22 =	vadd.f32 v3, v32;
	v7 =	vld.idx.msk [tilespmem:v27+s16+$0x0], $0xffff;
	v27 =	vmul.f32 v20, v9;
	v32 =	vmul.f32 v37, v2  }
0x2a3: {  	v4 =	vmul.f32 v4, v47;
	v15 =	vld.idx.msk [tilespmem:v24+s16+$0x0], $0xffff;
	v3 =	vmul.f32 v33, v19;
	v33 =	vadd.s32 $0x186, v57  }
0x2a4: {  	v23 =	vmul.f32 v35, v10;
	v10 =	vmul.f32 v60, v10;
	v24 =	vadd.s32 $0x187, v57;
	v17 =	vld.idx.msk [tilespmem:v30+s16+$0x0], $0xffff  }
0x2a5: {  	v16 =	vadd.f32 v0, v27;
	v11 =	vadd.f32 v4, v6;
	v30 =	vmul.f32 v14, v45;
	v20 =	vld.idx.msk [tilespmem:v54+s16+$0x0], $0xffff  }
0x2a6: {  	v18 =	vadd.f32 v23, v31;
	v8 =	vadd.f32 v10, v32;
	v54 =	vadd.s32 $0x248, v57;
	v4 =	vld.idx.msk [tilespmem:v13+s16+$0x0], $0xffff  }
0x2a7: {  	v32 =	vmul.f32 v14, v58;
	v27 =	vmul.f32 v7, v46;
	v13 =	vadd.s32 $0x188, v57  }
0x2a8: {  	v14 =	vadd.s32 $0x246, v57;
	v31 =	vmul.f32 v7, v59;
	v3 =	vsub.f32 $1.500000000e+00, v3;
	v10 =	vld.idx.msk [tilespmem:v33+s16+$0x0], $0xffff  }
0x2a9: {  	v0 =	vadd.f32 v30, v27;
	v2 =	vld.idx.msk [tilespmem:v24+s16+$0x0], $0xffff;
	v24 =	vmul.f32 v15, v45;
	v33 =	vmul.f32 v5, v46  }
0x2aa: {  	v23 =	vld [tilespmem:$0x1FE30];
	v1 =	vadd.f32 v32, v31;
	v27 =	vmul.f32 v15, v58;
	v5 =	vmul.f32 v5, v59  }
0x2ab: {  	v32 =	vmul.f32 v17, v46;
	v54 =	vld.idx.msk [tilespmem:v54+s16+$0x0], $0xffff;
	v30 =	vadd.f32 v24, v33;
	v33 =	vmul.f32 v4, v45  }
0x2ac: {  	v7 =	vadd.f32 v27, v5;
	v24 =	vmul.f32 v17, v59;
	v13 =	vld.idx.msk [tilespmem:v13+s16+$0x0], $0xffff;
	v4 =	vmul.f32 v4, v58  }
0x2ad: {  	v27 =	vadd.f32 v33, v32;
	v31 =	vmul.f32 v10, v48;
	v10 =	vmul.f32 v10, v61;
	v33 =	vld [tilespmem:$0x1FE20]  }
0x2ae: {  	v3 =	vmul.f32 v3, v19;
	v14 =	vld.idx.msk [tilespmem:v14+s16+$0x0], $0xffff;
	v4 =	vadd.f32 v4, v24;
	v32 =	vmul.f32 v2, v48  }
0x2af: {  	v2 =	vmul.f32 v2, v61;
	v0 =	vadd.f32 v31, v0;
	v1 =	vadd.f32 v10, v1  }
0x2b0: {  	v15 =	vadd.f32 v32, v30;
	v32 =	vmul.f32 v3, v23;
	v30 =	vld [tilespmem:$0x1FE40];
	v23 =	vmul.f32 v54, v51  }
0x2b1: {  	v19 =	vadd.f32 v2, v7;
	v54 =	vmul.f32 v54, v62;
	v6 =	vmul.f32 v13, v48  }
0x2b2: {  	v7 =	vsub.f32 v21, v56;
	v10 =	vld [tilespmem:$0x1FE70];
	v24 =	vmul.f32 v13, v61;
	v31 =	vmul.f32 v3, v33  }
0x2b3: {  	v13 =	vadd.f32 v6, v27;
	v27 =	vmul.f32 v14, v51;
	v14 =	vmul.f32 v14, v62  }
0x2b4: {  	v17 =	vadd.f32 v24, v4;
	v4 =	vmul.f32 v20, v51;
	v20 =	vmul.f32 v20, v62  }
0x2b5: {  	v30 =	vmul.f32 v3, v30;
	v27 =	vadd.f32 v27, v0;
	v5 =	vadd.f32 v14, v1  }
0x2b6: {  	v33 =	vld [tilespmem:$0x1FE50];
	v24 =	vadd.f32 v4, v15;
	v14 =	vadd.f32 v20, v19;
	v19 =	vadd.s32 $0x9, v57  }
0x2b7: {  	v6 =	vld [tilespmem:$0x1FE60];
	v21 =	vshrl.u32 v10, $0x1;
	v20 =	vmul.f32 $5.000000000e-01, v10;
	v3 =	vadd.s32 $0xC9, v57  }
0x2b8: {  	v0 =	vmul.f32 $3.000000000e+00, v7;
	v4 =	vadd.s32 $0xCA, v57;
	v15 =	vsub.s32 $0x5F3759DF, v21  }
0x2b9: {  	v17 =	vadd.f32 v54, v17;
	v21 =	vadd.s32 $0xA, v57;
	v2 =	vmul.f32 v15, v20  }
0x2ba: {  	v23 =	vadd.f32 v23, v13;
	v10 =	vmul.f32 v5, v49;
	v13 =	vmul.f32 v27, v0  }
0x2bb: {  	v54 =	vadd.s32 $0xB, v57;
	v14 =	vmul.f32 v14, v49;
	v17 =	vmul.f32 v17, v49;
	v19 =	vld.idx.msk [tilespmem:v19+s16+$0x0], $0xffff  }
0x2bc: {  	v33 =	vmul.f32 v6, v33;
	v2 =	vmul.f32 v15, v2;
	v10 =	vadd.f32 v10, v22;
	v3 =	vld.idx.msk [tilespmem:v3+s16+$0x0], $0xffff  }
0x2bd: {  	v13 =	vadd.f32 v13, v12;
	v12 =	vadd.s32 $0xCB, v57;
	v22 =	vadd.s32 $0x189, v57;
	v4 =	vld.idx.msk [tilespmem:v4+s16+$0x0], $0xffff  }
0x2be: {  	v5 =	vld.idx.msk [tilespmem:v21+s16+$0x0], $0xffff;
	v2 =	vsub.f32 $1.500000000e+00, v2;
	v21 =	vmul.f32 v24, v0;
	v0 =	vmul.f32 v23, v0  }
0x2bf: {  	v14 =	vadd.f32 v14, v16;
	v16 =	vadd.s32 $0x18A, v57;
	v11 =	vadd.f32 v17, v11  }
0x2c0: {  	v18 =	vadd.f32 v21, v18;
	v2 =	vmul.f32 v15, v2;
	v7 =	vadd.f32 v0, v8;
	v8 =	vld.idx.msk [tilespmem:v54+s16+$0x0], $0xffff  }
0x2c1: {  	v54 =	vadd.s32 $0x249, v57;
	v15 =	vmul.f32 v19, v46;
	v17 =	vmul.f32 v19, v59  }
0x2c2: {  	v12 =	vld.idx.msk [tilespmem:v12+s16+$0x0], $0xffff;
	v19 =	vadd.s32 $0x18B, v57;
	v21 =	vmul.f32 v3, v45;
	v3 =	vmul.f32 v3, v58  }
0x2c3: {  	v6 =	vadd.s32 $0x24A, v57;
	v22 =	vld.idx.msk [tilespmem:v22+s16+$0x0], $0xffff;
	v0 =	vmul.f32 v4, v45;
	v1 =	vmul.f32 v5, v46  }
0x2c4: {  	v16 =	vld.idx.msk [tilespmem:v16+s16+$0x0], $0xffff;
	v4 =	vmul.f32 v4, v58;
	v5 =	vmul.f32 v5, v59;
	v15 =	vadd.f32 v21, v15  }
0x2c5: {  	v21 =	vadd.s32 $0x24B, v57;
	v0 =	vadd.f32 v0, v1;
	v1 =	vmul.f32 v8, v59  }
0x2c6: {  	v4 =	vadd.f32 v4, v5;
	v5 =	vmul.f32 v8, v46;
	v59 =	vmul.f32 v2, v20;
	v20 =	vld.idx.msk [tilespmem:v54+s16+$0x0], $0xffff  }
0x2c7: {  	v3 =	vadd.f32 v3, v17;
	v17 =	vmul.f32 v12, v45;
	v12 =	vmul.f32 v12, v58;
	v8 =	vld.idx.msk [tilespmem:v19+s16+$0x0], $0xffff  }
0x2c8: {  	v6 =	vld.idx.msk [tilespmem:v6+s16+$0x0], $0xffff;
	v54 =	vmul.f32 v22, v48;
	v22 =	vmul.f32 v22, v61  }
0x2c9: {  	v57 =	vmul.f32 v16, v48;
	v16 =	vmul.f32 v16, v61;
	v5 =	vadd.f32 v17, v5  }
0x2ca: {  	v58 =	vmul.f32 v59, v2;
	v1 =	vadd.f32 v12, v1;
	v15 =	vadd.f32 v54, v15  }
0x2cb: {  	v3 =	vadd.f32 v22, v3;
	v0 =	vadd.f32 v57, v0;
	v17 =	vld.idx.msk [tilespmem:v21+s16+$0x0], $0xffff;
	v54 =	vmul.f32 v20, v51  }
0x2cc: {  	v4 =	vadd.f32 v16, v4;
	v57 =	vmul.f32 v20, v62;
	v59 =	vmul.f32 v8, v48  }
0x2cd: {  	v8 =	vmul.f32 v8, v61;
	v61 =	vsub.f32 $1.500000000e+00, v58;
	v58 =	vmul.f32 v6, v51  }
0x2ce: {  	v3 =	vadd.f32 v57, v3;
	v6 =	vmul.f32 v6, v62;
	v5 =	vadd.f32 v59, v5;
	v59 =	vld [tilespmem:$0x1FE80]  }
0x2cf: {  	v57 =	vmul.f32 $3.000000000e+00, v56;
	v8 =	vadd.f32 v8, v1;
	v1 =	vmul.f32 v56, v52  }
0x2d0: {  	v15 =	vadd.f32 v54, v15;
	v62 =	vmul.f32 v17, v62;
	v22 =	vmul.f32 v17, v51;
	v52 =	vld [tilespmem:$0x1FE90]  }
0x2d1: {  	v2 =	vmul.f32 v61, v2;
	v16 =	vadd.f32 v58, v0;
	v4 =	vadd.f32 v6, v4  }
0x2d2: {  	v58 =	vld [tilespmem:$0x1FEA0];
	v12 =	vadd.f32 v22, v5;
	v3 =	vmul.f32 v3, v1;
	v8 =	vadd.f32 v62, v8  }
0x2d3: {  	v4 =	vmul.f32 v4, v1;
	v62 =	vld [tilespmem:$0x1FEB0];
	v0 =	vmul.f32 $5.000000000e-01, v59;
	v61 =	vshrl.u32 v59, $0x1  }
0x2d4: {  	v5 =	vmul.f32 v15, v57;
	v8 =	vmul.f32 v8, v1;
	v19 =	vsub.s32 $0x5F3759DF, v61  }
0x2d5: {  	v3 =	vadd.f32 v3, v10;
	v6 =	vmul.f32 v2, v52;
	v52 =	vld [tilespmem:$0x1FEE0];
	v54 =	vmul.f32 v19, v0  }
0x2d6: {  	v22 =	vld [tilespmem:$0x1FED0];
	v4 =	vadd.f32 v4, v14;
	v59 =	vmul.f32 v16, v57;
	v61 =	vmul.f32 v12, v57  }
0x2d7: {  	v20 =	vmul.f32 v2, v58;
	v8 =	vadd.f32 v8, v11;
	v57 =	vld [tilespmem:$0x1FEF0];
	v17 =	vmul.f32 v19, v54  }
0x2d8: {  	v2 =	vmul.f32 v2, v62;
	v10 =	vadd.f32 v59, v18;
	v62 =	vld [tilespmem:$0x1FF10];
	v7 =	vadd.f32 v61, v7  }
0x2d9: {  	v35 =	vmul.f32 v35, v47;
	v58 =	vld [tilespmem:$0x1FF00];
	v17 =	vsub.f32 $1.500000000e+00, v17  }
0x2da: {  	v21 =	vshrl.u32 v50, $0x1;
	v61 =	vmul.f32 v8, v10;
	[tilespmem:s31+$0xFFFFFFE0] =	vst v52;
	v59 =	vmul.f32 v7, v4;
	v52 =	vld [tilespmem:$0x1FF20]  }
0x2db: {  	v5 =	vadd.f32 v5, v13;
	v14 =	vmul.f32 v19, v17;
	v17 =	vmul.f32 $5.000000000e-01, v50;
	v50 =	vld [tilespmem:$0x1FEC0]  }
0x2dc: {  	v11 =	vsub.s32 $0x5F3759DF, v21;
	v54 =	vmul.f32 v43, v36;
	[tilespmem:s0+$0xFFFFFFE0] =	vst v57;
	v21 =	vsub.f32 v59, v61;
	v61 =	vld [tilespmem:$0x1FF50]  }
0x2dd: {  	v8 =	vmul.f32 v8, v5;
	v7 =	vmul.f32 v7, v3;
	[tilespmem:s3+$0xFFFFFFE0] =	vst v62;
	v62 =	vadd.f32 v26, v25;
	v26 =	vld [tilespmem:$0x1FF60]  }
0x2de: {  	v3 =	vmul.f32 v10, v3;
	v4 =	vmul.f32 v4, v5;
	[tilespmem:s1+$0xFFFFFFE0] =	vst v63;
	v63 =	vadd.f32 v29, v28;
	v29 =	vld [tilespmem:$0x1FF70]  }
0x2df: {  	[tilespmem:s15+$0xFFFFFFE0] =	vst v31;
	v31 =	vld [tilespmem:$0x1FF90];
	v0 =	vmul.f32 v14, v0;
	v56 =	vmul.f32 v11, v17  }
0x2e0: {  	v7 =	vsub.f32 v8, v7;
	v13 =	vadd.f32 v54, v52;
	[tilespmem:s19+$0xFFFFFFE0] =	vst v32;
	v54 =	vld [tilespmem:$0x1FF30];
	v18 =	vmul.f32 v22, v50  }
0x2e1: {  	v3 =	vsub.f32 v3, v4;
	[tilespmem:s20+$0xFFFFFFE0] =	vst v30;
	v30 =	vld [tilespmem:$0x1FF80];
	v0 =	vmul.f32 v0, v14;
	v19 =	vmul.f32 v11, v56  }
0x2e2: {  	v59 =	vmul.f32 v7, v7;
	v56 =	vld [tilespmem:$0x1FF40];
	[tilespmem:s31+$0xFFFFFFF0] =	vst v61;
	v18 =	vadd.f32 v18, v58;
	v58 =	vmul.f32 v21, v21  }
0x2e3: {  	v15 =	vmul.f32 v15, v1;
	[tilespmem:s0+$0xFFFFFFF0] =	vst v26;
	v0 =	vsub.f32 $1.500000000e+00, v0;
	v57 =	vsub.f32 $1.500000000e+00, v19  }
0x2e4: {  	v28 =	vmul.f32 v3, v3;
	[tilespmem:s3+$0xFFFFFFF0] =	vst v29;
	v29 =	vmul.f32 v55, v9;
	v4 =	vadd.f32 v59, v58  }
0x2e5: {  	v32 =	vld [tilespmem:$0x1FFA0];
	v43 =	vadd.f32 v50, v36;
	v0 =	vmul.f32 v0, v14;
	v8 =	vmul.f32 v11, v57  }
0x2e6: {  	v61 =	vld [tilespmem:$0x1FFD0];
	[tilespmem:s31+$0x10] =	vst v13;
	v11 =	vadd.f32 v31, v30;
	v30 =	vmul.f32 v34, v47;
	v4 =	vadd.f32 v4, v28  }
0x2e7: {  	[tilespmem:s1+$0xFFFFFFF0] =	vst v33;
	v5 =	vmul.f32 v56, v54;
	v54 =	vadd.f32 v63, v62;
	v17 =	vmul.f32 v8, v17  }
0x2e8: {  	v52 =	vld [tilespmem:$0x1FFC0];
	[tilespmem:s15+$0xFFFFFFF0] =	vst v6;
	v58 =	vmul.f32 v38, v36;
	v57 =	vshrl.u32 v4, $0x1;
	v4 =	vmul.f32 $5.000000000e-01, v4  }
0x2e9: {  	v50 =	vld [tilespmem:$0x1FFB0];
	[tilespmem:s19+$0xFFFFFFF0] =	vst v20;
	v59 =	vmul.f32 v39, v36;
	v56 =	vmul.f32 v17, v8;
	v17 =	vsub.s32 $0x5F3759DF, v57  }
0x2ea: {  	v11 =	vadd.f32 v43, v11;
	[tilespmem:s20+$0xFFFFFFF0] =	vst v2;
	v28 =	vld [tilespmem:$0x1FFE0];
	v2 =	vadd.f32 v58, v44;
	v63 =	vmul.f32 v17, v4  }
0x2eb: {  	v31 =	vld [tilespmem:$0x1FFF0];
	v34 =	vmul.f32 v53, v9;
	[tilespmem:s31+$0x0] =	vst v61;
	v22 =	vmul.f32 v0, v32;
	v18 =	vadd.f32 v59, v18  }
0x2ec: {  	v55 =	vadd.f32 v48, v51;
	v6 =	vmul.f32 v11, v54;
	[tilespmem:s0+$0x10] =	vst v2;
	v32 =	vmul.f32 v17, v63  }
0x2ed: {  	v53 =	vmul.f32 v16, v1;
	v36 =	vmul.f32 v37, v9;
	v62 =	vsub.f32 $1.500000000e+00, v56;
	[tilespmem:s3+$0x10] =	vst v18  }
0x2ee: {  	v37 =	vmul.f32 v60, v47;
	v10 =	vmul.f32 v0, v50;
	[tilespmem:s1+$0x10] =	vst v6;
	v11 =	vsub.f32 $1.500000000e+00, v32  }
0x2ef: {  	v9 =	vadd.f32 v47, v9;
	v0 =	vmul.f32 v0, v52;
	[tilespmem:s0+$0x0] =	vst v28;
	v8 =	vmul.f32 v62, v8  }
0x2f0: {  	v33 =	vadd.f32 v30, v29;
	v38 =	vadd.f32 v35, v34;
	[tilespmem:s3+$0x0] =	vst v31;
	v11 =	vmul.f32 v17, v11  }
0x2f1: {  	v50 =	vmul.f32 v23, v49;
	v54 =	vadd.f32 v45, v46;
	[tilespmem:s1+$0x0] =	vst v5;
	v39 =	vmul.f32 v8, v41  }
0x2f2: {  	v43 =	vadd.f32 v37, v36;
	v41 =	vmul.f32 v27, v49;
	[tilespmem:s15+$0x0] =	vst v22;
	v4 =	vmul.f32 v11, v4  }
0x2f3: {  	v44 =	vmul.f32 v24, v49;
	v56 =	vadd.f32 v49, v1;
	v6 =	vadd.f32 v55, v54;
	[tilespmem:s19+$0x0] =	vst v10  }
0x2f4: {  	v52 =	vmul.f32 v8, v40;
	v5 =	vadd.f32 v41, v33;
	[tilespmem:s15+$0x10] =	vst v39;
	v4 =	vmul.f32 v4, v11  }
0x2f5: {  	v8 =	vmul.f32 v8, v42;
	v10 =	vadd.f32 v44, v38;
	[tilespmem:s20+$0x0] =	vst v0;
	v0 =	vadd.f32 v50, v43  }
0x2f6: {  	v1 =	vmul.f32 v12, v1;
	[tilespmem:s19+$0x10] =	vst v52;
	v5 =	vadd.f32 v15, v5;
	v4 =	vsub.f32 $1.500000000e+00, v4  }
0x2f7: {  	s28 =	sadd.s32 $0x50, s28;
	v58 =	vadd.f32 v56, v9;
	v57 =	vadd.f32 v53, v10;
	[tilespmem:s20+$0x10] =	vst v8  }
0x2f8: {  	s21 =	simm.s32 $0x1FD0;
	s22 =	simm.s32 $0x151E0;
	s23 =	simm.s32 $0x131E0;
	v0 =	vadd.f32 v1, v0;
	[tilespmem:s31+$0x20] =	vst v5;
	v59 =	vmul.f32 v4, v11  }
0x2f9: {  	s24 =	simm.s32 $0x111E0;
	s25 =	simm.s32 $0xF1E0;
	p0 =	slt.u32 s28, $0x1F90;
	v60 =	vmul.f32 v58, v6;
	[tilespmem:s0+$0x20] =	vst v57  }
.Ltmp0:
0x2fa: {  	s4 =	simm.s32 $0xD1E0;
	s5 =	simm.s32 $0xB1E0;
	[tilespmem:s3+$0x20] =	vst v0;
	v61 =	vmul.f32 v59, v21;
	(pc) =	sbr.rel @p0 .LBB2_2-.Ltmp0, $4  }
0x2fb: {  	s6 =	simm.s32 $0x91E0;
	s8 =	simm.s32 $0x3FE0;
	s9 =	simm.s32 $0x1FE0;
	[tilespmem:s1+$0x20] =	vst v60;
	v62 =	vmul.f32 v59, v7  }
0x2fc: {  	s29 =	sadd.s32 $0x50, s29;
	s30 =	sadd.s32 $0x50, s30;
	s31 =	sadd.s32 $0x50, s31;
	v63 =	vmul.f32 v59, v3;
	[tilespmem:s15+$0x20] =	vst v61  }
0x2fd: {  	s0 =	sadd.s32 $0x50, s0;
	s3 =	sadd.s32 $0x50, s3;
	s1 =	sadd.s32 $0x50, s1;
	[tilespmem:s19+$0x20] =	vst v62  }
0x2fe: {  	s15 =	sadd.s32 $0x50, s15;
	s19 =	sadd.s32 $0x50, s19;
	[tilespmem:s20+$0x20] =	vst v63;
	s20 =	sadd.s32 $0x50, s20  }
.LBB2_3:
0x2ff: {  	v0 =	vld [tilespmem:s9+$0x0]  }
0x300: {  	v5 =	vld [tilespmem:s8+$0x0];
	_ =	sdelay $0x3  }
0x301: {  	v1 =	vmul.f32 $6.100000000e+01, v0  }
0x302: {  	v8 =	vmul.f32 $6.100000000e+01, v5  }
0x303: {  	v1 =	vtrunc.f32 v1  }
0x304: {  	v2 =	vadd.f32 $-9.836065760e-01, v0;
	v8 =	vtrunc.f32 v8;
	v1 =	vcvt.f32.s32 v1  }
0x305: {  	v12 =	vadd.f32 $-9.836065760e-01, v5;
	v8 =	vcvt.f32.s32 v8  }
0x306: {  	v2 =	vand.u32 $0x7FFFFFFF, v2;
	vm0 =	vgt.s32 v1, $0x0  }
0x307: {  	v51 =	vand.u32 $0x7FFFFFFF, v12;
	vm14 =	vgt.s32 v8, $0x0;
	v1 =	vnsel vm0, $0x0, v1  }
0x308: {  	vm13 =	vle.f32 v2, $1.983606490e-05;
	v8 =	vnsel vm14, $0x0, v8;
	v1 =	vmin.u32 v1, $0x3C  }
0x309: {  	vm15 =	vle.f32 v51, $1.983606490e-05;
	v50 =	vmin.u32 v8, $0x3C;
	v4 =	vsel vm13, $0x3C, v1  }
0x30a: {  	v17 =	vsel vm15, $0x3C, v50  }
0x30b: {  	v1 =	vadd.s32 $0x1, v4  }
0x30c: {  	v48 =	vadd.s32 $0x2, v4  }
0x30d: {  	v3 =	vadd.s32 $0x3, v4  }
0x30e: {  	v6 =	vadd.s32 $0x4, v4;
	v53 =	vld.idx.msk [tilespmem:v4+s17+$0x0], $0xffff  }
0x30f: {  	v7 =	vadd.s32 $0x48, v4;
	v23 =	vld.idx.msk [tilespmem:v17+s17+$0x0], $0xffff  }
0x310: {  	v9 =	vadd.s32 $0x88, v4;
	v1 =	vld.idx.msk [tilespmem:v1+s17+$0x0], $0xffff  }
0x311: {  	v11 =	vadd.s32 $0x5, v4;
	v2 =	vld.idx.msk [tilespmem:v48+s17+$0x0], $0xffff  }
0x312: {  	v13 =	vadd.s32 $0x108, v4;
	v3 =	vld.idx.msk [tilespmem:v3+s17+$0x0], $0xffff  }
0x313: {  	v57 =	vadd.s32 $0x1, v17;
	v6 =	vld.idx.msk [tilespmem:v6+s17+$0x0], $0xffff  }
0x314: {  	v18 =	vadd.s32 $0x3, v17;
	v7 =	vld.idx.msk [tilespmem:v7+s17+$0x0], $0xffff  }
0x315: {  	v10 =	vadd.s32 $0xC8, v4;
	v9 =	vld.idx.msk [tilespmem:v9+s17+$0x0], $0xffff  }
0x316: {  	v20 =	vadd.s32 $0x4, v17;
	v54 =	vld.idx.msk [tilespmem:v11+s17+$0x0], $0xffff  }
0x317: {  	v14 =	vadd.s32 $0x148, v4;
	v52 =	vadd.s32 $0x188, v4;
	v55 =	vld.idx.msk [tilespmem:v13+s17+$0x0], $0xffff  }
0x318: {  	v19 =	vadd.s32 $0x2, v17;
	v60 =	vadd.s32 $0x48, v17;
	v62 =	vadd.s32 $0x88, v17;
	v13 =	vld.idx.msk [tilespmem:v57+s17+$0x0], $0xffff  }
0x319: {  	v29 =	vadd.s32 $0xC8, v17;
	v35 =	vadd.s32 $0x108, v17;
	v36 =	vadd.s32 $0x5, v17;
	v28 =	vld.idx.msk [tilespmem:v18+s17+$0x0], $0xffff  }
0x31a: {  	v21 =	vadd.s32 $0x148, v17;
	v10 =	vld.idx.msk [tilespmem:v10+s17+$0x0], $0xffff;
	v8 =	vsub.f32 v0, v53;
	v46 =	vsub.f32 v5, v23  }
0x31b: {  	v41 =	vmul.u32 $0x3, v17;
	v20 =	vld.idx.msk [tilespmem:v20+s17+$0x0], $0xffff;
	v15 =	vsub.f32 v0, v2;
	v49 =	vsub.f32 v3, v0  }
0x31c: {  	v4 =	vmul.u32 $0xC0, v4;
	v1 =	vsub.f32 v0, v1;
	v6 =	vsub.f32 v6, v0  }
0x31d: {  	v56 =	vld.idx.msk [tilespmem:v14+s17+$0x0], $0xffff;
	v0 =	vsub.f32 v54, v0;
	v16 =	vmul.f32 v7, v49;
	v7 =	vmul.f32 v7, v15  }
0x31e: {  	v22 =	vadd.s32 $0x188, v17;
	v12 =	vld.idx.msk [tilespmem:v52+s17+$0x0], $0xffff;
	v37 =	vsub.f32 v28, v5;
	v24 =	vsub.f32 v5, v13  }
0x31f: {  	v31 =	vld.idx.msk [tilespmem:v19+s17+$0x0], $0xffff;
	v13 =	vadd.s32 v4, v41;
	v9 =	vmul.f32 v9, v16;
	v7 =	vmul.f32 v10, v7  }
0x320: {  	v20 =	vsub.f32 v20, v5;
	v47 =	vadd.s32 $0x1, v13;
	v25 =	vadd.s32 $0xC1, v13;
	v16 =	vld.idx.msk [tilespmem:v60+s17+$0x0], $0xffff  }
0x321: {  	v53 =	vadd.s32 $0xC2, v13;
	v58 =	vmul.f32 v9, v1;
	v59 =	vmul.f32 v7, v6  }
0x322: {  	v54 =	vadd.s32 $0x180, v13;
	v9 =	vmul.f32 v9, v49;
	v7 =	vmul.f32 v7, v15  }
0x323: {  	v34 =	vld.idx.msk [tilespmem:v62+s17+$0x0], $0xffff;
	v62 =	vadd.s32 $0x240, v13;
	v4 =	vand.u32 $0xFF80, v54;
	v14 =	vadd.f32 v59, v58  }
0x324: {  	v18 =	vld.idx.msk [tilespmem:v35+s17+$0x0], $0xffff;
	v9 =	vmul.f32 v55, v9;
	v63 =	vmul.f32 v12, v7;
	v7 =	vsub.f32 v5, v31  }
0x325: {  	v52 =	vld.idx.msk [tilespmem:v13+s16+$0x0], $0xffff;
	v55 =	vand.u32 $0x7F, v13;
	v40 =	vmul.f32 v16, v37;
	v61 =	vmul.f32 v14, v56  }
0x326: {  	v12 =	vld.idx.msk [tilespmem:v29+s17+$0x0], $0xffff;
	v29 =	vadd.s32 $0x181, v13;
	v30 =	vmul.f32 v9, v8;
	v33 =	vmul.f32 v63, v0  }
0x327: {  	v42 =	vld.idx.msk [tilespmem:v21+s17+$0x0], $0xffff;
	v31 =	vadd.s32 $0x241, v13;
	v0 =	vmul.f32 v9, v49;
	v3 =	vmul.f32 v63, v15  }
0x328: {  	v27 =	vor.u32 v55, v4;
	v39 =	vmul.f32 $3.000000000e+00, v9;
	v16 =	vmul.f32 v16, v7;
	v15 =	vld.idx.msk [tilespmem:v36+s17+$0x0], $0xffff  }
0x329: {  	v8 =	vmul.f32 $3.000000000e+00, v63;
	v14 =	vld.idx.msk [tilespmem:v47+s16+$0x0], $0xffff;
	v6 =	vmul.f32 v61, v6;
	v38 =	vsub.f32 v9, v61  }
0x32a: {  	v44 =	vld.idx.msk [tilespmem:v22+s17+$0x0], $0xffff;
	v32 =	vmul.f32 v61, v1;
	v11 =	vsub.f32 v61, v63;
	v58 =	vmul.f32 v52, v0  }
0x32b: {  	v57 =	vld.idx.msk [tilespmem:v25+s16+$0x0], $0xffff;
	v16 =	vmul.f32 v12, v16;
	v12 =	vsub.f32 $0.0e+00, v39;
	v10 =	vmul.f32 $3.000000000e+00, v38  }
0x32c: {  	v21 =	vld.idx.msk [tilespmem:v53+s16+$0x0], $0xffff;
	v1 =	vadd.f32 v6, v30;
	v6 =	vmul.f32 v34, v40;
	v9 =	vmul.f32 $3.000000000e+00, v11  }
0x32d: {  	v50 =	vadd.s32 $0x2, v13;
	v29 =	vld.idx.msk [tilespmem:v29+s16+$0x0], $0xffff;
	v45 =	vmul.f32 v16, v20;
	v49 =	vmul.f32 v16, v7  }
0x32e: {  	v41 =	vld.idx.msk [tilespmem:v31+s16+$0x0], $0xffff;
	v5 =	vsub.f32 v15, v5;
	v15 =	vmul.f32 v52, v12;
	v59 =	vmul.f32 v14, v0  }
0x32f: {  	v60 =	vadd.s32 $0x182, v13;
	v27 =	vld.idx.msk [tilespmem:v27+s16+$0x0], $0xffff;
	v14 =	vmul.f32 v14, v12;
	v43 =	vmul.f32 v6, v37  }
0x330: {  	v48 =	vadd.s32 $0xC0, v13;
	v38 =	vld.idx.msk [tilespmem:v62+s16+$0x0], $0xffff;
	v6 =	vmul.f32 v6, v24;
	v63 =	vmul.f32 v57, v1  }
0x331: {  	v2 =	vadd.f32 v33, v32;
	v32 =	vmul.f32 v21, v1;
	v21 =	vmul.f32 v21, v10  }
0x332: {  	v53 =	vadd.s32 $0xC4, v13;
	v11 =	vmul.f32 v44, v49;
	v17 =	vmul.f32 v18, v43  }
0x333: {  	v47 =	vadd.s32 $0x5, v13;
	v16 =	vld.idx.msk [tilespmem:v50+s16+$0x0], $0xffff;
	v40 =	vmul.f32 v29, v2;
	v50 =	vmul.f32 v41, v3  }
0x334: {  	v35 =	vld.idx.msk [tilespmem:v60+s16+$0x0], $0xffff;
	v6 =	vadd.f32 v45, v6;
	v26 =	vmul.f32 v11, v5;
	v39 =	vmul.f32 v27, v9  }
0x335: {  	v33 =	vadd.s32 $0x242, v13;
	v18 =	vld.idx.msk [tilespmem:v48+s16+$0x0], $0xffff;
	v48 =	vmul.f32 v38, v3;
	v7 =	vmul.f32 v11, v7  }
0x336: {  	v49 =	vadd.s32 $0xC3, v13;
	v51 =	vmul.f32 v17, v46;
	v23 =	vmul.f32 v6, v42  }
0x337: {  	v34 =	vadd.f32 v63, v59;
	v56 =	vmul.f32 $3.000000000e+00, v17;
	v4 =	vmul.f32 v17, v37  }
0x338: {  	v43 =	vadd.s32 $0x3, v13;
	v30 =	vmul.f32 v16, v0;
	v16 =	vmul.f32 v16, v12  }
0x339: {  	v45 =	vadd.s32 $0x4, v13;
	v37 =	vmul.f32 v27, v2;
	v42 =	vmul.f32 v29, v9  }
0x33a: {  	v59 =	vadd.s32 $0x184, v13;
	v46 =	vmul.f32 v35, v9;
	v6 =	vmul.f32 v23, v20  }
0x33b: {  	v24 =	vmul.f32 v23, v24;
	v28 =	vsub.f32 v17, v23;
	v19 =	vsub.f32 $0.0e+00, v56  }
0x33c: {  	v44 =	vld.idx.msk [tilespmem:v33+s16+$0x0], $0xffff;
	v17 =	vmul.f32 v57, v10;
	v36 =	vadd.f32 v32, v30;
	v16 =	vadd.f32 v21, v16  }
0x33d: {  	v29 =	vld.idx.msk [tilespmem:v53+s16+$0x0], $0xffff;
	v56 =	vadd.s32 $0xC5, v13;
	v21 =	vsub.f32 v23, v11;
	v11 =	vmul.f32 $3.000000000e+00, v11  }
0x33e: {  	v61 =	vmul.f32 v18, v1;
	v18 =	vmul.f32 v18, v10;
	v27 =	vld.idx.msk [tilespmem:v45+s16+$0x0], $0xffff;
	v45 =	vadd.s32 $0x245, v13  }
0x33f: {  	v62 =	vld.idx.msk [tilespmem:v59+s16+$0x0], $0xffff;
	v59 =	vadd.s32 $0x8, v13;
	v5 =	vadd.f32 v6, v51;
	v6 =	vadd.f32 v26, v24  }
0x340: {  	v20 =	vmul.f32 $3.000000000e+00, v28;
	v14 =	vadd.f32 v17, v14;
	v24 =	vmul.f32 v35, v2  }
0x341: {  	v30 =	vld.idx.msk [tilespmem:v47+s16+$0x0], $0xffff;
	v16 =	vadd.f32 v46, v16;
	v26 =	vmul.f32 v38, v8;
	v51 =	vmul.f32 v41, v8  }
0x342: {  	v57 =	vld.idx.msk [tilespmem:v49+s16+$0x0], $0xffff;
	v54 =	vmul.f32 v44, v8;
	v55 =	vmul.f32 v44, v3;
	v22 =	vadd.f32 v61, v58  }
0x343: {  	v52 =	vld.idx.msk [tilespmem:v43+s16+$0x0], $0xffff;
	v21 =	vmul.f32 $3.000000000e+00, v21;
	v15 =	vadd.f32 v18, v15;
	v18 =	vadd.f32 v40, v34  }
0x344: {  	v58 =	vadd.s32 $0x183, v13;
	v41 =	vmul.f32 v29, v1;
	v25 =	vadd.f32 v42, v14  }
0x345: {  	v43 =	vmul.f32 v29, v10;
	v16 =	vadd.f32 v54, v16;
	v17 =	vadd.f32 v24, v36  }
0x346: {  	v36 =	vadd.s32 $0x185, v13;
	v42 =	vadd.s32 $0x244, v13;
	v60 =	vmul.f32 v30, v0  }
0x347: {  	v22 =	vadd.f32 v37, v22;
	v40 =	vmul.f32 v57, v1;
	v61 =	vmul.f32 v30, v12  }
0x348: {  	v15 =	vadd.f32 v39, v15;
	v34 =	vmul.f32 v16, v4;
	v35 =	vmul.f32 v52, v0  }
0x349: {  	v39 =	vadd.s32 $0x243, v13;
	v28 =	vmul.f32 v52, v12;
	v37 =	vmul.f32 v27, v0  }
0x34a: {  	v27 =	vmul.f32 v27, v12;
	v16 =	vadd.f32 v55, v17;
	v55 =	vadd.s32 $0x6, v13  }
0x34b: {  	v52 =	vld.idx.msk [tilespmem:v45+s16+$0x0], $0xffff;
	v45 =	vadd.s32 $0xC8, v13;
	v14 =	vadd.f32 v48, v22;
	v26 =	vadd.f32 v26, v15  }
0x34c: {  	v38 =	vld.idx.msk [tilespmem:v56+s16+$0x0], $0xffff;
	v15 =	vadd.f32 v50, v18;
	v22 =	vadd.f32 v51, v25;
	v18 =	vmul.f32 v57, v10  }
0x34d: {  	v48 =	vmul.f32 v62, v2;
	v25 =	vmul.f32 v62, v9;
	v57 =	vadd.s32 $0x7, v13  }
0x34e: {  	v62 =	vadd.s32 $0xC7, v13;
	v31 =	vld.idx.msk [tilespmem:v58+s16+$0x0], $0xffff;
	v63 =	vadd.f32 v40, v35;
	v33 =	vadd.f32 v41, v37  }
0x34f: {  	v27 =	vadd.f32 v43, v27;
	v26 =	vmul.f32 v26, v4;
	v32 =	vmul.f32 v14, v19;
	v44 =	vld.idx.msk [tilespmem:v36+s16+$0x0], $0xffff  }
0x350: {  	v22 =	vmul.f32 v22, v4;
	v24 =	vmul.f32 v15, v19;
	v18 =	vadd.f32 v18, v28;
	v49 =	vld.idx.msk [tilespmem:v42+s16+$0x0], $0xffff  }
0x351: {  	v36 =	vld.idx.msk [tilespmem:v59+s16+$0x0], $0xffff;
	v59 =	vadd.s32 $0x248, v13;
	v46 =	vmul.f32 v38, v1;
	v38 =	vmul.f32 v38, v10  }
0x352: {  	v50 =	vadd.f32 v48, v33;
	v25 =	vadd.f32 v25, v27;
	v35 =	vmul.f32 v52, v8  }
0x353: {  	v39 =	vld.idx.msk [tilespmem:v39+s16+$0x0], $0xffff;
	v23 =	vadd.f32 v46, v60;
	v17 =	vadd.f32 v38, v61;
	v60 =	vmul.f32 v52, v3  }
0x354: {  	v61 =	vadd.s32 $0xC6, v13;
	v47 =	vmul.f32 v31, v2;
	v31 =	vmul.f32 v31, v9  }
0x355: {  	v52 =	vadd.s32 $0x188, v13;
	v51 =	vmul.f32 v44, v2;
	v29 =	vmul.f32 v44, v9  }
0x356: {  	v43 =	vld.idx.msk [tilespmem:v55+s16+$0x0], $0xffff;
	v58 =	vmul.f32 v49, v3;
	v30 =	vmul.f32 v49, v8;
	v49 =	vadd.s32 $0x187, v13  }
0x357: {  	v55 =	vmul.f32 v36, v0;
	v37 =	vld.idx.msk [tilespmem:v59+s16+$0x0], $0xffff;
	v59 =	vadd.s32 $0xCA, v13;
	v28 =	vadd.f32 v47, v63  }
0x358: {  	v18 =	vadd.f32 v31, v18;
	v53 =	vmul.f32 v39, v3;
	v54 =	vmul.f32 v39, v8  }
0x359: {  	v63 =	vmul.f32 v16, v19;
	v23 =	vadd.f32 v51, v23;
	v29 =	vadd.f32 v29, v17  }
0x35a: {  	v47 =	vadd.s32 $0x186, v13;
	v25 =	vadd.f32 v30, v25;
	v17 =	vadd.f32 v53, v28  }
0x35b: {  	v51 =	vmul.f32 v43, v0;
	v56 =	vadd.f32 v54, v18;
	v18 =	vadd.f32 v58, v50;
	v28 =	vld.idx.msk [tilespmem:v57+s16+$0x0], $0xffff  }
0x35c: {  	v54 =	vadd.s32 $0x246, v13;
	v58 =	vld.idx.msk [tilespmem:v52+s16+$0x0], $0xffff;
	v52 =	vadd.s32 $0x9, v13;
	v25 =	vmul.f32 v25, v5  }
0x35d: {  	v48 =	vld.idx.msk [tilespmem:v61+s16+$0x0], $0xffff;
	v42 =	vadd.f32 v35, v29;
	v29 =	vmul.f32 v43, v12;
	v27 =	vmul.f32 v56, v5  }
0x35e: {  	v50 =	vld.idx.msk [tilespmem:v62+s16+$0x0], $0xffff;
	v19 =	vadd.f32 v60, v23;
	v44 =	vmul.f32 v17, v20;
	v46 =	vmul.f32 v18, v20  }
0x35f: {  	v56 =	vmul.f32 v36, v12;
	v22 =	vadd.f32 v25, v22;
	v23 =	vmul.f32 v42, v5  }
0x360: {  	v35 =	vld.idx.msk [tilespmem:v45+s16+$0x0], $0xffff;
	v20 =	vmul.f32 v19, v20;
	v42 =	vadd.s32 $0x247, v13;
	v26 =	vadd.f32 v27, v26  }
0x361: {  	v27 =	vadd.f32 v44, v32;
	v53 =	vmul.f32 v28, v0;
	v28 =	vmul.f32 v28, v12  }
0x362: {  	v33 =	vld.idx.msk [tilespmem:v49+s16+$0x0], $0xffff;
	v24 =	vadd.f32 v46, v24;
	v57 =	vmul.f32 v48, v1;
	v32 =	vmul.f32 v48, v10  }
0x363: {  	v39 =	vld.idx.msk [tilespmem:v47+s16+$0x0], $0xffff;
	v23 =	vadd.f32 v23, v34;
	v41 =	vmul.f32 v50, v1;
	v25 =	vmul.f32 v50, v10  }
0x364: {  	v31 =	vadd.f32 v20, v63;
	v48 =	vmul.f32 v58, v2;
	v49 =	vmul.f32 v58, v9  }
0x365: {  	v58 =	vmul.f32 v37, v8;
	v61 =	vmul.f32 v35, v1;
	v30 =	vadd.f32 v57, v51  }
0x366: {  	v62 =	vmul.f32 v35, v10;
	v29 =	vadd.f32 v32, v29;
	v60 =	vadd.f32 v41, v53  }
0x367: {  	v25 =	vadd.f32 v25, v28;
	v44 =	vmul.f32 v33, v2;
	v46 =	vmul.f32 v33, v9  }
0x368: {  	v40 =	vld.idx.msk [tilespmem:v54+s16+$0x0], $0xffff;
	v53 =	vadd.s32 $0xA, v13;
	v57 =	vadd.s32 $0xB, v13;
	v63 =	vmul.f32 v39, v2  }
0x369: {  	v34 =	vadd.f32 v61, v55;
	v43 =	vmul.f32 v39, v9;
	v20 =	vadd.f32 v62, v56  }
0x36a: {  	v47 =	vld.idx.msk [tilespmem:v42+s16+$0x0], $0xffff;
	v55 =	vadd.s32 $0xC9, v13;
	v56 =	vmul.f32 v37, v3;
	v61 =	vadd.s32 $0xCB, v13  }
0x36b: {  	v32 =	vadd.f32 v44, v60;
	v25 =	vadd.f32 v46, v25;
	v46 =	vadd.s32 $0x18A, v13  }
0x36c: {  	v60 =	vld.idx.msk [tilespmem:v52+s16+$0x0], $0xffff;
	v52 =	vadd.s32 $0x24A, v13;
	v45 =	vadd.f32 v63, v30;
	v29 =	vadd.f32 v43, v29  }
0x36d: {  	v50 =	vmul.f32 v40, v3;
	v34 =	vadd.f32 v48, v34;
	v51 =	vmul.f32 v40, v8  }
0x36e: {  	v30 =	vadd.f32 v49, v20;
	v63 =	vadd.s32 $0x189, v13;
	v48 =	vadd.s32 $0x18B, v13  }
0x36f: {  	v20 =	vadd.f32 v50, v45;
	v29 =	vadd.f32 v51, v29;
	v28 =	vld.idx.msk [tilespmem:v53+s16+$0x0], $0xffff;
	v33 =	vmul.f32 v47, v8  }
0x370: {  	v30 =	vadd.f32 v58, v30;
	v40 =	vld.idx.msk [tilespmem:v57+s16+$0x0], $0xffff;
	v50 =	vadd.s32 $0x249, v13;
	v54 =	vmul.f32 v47, v3  }
0x371: {  	v29 =	vmul.f32 v29, v6;
	v62 =	vmul.f32 v20, v21;
	v25 =	vadd.f32 v33, v25  }
0x372: {  	v36 =	vld.idx.msk [tilespmem:v55+s16+$0x0], $0xffff;
	v49 =	vmul.f32 v30, v6;
	v51 =	vmul.f32 v60, v0;
	v32 =	vadd.f32 v54, v32  }
0x373: {  	v47 =	vld.idx.msk [tilespmem:v59+s16+$0x0], $0xffff;
	v33 =	vadd.f32 v56, v34;
	v34 =	vmul.f32 v60, v12;
	v25 =	vmul.f32 v25, v6  }
0x374: {  	v13 =	vadd.s32 $0x24B, v13;
	v35 =	vld.idx.msk [tilespmem:v61+s16+$0x0], $0xffff;
	v45 =	vmul.f32 v32, v21;
	v53 =	vmul.f32 v28, v0  }
0x375: {  	v41 =	vld.idx.msk [tilespmem:v46+s16+$0x0], $0xffff;
	v26 =	vadd.f32 v29, v26;
	v28 =	vmul.f32 v28, v12;
	v12 =	vmul.f32 v40, v12  }
0x376: {  	v39 =	vld.idx.msk [tilespmem:v63+s16+$0x0], $0xffff;
	v27 =	vadd.f32 v62, v27;
	v55 =	vmul.f32 v40, v0;
	v21 =	vmul.f32 v33, v21  }
0x377: {  	v37 =	vld.idx.msk [tilespmem:v48+s16+$0x0], $0xffff;
	v23 =	vadd.f32 v49, v23;
	v43 =	vmul.f32 v36, v1;
	v36 =	vmul.f32 v36, v10  }
0x378: {  	v56 =	vld.idx.msk [tilespmem:v52+s16+$0x0], $0xffff;
	v54 =	vmul.f32 v47, v1;
	v22 =	vadd.f32 v25, v22;
	v25 =	vmul.f32 v47, v10  }
0x379: {  	v24 =	vadd.f32 v45, v24;
	v10 =	vmul.f32 v35, v10;
	v35 =	vmul.f32 v35, v1  }
0x37a: {  	v30 =	vld.idx.msk [tilespmem:v50+s16+$0x0], $0xffff;
	v58 =	vmul.f32 v41, v2;
	v59 =	vmul.f32 v41, v9;
	v38 =	vadd.f32 v43, v51  }
0x37b: {  	v13 =	vld.idx.msk [tilespmem:v13+s16+$0x0], $0xffff;
	v34 =	vadd.f32 v36, v34;
	v57 =	vmul.f32 v39, v2;
	v39 =	vmul.f32 v39, v9  }
0x37c: {  	v29 =	vadd.f32 v54, v53;
	v60 =	vmul.f32 v37, v2;
	v9 =	vmul.f32 v37, v9  }
0x37d: {  	v62 =	vmul.f32 v56, v3;
	v25 =	vadd.f32 v25, v28;
	v35 =	vadd.f32 v35, v55  }
0x37e: {  	v63 =	vmul.f32 v56, v8;
	v10 =	vadd.f32 v10, v12;
	v28 =	vadd.f32 v57, v38  }
0x37f: {  	v34 =	vadd.f32 v39, v34;
	v12 =	vadd.f32 v58, v29;
	v61 =	vmul.f32 v30, v8  }
0x380: {  	v38 =	vmul.f32 v13, v3;
	v25 =	vadd.f32 v59, v25;
	v29 =	vadd.f32 v60, v35  }
0x381: {  	v8 =	vmul.f32 v13, v8;
	v9 =	vadd.f32 v9, v10;
	v34 =	vadd.f32 v61, v34  }
0x382: {  	v40 =	vmul.f32 v30, v3;
	v12 =	vadd.f32 v62, v12;
	v10 =	vadd.f32 v63, v25  }
0x383: {  	v39 =	vadd.f32 v38, v29;
	v8 =	vadd.f32 v8, v9;
	v41 =	vmul.f32 v34, v7  }
0x384: {  	v25 =	vadd.f32 v40, v28;
	v42 =	vmul.f32 v12, v11;
	v10 =	vmul.f32 v10, v7  }
0x385: {  	v21 =	vadd.f32 v21, v31;
	v8 =	vmul.f32 v8, v7;
	v29 =	vmul.f32 v39, v11  }
0x386: {  	v11 =	vmul.f32 v25, v11;
	v43 =	vadd.f32 v42, v24;
	v10 =	vadd.f32 v10, v22  }
0x387: {  	v8 =	vadd.f32 v8, v23;
	v21 =	vadd.f32 v29, v21  }
0x388: {  	v9 =	vadd.f32 v41, v26;
	v11 =	vadd.f32 v11, v27  }
0x389: {  	v44 =	vmul.f32 v21, v10;
	v24 =	vmul.f32 v8, v43  }
0x38a: {  	v8 =	vmul.f32 v8, v11;
	v21 =	vmul.f32 v21, v9  }
0x38b: {  	v9 =	vmul.f32 v43, v9  }
0x38c: {  	v10 =	vmul.f32 v10, v11;
	v23 =	vsub.f32 v44, v24;
	v8 =	vsub.f32 v8, v21;
	_ =	sdelay $0x1  }
0x38d: {  	v9 =	vsub.f32 v9, v10;
	v45 =	vmul.f32 v23, v23;
	v46 =	vmul.f32 v8, v8;
	_ =	sdelay $0x1  }
0x38e: {  	v47 =	vmul.f32 v9, v9;
	v10 =	vadd.f32 v46, v45;
	_ =	sdelay $0x1  }
0x38f: {  	v10 =	vadd.f32 v10, v47;
	_ =	sdelay $0x1  }
0x390: {  	v11 =	vshrl.u32 v10, $0x1;
	v10 =	vmul.f32 $5.000000000e-01, v10  }
0x391: {  	v11 =	vsub.s32 $0x5F3759DF, v11  }
0x392: {  	v48 =	vmul.f32 v11, v10;
	_ =	sdelay $0x1  }
0x393: {  	v14 =	vmul.f32 v14, v4;
	v21 =	vmul.f32 v11, v48  }
0x394: {  	v15 =	vmul.f32 v15, v4;
	v17 =	vmul.f32 v17, v5  }
0x395: {  	v16 =	vmul.f32 v16, v4;
	v18 =	vmul.f32 v18, v5;
	v21 =	vsub.f32 $1.500000000e+00, v21  }
0x396: {  	v19 =	vmul.f32 v19, v5;
	v14 =	vadd.f32 v17, v14;
	v49 =	vmul.f32 v20, v6  }
0x397: {  	v15 =	vadd.f32 v18, v15;
	v50 =	vmul.f32 v32, v6;
	v11 =	vmul.f32 v11, v21  }
0x398: {  	v16 =	vadd.f32 v19, v16;
	v0 =	vadd.f32 v1, v0  }
0x399: {  	v14 =	vadd.f32 v49, v14;
	v15 =	vadd.f32 v50, v15;
	v10 =	vmul.f32 v11, v10  }
0x39a: {  	v51 =	vmul.f32 v33, v6;
	v53 =	vadd.f32 v2, v3;
	v56 =	vadd.f32 v6, v7  }
0x39b: {  	v55 =	vadd.f32 v5, v4;
	v52 =	vmul.f32 v25, v7;
	v54 =	vmul.f32 v10, v11  }
0x39c: {  	v16 =	vadd.f32 v51, v16;
	v0 =	vadd.f32 v53, v0;
	v12 =	vmul.f32 v12, v7  }
0x39d: {  	v58 =	vmul.f32 v39, v7;
	v14 =	vadd.f32 v52, v14;
	v2 =	vsub.f32 $1.500000000e+00, v54  }
0x39e: {  	v59 =	vadd.f32 v56, v55;
	v57 =	vadd.f32 v12, v15  }
0x39f: {  	s21 =	sadd.s32 $0x10, s21;
	v60 =	vadd.f32 v58, v16;
	[tilespmem:s6+$0x0] =	vst v14;
	v2 =	vmul.f32 v2, v11  }
0x3a0: {  	p0 =	slt.u32 s21, $0x1FF0;
	v0 =	vmul.f32 v59, v0;
	[tilespmem:s5+$0x0] =	vst v57  }
.Ltmp1:
0x3a1: {  	[tilespmem:s4+$0x0] =	vst v60;
	v61 =	vmul.f32 v2, v23;
	(pc) =	sbr.rel @p0 .LBB2_3-.Ltmp1, $4  }
0x3a2: {  	[tilespmem:s25+$0x0] =	vst v0;
	v62 =	vmul.f32 v2, v8  }
0x3a3: {  	s8 =	sadd.s32 $0x10, s8;
	s9 =	sadd.s32 $0x10, s9;
	s6 =	sadd.s32 $0x10, s6;
	v63 =	vmul.f32 v2, v9;
	[tilespmem:s24+$0x0] =	vst v61  }
0x3a4: {  	s5 =	sadd.s32 $0x10, s5;
	s4 =	sadd.s32 $0x10, s4;
	s25 =	sadd.s32 $0x10, s25;
	[tilespmem:s23+$0x0] =	vst v62  }
0x3a5: {  	s24 =	sadd.s32 $0x10, s24;
	s23 =	sadd.s32 $0x10, s23;
	[tilespmem:s22+$0x0] =	vst v63;
	s22 =	sadd.s32 $0x10, s22  }
0x3a6: {  	s0 =	simm.s32 $0x7200  }
0x3a7: {  	[hbm4b:s7+s2] =	stream.linear.scatter [tilespmem:s0], [sflag:$0x1], $0x2000, $0x38;
	[tilespmem:$0x15200] =	vst v63  }
0x3a8: {  	s23 =	rddreg [dreg:$0x9];
	s1 =	simm.s32 $0x9200  }
0x3a9: {  	[hbm4b:s23+s2] =	stream.linear.scatter [tilespmem:s1], [sflag:$0x1], $0x2000, $0x38;
	[tilespmem:$0x15200] =	vst v63  }
0x3aa: {  	s24 =	rddreg [dreg:$0xa];
	s25 =	simm.s32 $0xB200  }
0x3ab: {  	[hbm4b:s24+s2] =	stream.linear.scatter [tilespmem:s25], [sflag:$0x1], $0x2000, $0x38;
	[tilespmem:$0x15200] =	vst v63  }
0x3ac: {  	s28 =	simm.s32 $0xD200  }
0x3ad: {  	[hbm4b:s10+s2] =	stream.linear.scatter [tilespmem:s28], [sflag:$0x1], $0x2000, $0x38;
	[tilespmem:$0x15200] =	vst v63  }
0x3ae: {  	s29 =	simm.s32 $0xF200  }
0x3af: {  	[hbm4b:s11+s2] =	stream.linear.scatter [tilespmem:s29], [sflag:$0x1], $0x2000, $0x38;
	[tilespmem:$0x15200] =	vst v63  }
0x3b0: {  	s30 =	simm.s32 $0x11200  }
0x3b1: {  	[hbm4b:s12+s2] =	stream.linear.scatter [tilespmem:s30], [sflag:$0x1], $0x2000, $0x38;
	[tilespmem:$0x15200] =	vst v63  }
0x3b2: {  	s31 =	simm.s32 $0x13200  }
0x3b3: {  	[hbm4b:s13+s2] =	stream.linear.scatter [tilespmem:s31], [sflag:$0x1], $0x2000, $0x38;
	[tilespmem:$0x15200] =	vst v63  }
0x3b4: {  	_ =	swait.ge [sflag:s18], $0x2000  }
0x3b5: {  	[sflag:s18] =	ssyncset.done $0x0  }
0x3b6: {  	[sflag:s18] =	ssyncadd.s32 $0xFFFFE000  }
0x3b7: {  	_ =	swait.ge [sflag:s18], $0x2000  }
0x3b8: {  	[sflag:s18] =	ssyncset.done $0x0  }
0x3b9: {  	[sflag:s18] =	ssyncadd.s32 $0xFFFFE000  }
0x3ba: {  	_ =	swait.ge [sflag:s18], $0x2000  }
0x3bb: {  	[sflag:s18] =	ssyncset.done $0x0  }
0x3bc: {  	[sflag:s18] =	ssyncadd.s32 $0xFFFFE000  }
0x3bd: {  	_ =	swait.ge [sflag:s18], $0x2000  }
0x3be: {  	[sflag:s18] =	ssyncset.done $0x0  }
0x3bf: {  	[sflag:s18] =	ssyncadd.s32 $0xFFFFE000  }
0x3c0: {  	_ =	swait.ge [sflag:s18], $0x2000  }
0x3c1: {  	[sflag:s18] =	ssyncset.done $0x0  }
0x3c2: {  	s26 =	sadd.s32 $0x1, s26;
	[sflag:s18] =	ssyncadd.s32 $0xFFFFE000  }
0x3c3: {  	p0 =	sne.s32 s26, s14;
	_ =	swait.ge [sflag:s18], $0x2000  }
.Ltmp2:
0x3c4: {  	[sflag:s18] =	ssyncset.done $0x0;
	(pc) =	sbr.rel @p0 .LBB2_1-.Ltmp2, $4  }
0x3c5: {  	[sflag:s18] =	ssyncadd.s32 $0xFFFFE000  }
0x3c6: {  	_ =	swait.ge [sflag:s18], $0x2000  }
0x3c7: {  	[sflag:s18] =	ssyncset.done $0x0  }
0x3c8: {  	[sflag:s18] =	ssyncadd.s32 $0xFFFFE000  }
0x3c9: {  	_ =	sfence.sel $0x180000  }
0x3ca: {  	[bflag:$0x0] =	sbarrier.arrive $0xFFFF  }
0x3cb: {  	_ =	strace $0x90000047  }
0x3cc: {  	s0 =	stileid.u32;
	[bflag:$0x2] =	sbarrier.arrive $0xFFFF  }
0x3cd: {  	p0 =	sne.s32 s0, $0x0;
	s0 =	rddreg [dreg:$0x5]  }
0x3ce: {  	s0 =	sadd.s32 @!p0 $0x100000, s0  }
0x3cf: {  	[sflag:s0] =	ssyncadd.tile.s32 @!p0 $0x1;
	_ =	shalt  }
.Lfunc_end2:
_tile_overlayer_lowered:
.L_overlay_start_2:
0x3d0: {  	(tag) =	ssettag $0x2  }
0x3d1: {  	s0 =	rddreg [dreg:$0x0];
	s2 =	stileid.u32  }
0x3d2: {  	s1 =	rddreg [dreg:$0x1];
	p0 =	sne.s32 s2, $0x0  }
0x3d3: {  	s3 =	rddreg [dreg:$0x2];
	[bflag:$0x3] =	sbarrier.arrive $0xFFFF;
	s2 =	simm.s32 @!p0 $0x1C02  }
0x3d4: {  	[timem:s3], [sflag:s2] =	dma.local @!p0 [hbm:s0], s1  }
0x3d5: {  	s0 =	simm.s32 @!p0 $0x2  }
0x3d6: {  	_ =	swait.ge @!p0 [sflag:s0], s1  }
0x3d7: {  	s1 =	ssub.s32 @!p0 $0x0, s1;
	[sflag:s0] =	ssyncset.done @!p0 $0x0  }
0x3d8: {  	[sflag:s0] =	ssyncadd.s32 @!p0 s1  }
0x3d9: {  	[bflag:$0x3] =	sbarrier.arrive $0xFFFF  }
0x3da: {  	_ =	shalt  }

</sc_bundles>
